<compile_context>
chip_gen: v7x
topology: tpu7x:2x2x1
jax: 0.10.2.dev20260603
libtpu: 0.0.44.dev20260713+nightly
codegen_flags: <defaults>
</compile_context>

<pallas_src>
import functools

import jax
import jax.numpy as jnp
from jax import lax
from jax.experimental import pallas as pl
from jax.experimental.pallas import tpu as pltpu
from jax.experimental.pallas import tpu_sc as plsc

N = 50000
NTILES = 16
CHUNK = 3136
NPAD = NTILES * CHUNK
NVEC = CHUNK // 16
PAD_DATE = 50
LN2 = 0.6931471805599453


def _vlog(x):
    bits = plsc.bitcast(x, jnp.int32)
    e = lax.shift_right_arithmetic(bits, 23) - 127
    mb = lax.bitwise_or(lax.bitwise_and(bits, 0x007FFFFF), 0x3F800000)
    m = plsc.bitcast(mb, jnp.float32)
    big = m > 1.41421356
    m = jnp.where(big, m * 0.5, m)
    ef = e.astype(jnp.float32) + jnp.where(big, 1.0, 0.0)
    t = (m - 1.0) / (m + 1.0)
    t2 = t * t
    p = jnp.float32(1.0 / 9.0)
    for c in (1.0 / 7.0, 1.0 / 5.0, 1.0 / 3.0, 1.0):
        p = p * t2 + c
    return ef * LN2 + 2.0 * t * p


def _sc_body(p_hbm, d_hbm, out_hbm,
             p_v, d_v, tblf_v, row_v, tbl_v, rs_v, g_v, out_v,
             acc_sh, fin_sh):
    sid = lax.axis_index("s")
    base = sid * CHUNK
    pltpu.sync_copy(p_hbm.at[pl.ds(base, CHUNK)], p_v)
    pltpu.sync_copy(d_hbm.at[pl.ds(base, CHUNK)], d_v)

    zero16 = jnp.zeros((16,), jnp.float32)
    ones16 = jnp.ones((16,), jnp.float32)
    lane = lax.iota(jnp.int32, 16)

    for c in range(128):
        tblf_v[pl.ds(c * 16, 16)] = zero16

    def body_a(i, carry):
        off = i * 16
        p = p_v[pl.ds(off, 16)]
        d = d_v[pl.ds(off, 16)]
        flat = lane * 64 + d
        plsc.addupdate_scatter(tblf_v, [flat], ones16)
        plsc.addupdate_scatter(tblf_v, [flat + 1024], jnp.exp(p))
        return carry

    lax.fori_loop(0, NVEC, body_a, 0)

    for c4 in range(4):
        nacc = zero16
        sacc = zero16
        for ln in range(16):
            nacc = nacc + tblf_v[pl.ds(ln * 64 + c4 * 16, 16)]
            sacc = sacc + tblf_v[pl.ds(1024 + ln * 64 + c4 * 16, 16)]
        row_v[pl.ds(c4 * 16, 16)] = nacc
        row_v[pl.ds(64 + c4 * 16, 16)] = sacc
    pltpu.sync_copy(row_v, acc_sh.at[sid])
    plsc.subcore_barrier()
    pltpu.sync_copy(acc_sh, tbl_v)

    a_f = zero16
    v_f = zero16
    for c4 in range(4):
        nacc = zero16
        sacc = zero16
        for r in range(16):
            nacc = nacc + tbl_v[r, pl.ds(c4 * 16, 16)]
            sacc = sacc + tbl_v[r, pl.ds(64 + c4 * 16, 16)]
        didx = lane + c4 * 16
        valid = jnp.logical_and(didx < PAD_DATE, nacc >= 2.0)
        g = jnp.where(valid, 1.0 / jnp.maximum(nacc, 1.0), 0.0)
        rs = 1.0 / jnp.maximum(sacc, 1e-30)
        rs_v[pl.ds(c4 * 16, 16)] = rs
        g_v[pl.ds(c4 * 16, 16)] = g
        a_f = a_f + jnp.where(valid, -_vlog(jnp.maximum(nacc, 1.0)), 0.0)
        v_f = v_f + jnp.where(valid, ones16, zero16)
    a_sum = jnp.sum(a_f)
    v_sum = jnp.sum(v_f)

    def body_b(i, acc):
        off = i * 16
        p = p_v[pl.ds(off, 16)]
        d = d_v[pl.ds(off, 16)]
        rs = plsc.load_gather(rs_v, [d])
        g = plsc.load_gather(g_v, [d])
        x = jnp.exp(p) * rs + 1e-8
        return acc + _vlog(x) * g

    accv = lax.fori_loop(0, NVEC, body_b, zero16)
    row_v[pl.ds(0, 16)] = accv
    pltpu.sync_copy(row_v, fin_sh.at[sid])
    plsc.subcore_barrier()

    @pl.when(sid == 0)
    def _():
        pltpu.sync_copy(fin_sh, tbl_v)
        tot = zero16
        for r in range(16):
            tot = tot + tbl_v[r, pl.ds(0, 16)]
        t_sum = jnp.sum(tot)
        num = jnp.full((16,), a_sum - t_sum)
        den = jnp.full((16,), jnp.maximum(v_sum, 1.0))
        out_v[pl.ds(0, 16)] = num / den
        pltpu.sync_copy(out_v, out_hbm)


@jax.jit
def _sc_call(p, d):
    mesh = plsc.VectorSubcoreMesh(
        core_axis_name="c", subcore_axis_name="s", num_cores=1)
    f = pl.kernel(
        _sc_body,
        out_type=jax.ShapeDtypeStruct((16,), jnp.float32),
        mesh=mesh,
        compiler_params=pltpu.CompilerParams(needs_layout_passes=False),
        scratch_types=[
            pltpu.VMEM((CHUNK,), jnp.float32),
            pltpu.VMEM((CHUNK,), jnp.int32),
            pltpu.VMEM((2048,), jnp.float32),
            pltpu.VMEM((128,), jnp.float32),
            pltpu.VMEM((16, 128), jnp.float32),
            pltpu.VMEM((64,), jnp.float32),
            pltpu.VMEM((64,), jnp.float32),
            pltpu.VMEM((16,), jnp.float32),
            pltpu.VMEM_SHARED((16, 128), jnp.float32),
            pltpu.VMEM_SHARED((16, 128), jnp.float32),
        ],
    )
    return f(p, d)


def kernel(predictions, targets, dates):
    del targets
    p = jnp.concatenate(
        [predictions[:, 0], jnp.zeros((NPAD - N,), jnp.float32)])
    d = jnp.concatenate(
        [dates, jnp.full((NPAD - N,), PAD_DATE, jnp.int32)])
    return _sc_call(p, d)[0]

# --- scband reference (transcript-rebuilt; emitter-appended) ---
"""Pipeline reference for scband-ranking-loss-37349035606074 (READ-ONLY COPY).

The authoritative reference and input builder live on the scoring server;
editing this copy changes nothing except your own understanding.
"""

import jax, jax.numpy as jnp
import numpy as np

TEMPERATURE = 1.0


def setup_inputs(seed: int = 0) -> dict:
    key = jax.random.key(seed)
    k1, k2, k3 = jax.random.split(key, 3)
    predictions = jax.random.normal(k1, (50000, 1), dtype=jnp.float32)
    targets = jax.random.normal(k2, (50000, 1), dtype=jnp.float32)
    dates = jax.random.randint(k3, (50000,), 0, 50, dtype=jnp.int32)
    return {"predictions": predictions, "targets": targets, "dates": dates}


def reference(predictions, targets, dates):
    num_dates = 50  # static upper bound of jax.random.randint in setup_inputs
    pred_scores = predictions / TEMPERATURE
    # torch.argsort default dim=-1: argsort(argsort(x, descending=True)) along last axis
    r1 = jnp.argsort(-targets, axis=-1)
    target_ranks = jnp.argsort(r1, axis=-1)
    target_scores = -target_ranks.astype(jnp.float32) / TEMPERATURE

    def body(d, carry):
        total_loss, valid_dates = carry
        mask = (dates == d)[:, None]
        n = jnp.sum(jnp.where(mask, jnp.float32(1.0), jnp.float32(0.0)))
        # softmax over the cross-section (dim=0), matching torch.softmax(..., dim=0)
        p_max = jnp.max(jnp.where(mask, pred_scores, -jnp.inf))
        p_exp = jnp.where(mask, jnp.exp(pred_scores - p_max), jnp.float32(0.0))
        pred_probs = p_exp / jnp.sum(p_exp)
        t_max = jnp.max(jnp.where(mask, target_scores, -jnp.inf))
        t_exp = jnp.where(mask, jnp.exp(target_scores - t_max), jnp.float32(0.0))
        target_probs = t_exp / jnp.sum(t_exp)
        # torch.nn.functional.kl_div(log_input, target, reduction='sum')
        #   = sum(target * (log(target) - log_input))
        log_pred = jnp.log(pred_probs + 1e-08)
        log_target = jnp.log(jnp.where(mask, target_probs, jnp.float32(1.0)))
        term = jnp.where(mask, target_probs * (log_target - log_pred), jnp.float32(0.0))
        loss = jnp.sum(term)
        valid = n >= jnp.float32(2.0)
        total_loss = total_loss + jnp.where(valid, loss, jnp.float32(0.0))
        valid_dates = valid_dates + jnp.where(valid, jnp.int32(1), jnp.int32(0))
        return total_loss, valid_dates

    total_loss, valid_dates = jax.lax.fori_loop(
        0, num_dates, body, (jnp.float32(0.0), jnp.int32(0))
    )
    return total_loss / jnp.maximum(valid_dates, 1)

if __name__ == "__main__":
    import jax
    _d = setup_inputs()
    print(jax.jit(kernel)(*tuple(_d.values())))

</pallas_src>

<mosaic_0001>
#map = affine_map<(d0, d1) -> (0)>
module attributes {stable_mosaic.version = 14 : i64} {
  func.func @_sc_body(%arg0: i32, %arg1: i32, %arg2: memref<50176xf32, #tpu.memory_space<hbm>>, %arg3: memref<50176xi32, #tpu.memory_space<hbm>>, %arg4: memref<16xf32, #tpu.memory_space<hbm>>, %arg5: memref<3136xf32, #tpu.memory_space<vmem>>, %arg6: memref<3136xi32, #tpu.memory_space<vmem>>, %arg7: memref<2048xf32, #tpu.memory_space<vmem>>, %arg8: memref<128xf32, #tpu.memory_space<vmem>>, %arg9: memref<16x128xf32, #tpu.memory_space<vmem>>, %arg10: memref<64xf32, #tpu.memory_space<vmem>>, %arg11: memref<64xf32, #tpu.memory_space<vmem>>, %arg12: memref<16xf32, #tpu.memory_space<vmem>>, %arg13: memref<16x128xf32, #tpu.memory_space<vmem_shared>>, %arg14: memref<16x128xf32, #tpu.memory_space<vmem_shared>>) attributes {dimension_semantics = [#tpu.dimension_semantics<core_parallel>, #tpu.dimension_semantics<subcore_parallel>], iteration_bounds = array<i64: 1, 16>, scalar_prefetch = 0 : i64, scratch_operands = 10 : i64, tpu.core_type = #tpu.core_type<sc_vector_subcore>, window_params = [{transform_indices = #map}, {transform_indices = #map}, {transform_indices = #map}]} {
    %mul3A = arith.constant 3136 : i32
    %mul3A_0 = arith.muli %arg1, %mul3A : i32
    "tpu.region"() ({
      %run_scoped3A = tpu.sem_alloc : memref<!tpu.dma_semaphore, #tpu.memory_space<semaphore_mem>>
      %dma_start3A = tpu.memref_slice %arg2[%mul3A_0] : memref<50176xf32, #tpu.memory_space<hbm>> -> memref<3136xf32, #tpu.memory_space<hbm>>
      %dma_start3A_1719 = tpu.memref_slice %arg2[%mul3A_0] : memref<50176xf32, #tpu.memory_space<hbm>> -> memref<3136xf32, #tpu.memory_space<hbm>>
      tpu.enqueue_dma source(%dma_start3A_1719 : memref<3136xf32, #tpu.memory_space<hbm>>) target(%arg5 : memref<3136xf32, #tpu.memory_space<vmem>>) target_semaphore(%run_scoped3A : memref<!tpu.dma_semaphore, #tpu.memory_space<semaphore_mem>>)
      %dma_wait3A = tpu.memref_slice %arg2[%mul3A_0] : memref<50176xf32, #tpu.memory_space<hbm>> -> memref<3136xf32, #tpu.memory_space<hbm>>
      %dma_wait3A_1720 = tpu.memref_slice %arg2[%mul3A_0] : memref<50176xf32, #tpu.memory_space<hbm>> -> memref<3136xf32, #tpu.memory_space<hbm>>
      tpu.wait_dma2 semaphore(%run_scoped3A : memref<!tpu.dma_semaphore, #tpu.memory_space<semaphore_mem>>) src(%dma_wait3A_1720 : memref<3136xf32, #tpu.memory_space<hbm>>) dst(%arg5 : memref<3136xf32, #tpu.memory_space<vmem>>)
      tpu.yield
    }) : () -> ()
    "tpu.region"() ({
      %run_scoped3A = tpu.sem_alloc : memref<!tpu.dma_semaphore, #tpu.memory_space<semaphore_mem>>
      %dma_start3A = tpu.memref_slice %arg3[%mul3A_0] : memref<50176xi32, #tpu.memory_space<hbm>> -> memref<3136xi32, #tpu.memory_space<hbm>>
      %dma_start3A_1719 = tpu.memref_slice %arg3[%mul3A_0] : memref<50176xi32, #tpu.memory_space<hbm>> -> memref<3136xi32, #tpu.memory_space<hbm>>
      tpu.enqueue_dma source(%dma_start3A_1719 : memref<3136xi32, #tpu.memory_space<hbm>>) target(%arg6 : memref<3136xi32, #tpu.memory_space<vmem>>) target_semaphore(%run_scoped3A : memref<!tpu.dma_semaphore, #tpu.memory_space<semaphore_mem>>)
      %dma_wait3A = tpu.memref_slice %arg3[%mul3A_0] : memref<50176xi32, #tpu.memory_space<hbm>> -> memref<3136xi32, #tpu.memory_space<hbm>>
      %dma_wait3A_1720 = tpu.memref_slice %arg3[%mul3A_0] : memref<50176xi32, #tpu.memory_space<hbm>> -> memref<3136xi32, #tpu.memory_space<hbm>>
      tpu.wait_dma2 semaphore(%run_scoped3A : memref<!tpu.dma_semaphore, #tpu.memory_space<semaphore_mem>>) src(%dma_wait3A_1720 : memref<3136xi32, #tpu.memory_space<hbm>>) dst(%arg6 : memref<3136xi32, #tpu.memory_space<vmem>>)
      tpu.yield
    }) : () -> ()
    %broadcast_in_dim3A = arith.constant 0.000000e+00 : f32
    %broadcast_in_dim3A_1 = vector.broadcast %broadcast_in_dim3A : f32 to vector<16xf32>
    %broadcast_in_dim3A_2 = arith.constant 1.000000e+00 : f32
    %broadcast_in_dim3A_3 = vector.broadcast %broadcast_in_dim3A_2 : f32 to vector<16xf32>
    %iota3A = tpu.iota {dimensions = array<i32: 0>} : vector<16xi32>
    %swap3A = arith.constant 0 : index
    %swap3A_4 = tpu.vector_load %arg7[%swap3A] {strides = array<i32>} : memref<2048xf32, #tpu.memory_space<vmem>>, vector<16xf32>,
    tpu.vector_store %arg7[%swap3A], %broadcast_in_dim3A_1 {strides = array<i32>} : memref<2048xf32, #tpu.memory_space<vmem>>, vector<16xf32>,
    %swap3A_5 = arith.constant 16 : index
    %swap3A_6 = tpu.vector_load %arg7[%swap3A_5] {strides = array<i32>} : memref<2048xf32, #tpu.memory_space<vmem>>, vector<16xf32>,
    tpu.vector_store %arg7[%swap3A_5], %broadcast_in_dim3A_1 {strides = array<i32>} : memref<2048xf32, #tpu.memory_space<vmem>>, vector<16xf32>,
    %swap3A_7 = arith.constant 32 : index
    %swap3A_8 = tpu.vector_load %arg7[%swap3A_7] {strides = array<i32>} : memref<2048xf32, #tpu.memory_space<vmem>>, vector<16xf32>,
    tpu.vector_store %arg7[%swap3A_7], %broadcast_in_dim3A_1 {strides = array<i32>} : memref<2048xf32, #tpu.memory_space<vmem>>, vector<16xf32>,
    %swap3A_9 = arith.constant 48 : index
    %swap3A_10 = tpu.vector_load %arg7[%swap3A_9] {strides = array<i32>} : memref<2048xf32, #tpu.memory_space<vmem>>, vector<16xf32>,
    tpu.vector_store %arg7[%swap3A_9], %broadcast_in_dim3A_1 {strides = array<i32>} : memref<2048xf32, #tpu.memory_space<vmem>>, vector<16xf32>,
    %swap3A_11 = arith.constant 64 : index
    %swap3A_12 = tpu.vector_load %arg7[%swap3A_11] {strides = array<i32>} : memref<2048xf32, #tpu.memory_space<vmem>>, vector<16xf32>,
    tpu.vector_store %arg7[%swap3A_11], %broadcast_in_dim3A_1 {strides = array<i32>} : memref<2048xf32, #tpu.memory_space<vmem>>, vector<16xf32>,
    %swap3A_13 = arith.constant 80 : index
    %swap3A_14 = tpu.vector_load %arg7[%swap3A_13] {strides = array<i32>} : memref<2048xf32, #tpu.memory_space<vmem>>, vector<16xf32>,
    tpu.vector_store %arg7[%swap3A_13], %broadcast_in_dim3A_1 {strides = array<i32>} : memref<2048xf32, #tpu.memory_space<vmem>>, vector<16xf32>,
    %swap3A_15 = arith.constant 96 : index
    %swap3A_16 = tpu.vector_load %arg7[%swap3A_15] {strides = array<i32>} : memref<2048xf32, #tpu.memory_space<vmem>>, vector<16xf32>,
    tpu.vector_store %arg7[%swap3A_15], %broadcast_in_dim3A_1 {strides = array<i32>} : memref<2048xf32, #tpu.memory_space<vmem>>, vector<16xf32>,
    %swap3A_17 = arith.constant 112 : index
    %swap3A_18 = tpu.vector_load %arg7[%swap3A_17] {strides = array<i32>} : memref<2048xf32, #tpu.memory_space<vmem>>, vector<16xf32>,
    tpu.vector_store %arg7[%swap3A_17], %broadcast_in_dim3A_1 {strides = array<i32>} : memref<2048xf32, #tpu.memory_space<vmem>>, vector<16xf32>,
    %swap3A_19 = arith.constant 128 : index
    %swap3A_20 = tpu.vector_load %arg7[%swap3A_19] {strides = array<i32>} : memref<2048xf32, #tpu.memory_space<vmem>>, vector<16xf32>,
    tpu.vector_store %arg7[%swap3A_19], %broadcast_in_dim3A_1 {strides = array<i32>} : memref<2048xf32, #tpu.memory_space<vmem>>, vector<16xf32>,
    %swap3A_21 = arith.constant 144 : index
    %swap3A_22 = tpu.vector_load %arg7[%swap3A_21] {strides = array<i32>} : memref<2048xf32, #tpu.memory_space<vmem>>, vector<16xf32>,
    tpu.vector_store %arg7[%swap3A_21], %broadcast_in_dim3A_1 {strides = array<i32>} : memref<2048xf32, #tpu.memory_space<vmem>>, vector<16xf32>,
    %swap3A_23 = arith.constant 160 : index
    %swap3A_24 = tpu.vector_load %arg7[%swap3A_23] {strides = array<i32>} : memref<2048xf32, #tpu.memory_space<vmem>>, vector<16xf32>,
    tpu.vector_store %arg7[%swap3A_23], %broadcast_in_dim3A_1 {strides = array<i32>} : memref<2048xf32, #tpu.memory_space<vmem>>, vector<16xf32>,
    %swap3A_25 = arith.constant 176 : index
    %swap3A_26 = tpu.vector_load %arg7[%swap3A_25] {strides = array<i32>} : memref<2048xf32, #tpu.memory_space<vmem>>, vector<16xf32>,
    tpu.vector_store %arg7[%swap3A_25], %broadcast_in_dim3A_1 {strides = array<i32>} : memref<2048xf32, #tpu.memory_space<vmem>>, vector<16xf32>,
    %swap3A_27 = arith.constant 192 : index
    %swap3A_28 = tpu.vector_load %arg7[%swap3A_27] {strides = array<i32>} : memref<2048xf32, #tpu.memory_space<vmem>>, vector<16xf32>,
    tpu.vector_store %arg7[%swap3A_27], %broadcast_in_dim3A_1 {strides = array<i32>} : memref<2048xf32, #tpu.memory_space<vmem>>, vector<16xf32>,
    %swap3A_29 = arith.constant 208 : index
    %swap3A_30 = tpu.vector_load %arg7[%swap3A_29] {strides = array<i32>} : memref<2048xf32, #tpu.memory_space<vmem>>, vector<16xf32>,
    tpu.vector_store %arg7[%swap3A_29], %broadcast_in_dim3A_1 {strides = array<i32>} : memref<2048xf32, #tpu.memory_space<vmem>>, vector<16xf32>,
    %swap3A_31 = arith.constant 224 : index
    %swap3A_32 = tpu.vector_load %arg7[%swap3A_31] {strides = array<i32>} : memref<2048xf32, #tpu.memory_space<vmem>>, vector<16xf32>,
    tpu.vector_store %arg7[%swap3A_31], %broadcast_in_dim3A_1 {strides = array<i32>} : memref<2048xf32, #tpu.memory_space<vmem>>, vector<16xf32>,
    %swap3A_33 = arith.constant 240 : index
    %swap3A_34 = tpu.vector_load %arg7[%swap3A_33] {strides = array<i32>} : memref<2048xf32, #tpu.memory_space<vmem>>, vector<16xf32>,
    tpu.vector_store %arg7[%swap3A_33], %broadcast_in_dim3A_1 {strides = array<i32>} : memref<2048xf32, #tpu.memory_space<vmem>>, vector<16xf32>,
    %swap3A_35 = arith.constant 256 : index
    %swap3A_36 = tpu.vector_load %arg7[%swap3A_35] {strides = array<i32>} : memref<2048xf32, #tpu.memory_space<vmem>>, vector<16xf32>,
    tpu.vector_store %arg7[%swap3A_35], %broadcast_in_dim3A_1 {strides = array<i32>} : memref<2048xf32, #tpu.memory_space<vmem>>, vector<16xf32>,
    %swap3A_37 = arith.constant 272 : index
    %swap3A_38 = tpu.vector_load %arg7[%swap3A_37] {strides = array<i32>} : memref<2048xf32, #tpu.memory_space<vmem>>, vector<16xf32>,
    tpu.vector_store %arg7[%swap3A_37], %broadcast_in_dim3A_1 {strides = array<i32>} : memref<2048xf32, #tpu.memory_space<vmem>>, vector<16xf32>,
    %swap3A_39 = arith.constant 288 : index
    %swap3A_40 = tpu.vector_load %arg7[%swap3A_39] {strides = array<i32>} : memref<2048xf32, #tpu.memory_space<vmem>>, vector<16xf32>,
    tpu.vector_store %arg7[%swap3A_39], %broadcast_in_dim3A_1 {strides = array<i32>} : memref<2048xf32, #tpu.memory_space<vmem>>, vector<16xf32>,
    %swap3A_41 = arith.constant 304 : index
    %swap3A_42 = tpu.vector_load %arg7[%swap3A_41] {strides = array<i32>} : memref<2048xf32, #tpu.memory_space<vmem>>, vector<16xf32>,
    tpu.vector_store %arg7[%swap3A_41], %broadcast_in_dim3A_1 {strides = array<i32>} : memref<2048xf32, #tpu.memory_space<vmem>>, vector<16xf32>,
    %swap3A_43 = arith.constant 320 : index
    %swap3A_44 = tpu.vector_load %arg7[%swap3A_43] {strides = array<i32>} : memref<2048xf32, #tpu.memory_space<vmem>>, vector<16xf32>,
    tpu.vector_store %arg7[%swap3A_43], %broadcast_in_dim3A_1 {strides = array<i32>} : memref<2048xf32, #tpu.memory_space<vmem>>, vector<16xf32>,
    %swap3A_45 = arith.constant 336 : index
    %swap3A_46 = tpu.vector_load %arg7[%swap3A_45] {strides = array<i32>} : memref<2048xf32, #tpu.memory_space<vmem>>, vector<16xf32>,
    tpu.vector_store %arg7[%swap3A_45], %broadcast_in_dim3A_1 {strides = array<i32>} : memref<2048xf32, #tpu.memory_space<vmem>>, vector<16xf32>,
    %swap3A_47 = arith.constant 352 : index
    %swap3A_48 = tpu.vector_load %arg7[%swap3A_47] {strides = array<i32>} : memref<2048xf32, #tpu.memory_space<vmem>>, vector<16xf32>,
    tpu.vector_store %arg7[%swap3A_47], %broadcast_in_dim3A_1 {strides = array<i32>} : memref<2048xf32, #tpu.memory_space<vmem>>, vector<16xf32>,
    %swap3A_49 = arith.constant 368 : index
    %swap3A_50 = tpu.vector_load %arg7[%swap3A_49] {strides = array<i32>} : memref<2048xf32, #tpu.memory_space<vmem>>, vector<16xf32>,
    tpu.vector_store %arg7[%swap3A_49], %broadcast_in_dim3A_1 {strides = array<i32>} : memref<2048xf32, #tpu.memory_space<vmem>>, vector<16xf32>,
    %swap3A_51 = arith.constant 384 : index
    %swap3A_52 = tpu.vector_load %arg7[%swap3A_51] {strides = array<i32>} : memref<2048xf32, #tpu.memory_space<vmem>>, vector<16xf32>,
    tpu.vector_store %arg7[%swap3A_51], %broadcast_in_dim3A_1 {strides = array<i32>} : memref<2048xf32, #tpu.memory_space<vmem>>, vector<16xf32>,
    %swap3A_53 = arith.constant 400 : index
    %swap3A_54 = tpu.vector_load %arg7[%swap3A_53] {strides = array<i32>} : memref<2048xf32, #tpu.memory_space<vmem>>, vector<16xf32>,
    tpu.vector_store %arg7[%swap3A_53], %broadcast_in_dim3A_1 {strides = array<i32>} : memref<2048xf32, #tpu.memory_space<vmem>>, vector<16xf32>,
    %swap3A_55 = arith.constant 416 : index
    %swap3A_56 = tpu.vector_load %arg7[%swap3A_55] {strides = array<i32>} : memref<2048xf32, #tpu.memory_space<vmem>>, vector<16xf32>,
    tpu.vector_store %arg7[%swap3A_55], %broadcast_in_dim3A_1 {strides = array<i32>} : memref<2048xf32, #tpu.memory_space<vmem>>, vector<16xf32>,
    %swap3A_57 = arith.constant 432 : index
    %swap3A_58 = tpu.vector_load %arg7[%swap3A_57] {strides = array<i32>} : memref<2048xf32, #tpu.memory_space<vmem>>, vector<16xf32>,
    tpu.vector_store %arg7[%swap3A_57], %broadcast_in_dim3A_1 {strides = array<i32>} : memref<2048xf32, #tpu.memory_space<vmem>>, vector<16xf32>,
    %swap3A_59 = arith.constant 448 : index
    %swap3A_60 = tpu.vector_load %arg7[%swap3A_59] {strides = array<i32>} : memref<2048xf32, #tpu.memory_space<vmem>>, vector<16xf32>,
    tpu.vector_store %arg7[%swap3A_59], %broadcast_in_dim3A_1 {strides = array<i32>} : memref<2048xf32, #tpu.memory_space<vmem>>, vector<16xf32>,
    %swap3A_61 = arith.constant 464 : index
    %swap3A_62 = tpu.vector_load %arg7[%swap3A_61] {strides = array<i32>} : memref<2048xf32, #tpu.memory_space<vmem>>, vector<16xf32>,
    tpu.vector_store %arg7[%swap3A_61], %broadcast_in_dim3A_1 {strides = array<i32>} : memref<2048xf32, #tpu.memory_space<vmem>>, vector<16xf32>,
    %swap3A_63 = arith.constant 480 : index
    %swap3A_64 = tpu.vector_load %arg7[%swap3A_63] {strides = array<i32>} : memref<2048xf32, #tpu.memory_space<vmem>>, vector<16xf32>,
    tpu.vector_store %arg7[%swap3A_63], %broadcast_in_dim3A_1 {strides = array<i32>} : memref<2048xf32, #tpu.memory_space<vmem>>, vector<16xf32>,
    %swap3A_65 = arith.constant 496 : index
    %swap3A_66 = tpu.vector_load %arg7[%swap3A_65] {strides = array<i32>} : memref<2048xf32, #tpu.memory_space<vmem>>, vector<16xf32>,
    tpu.vector_store %arg7[%swap3A_65], %broadcast_in_dim3A_1 {strides = array<i32>} : memref<2048xf32, #tpu.memory_space<vmem>>, vector<16xf32>,
    %swap3A_67 = arith.constant 512 : index
    %swap3A_68 = tpu.vector_load %arg7[%swap3A_67] {strides = array<i32>} : memref<2048xf32, #tpu.memory_space<vmem>>, vector<16xf32>,
    tpu.vector_store %arg7[%swap3A_67], %broadcast_in_dim3A_1 {strides = array<i32>} : memref<2048xf32, #tpu.memory_space<vmem>>, vector<16xf32>,
    %swap3A_69 = arith.constant 528 : index
    %swap3A_70 = tpu.vector_load %arg7[%swap3A_69] {strides = array<i32>} : memref<2048xf32, #tpu.memory_space<vmem>>, vector<16xf32>,
    tpu.vector_store %arg7[%swap3A_69], %broadcast_in_dim3A_1 {strides = array<i32>} : memref<2048xf32, #tpu.memory_space<vmem>>, vector<16xf32>,
    %swap3A_71 = arith.constant 544 : index
    %swap3A_72 = tpu.vector_load %arg7[%swap3A_71] {strides = array<i32>} : memref<2048xf32, #tpu.memory_space<vmem>>, vector<16xf32>,
    tpu.vector_store %arg7[%swap3A_71], %broadcast_in_dim3A_1 {strides = array<i32>} : memref<2048xf32, #tpu.memory_space<vmem>>, vector<16xf32>,
    %swap3A_73 = arith.constant 560 : index
    %swap3A_74 = tpu.vector_load %arg7[%swap3A_73] {strides = array<i32>} : memref<2048xf32, #tpu.memory_space<vmem>>, vector<16xf32>,
    tpu.vector_store %arg7[%swap3A_73], %broadcast_in_dim3A_1 {strides = array<i32>} : memref<2048xf32, #tpu.memory_space<vmem>>, vector<16xf32>,
    %swap3A_75 = arith.constant 576 : index
    %swap3A_76 = tpu.vector_load %arg7[%swap3A_75] {strides = array<i32>} : memref<2048xf32, #tpu.memory_space<vmem>>, vector<16xf32>,
    tpu.vector_store %arg7[%swap3A_75], %broadcast_in_dim3A_1 {strides = array<i32>} : memref<2048xf32, #tpu.memory_space<vmem>>, vector<16xf32>,
    %swap3A_77 = arith.constant 592 : index
    %swap3A_78 = tpu.vector_load %arg7[%swap3A_77] {strides = array<i32>} : memref<2048xf32, #tpu.memory_space<vmem>>, vector<16xf32>,
    tpu.vector_store %arg7[%swap3A_77], %broadcast_in_dim3A_1 {strides = array<i32>} : memref<2048xf32, #tpu.memory_space<vmem>>, vector<16xf32>,
    %swap3A_79 = arith.constant 608 : index
    %swap3A_80 = tpu.vector_load %arg7[%swap3A_79] {strides = array<i32>} : memref<2048xf32, #tpu.memory_space<vmem>>, vector<16xf32>,
    tpu.vector_store %arg7[%swap3A_79], %broadcast_in_dim3A_1 {strides = array<i32>} : memref<2048xf32, #tpu.memory_space<vmem>>, vector<16xf32>,
    %swap3A_81 = arith.constant 624 : index
    %swap3A_82 = tpu.vector_load %arg7[%swap3A_81] {strides = array<i32>} : memref<2048xf32, #tpu.memory_space<vmem>>, vector<16xf32>,
    tpu.vector_store %arg7[%swap3A_81], %broadcast_in_dim3A_1 {strides = array<i32>} : memref<2048xf32, #tpu.memory_space<vmem>>, vector<16xf32>,
    %swap3A_83 = arith.constant 640 : index
    %swap3A_84 = tpu.vector_load %arg7[%swap3A_83] {strides = array<i32>} : memref<2048xf32, #tpu.memory_space<vmem>>, vector<16xf32>,
    tpu.vector_store %arg7[%swap3A_83], %broadcast_in_dim3A_1 {strides = array<i32>} : memref<2048xf32, #tpu.memory_space<vmem>>, vector<16xf32>,
    %swap3A_85 = arith.constant 656 : index
    %swap3A_86 = tpu.vector_load %arg7[%swap3A_85] {strides = array<i32>} : memref<2048xf32, #tpu.memory_space<vmem>>, vector<16xf32>,
    tpu.vector_store %arg7[%swap3A_85], %broadcast_in_dim3A_1 {strides = array<i32>} : memref<2048xf32, #tpu.memory_space<vmem>>, vector<16xf32>,
    %swap3A_87 = arith.constant 672 : index
    %swap3A_88 = tpu.vector_load %arg7[%swap3A_87] {strides = array<i32>} : memref<2048xf32, #tpu.memory_space<vmem>>, vector<16xf32>,
    tpu.vector_store %arg7[%swap3A_87], %broadcast_in_dim3A_1 {strides = array<i32>} : memref<2048xf32, #tpu.memory_space<vmem>>, vector<16xf32>,
    %swap3A_89 = arith.constant 688 : index
    %swap3A_90 = tpu.vector_load %arg7[%swap3A_89] {strides = array<i32>} : memref<2048xf32, #tpu.memory_space<vmem>>, vector<16xf32>,
    tpu.vector_store %arg7[%swap3A_89], %broadcast_in_dim3A_1 {strides = array<i32>} : memref<2048xf32, #tpu.memory_space<vmem>>, vector<16xf32>,
    %swap3A_91 = arith.constant 704 : index
    %swap3A_92 = tpu.vector_load %arg7[%swap3A_91] {strides = array<i32>} : memref<2048xf32, #tpu.memory_space<vmem>>, vector<16xf32>,
    tpu.vector_store %arg7[%swap3A_91], %broadcast_in_dim3A_1 {strides = array<i32>} : memref<2048xf32, #tpu.memory_space<vmem>>, vector<16xf32>,
    %swap3A_93 = arith.constant 720 : index
    %swap3A_94 = tpu.vector_load %arg7[%swap3A_93] {strides = array<i32>} : memref<2048xf32, #tpu.memory_space<vmem>>, vector<16xf32>,
    tpu.vector_store %arg7[%swap3A_93], %broadcast_in_dim3A_1 {strides = array<i32>} : memref<2048xf32, #tpu.memory_space<vmem>>, vector<16xf32>,
    %swap3A_95 = arith.constant 736 : index
    %swap3A_96 = tpu.vector_load %arg7[%swap3A_95] {strides = array<i32>} : memref<2048xf32, #tpu.memory_space<vmem>>, vector<16xf32>,
    tpu.vector_store %arg7[%swap3A_95], %broadcast_in_dim3A_1 {strides = array<i32>} : memref<2048xf32, #tpu.memory_space<vmem>>, vector<16xf32>,
    %swap3A_97 = arith.constant 752 : index
    %swap3A_98 = tpu.vector_load %arg7[%swap3A_97] {strides = array<i32>} : memref<2048xf32, #tpu.memory_space<vmem>>, vector<16xf32>,
    tpu.vector_store %arg7[%swap3A_97], %broadcast_in_dim3A_1 {strides = array<i32>} : memref<2048xf32, #tpu.memory_space<vmem>>, vector<16xf32>,
    %swap3A_99 = arith.constant 768 : index
    %swap3A_100 = tpu.vector_load %arg7[%swap3A_99] {strides = array<i32>} : memref<2048xf32, #tpu.memory_space<vmem>>, vector<16xf32>,
    tpu.vector_store %arg7[%swap3A_99], %broadcast_in_dim3A_1 {strides = array<i32>} : memref<2048xf32, #tpu.memory_space<vmem>>, vector<16xf32>,
    %swap3A_101 = arith.constant 784 : index
    %swap3A_102 = tpu.vector_load %arg7[%swap3A_101] {strides = array<i32>} : memref<2048xf32, #tpu.memory_space<vmem>>, vector<16xf32>,
    tpu.vector_store %arg7[%swap3A_101], %broadcast_in_dim3A_1 {strides = array<i32>} : memref<2048xf32, #tpu.memory_space<vmem>>, vector<16xf32>,
    %swap3A_103 = arith.constant 800 : index
    %swap3A_104 = tpu.vector_load %arg7[%swap3A_103] {strides = array<i32>} : memref<2048xf32, #tpu.memory_space<vmem>>, vector<16xf32>,
    tpu.vector_store %arg7[%swap3A_103], %broadcast_in_dim3A_1 {strides = array<i32>} : memref<2048xf32, #tpu.memory_space<vmem>>, vector<16xf32>,
    %swap3A_105 = arith.constant 816 : index
    %swap3A_106 = tpu.vector_load %arg7[%swap3A_105] {strides = array<i32>} : memref<2048xf32, #tpu.memory_space<vmem>>, vector<16xf32>,
    tpu.vector_store %arg7[%swap3A_105], %broadcast_in_dim3A_1 {strides = array<i32>} : memref<2048xf32, #tpu.memory_space<vmem>>, vector<16xf32>,
    %swap3A_107 = arith.constant 832 : index
    %swap3A_108 = tpu.vector_load %arg7[%swap3A_107] {strides = array<i32>} : memref<2048xf32, #tpu.memory_space<vmem>>, vector<16xf32>,
    tpu.vector_store %arg7[%swap3A_107], %broadcast_in_dim3A_1 {strides = array<i32>} : memref<2048xf32, #tpu.memory_space<vmem>>, vector<16xf32>,
    %swap3A_109 = arith.constant 848 : index
    %swap3A_110 = tpu.vector_load %arg7[%swap3A_109] {strides = array<i32>} : memref<2048xf32, #tpu.memory_space<vmem>>, vector<16xf32>,
    tpu.vector_store %arg7[%swap3A_109], %broadcast_in_dim3A_1 {strides = array<i32>} : memref<2048xf32, #tpu.memory_space<vmem>>, vector<16xf32>,
    %swap3A_111 = arith.constant 864 : index
    %swap3A_112 = tpu.vector_load %arg7[%swap3A_111] {strides = array<i32>} : memref<2048xf32, #tpu.memory_space<vmem>>, vector<16xf32>,
    tpu.vector_store %arg7[%swap3A_111], %broadcast_in_dim3A_1 {strides = array<i32>} : memref<2048xf32, #tpu.memory_space<vmem>>, vector<16xf32>,
    %swap3A_113 = arith.constant 880 : index
    %swap3A_114 = tpu.vector_load %arg7[%swap3A_113] {strides = array<i32>} : memref<2048xf32, #tpu.memory_space<vmem>>, vector<16xf32>,
    tpu.vector_store %arg7[%swap3A_113], %broadcast_in_dim3A_1 {strides = array<i32>} : memref<2048xf32, #tpu.memory_space<vmem>>, vector<16xf32>,
    %swap3A_115 = arith.constant 896 : index
    %swap3A_116 = tpu.vector_load %arg7[%swap3A_115] {strides = array<i32>} : memref<2048xf32, #tpu.memory_space<vmem>>, vector<16xf32>,
    tpu.vector_store %arg7[%swap3A_115], %broadcast_in_dim3A_1 {strides = array<i32>} : memref<2048xf32, #tpu.memory_space<vmem>>, vector<16xf32>,
    %swap3A_117 = arith.constant 912 : index
    %swap3A_118 = tpu.vector_load %arg7[%swap3A_117] {strides = array<i32>} : memref<2048xf32, #tpu.memory_space<vmem>>, vector<16xf32>,
    tpu.vector_store %arg7[%swap3A_117], %broadcast_in_dim3A_1 {strides = array<i32>} : memref<2048xf32, #tpu.memory_space<vmem>>, vector<16xf32>,
    %swap3A_119 = arith.constant 928 : index
    %swap3A_120 = tpu.vector_load %arg7[%swap3A_119] {strides = array<i32>} : memref<2048xf32, #tpu.memory_space<vmem>>, vector<16xf32>,
    tpu.vector_store %arg7[%swap3A_119], %broadcast_in_dim3A_1 {strides = array<i32>} : memref<2048xf32, #tpu.memory_space<vmem>>, vector<16xf32>,
    %swap3A_121 = arith.constant 944 : index
    %swap3A_122 = tpu.vector_load %arg7[%swap3A_121] {strides = array<i32>} : memref<2048xf32, #tpu.memory_space<vmem>>, vector<16xf32>,
    tpu.vector_store %arg7[%swap3A_121], %broadcast_in_dim3A_1 {strides = array<i32>} : memref<2048xf32, #tpu.memory_space<vmem>>, vector<16xf32>,
    %swap3A_123 = arith.constant 960 : index
    %swap3A_124 = tpu.vector_load %arg7[%swap3A_123] {strides = array<i32>} : memref<2048xf32, #tpu.memory_space<vmem>>, vector<16xf32>,
    tpu.vector_store %arg7[%swap3A_123], %broadcast_in_dim3A_1 {strides = array<i32>} : memref<2048xf32, #tpu.memory_space<vmem>>, vector<16xf32>,
    %swap3A_125 = arith.constant 976 : index
    %swap3A_126 = tpu.vector_load %arg7[%swap3A_125] {strides = array<i32>} : memref<2048xf32, #tpu.memory_space<vmem>>, vector<16xf32>,
    tpu.vector_store %arg7[%swap3A_125], %broadcast_in_dim3A_1 {strides = array<i32>} : memref<2048xf32, #tpu.memory_space<vmem>>, vector<16xf32>,
    %swap3A_127 = arith.constant 992 : index
    %swap3A_128 = tpu.vector_load %arg7[%swap3A_127] {strides = array<i32>} : memref<2048xf32, #tpu.memory_space<vmem>>, vector<16xf32>,
    tpu.vector_store %arg7[%swap3A_127], %broadcast_in_dim3A_1 {strides = array<i32>} : memref<2048xf32, #tpu.memory_space<vmem>>, vector<16xf32>,
    %swap3A_129 = arith.constant 1008 : index
    %swap3A_130 = tpu.vector_load %arg7[%swap3A_129] {strides = array<i32>} : memref<2048xf32, #tpu.memory_space<vmem>>, vector<16xf32>,
    tpu.vector_store %arg7[%swap3A_129], %broadcast_in_dim3A_1 {strides = array<i32>} : memref<2048xf32, #tpu.memory_space<vmem>>, vector<16xf32>,
    %swap3A_131 = arith.constant 1024 : index
    %swap3A_132 = tpu.vector_load %arg7[%swap3A_131] {strides = array<i32>} : memref<2048xf32, #tpu.memory_space<vmem>>, vector<16xf32>,
    tpu.vector_store %arg7[%swap3A_131], %broadcast_in_dim3A_1 {strides = array<i32>} : memref<2048xf32, #tpu.memory_space<vmem>>, vector<16xf32>,
    %swap3A_133 = arith.constant 1040 : index
    %swap3A_134 = tpu.vector_load %arg7[%swap3A_133] {strides = array<i32>} : memref<2048xf32, #tpu.memory_space<vmem>>, vector<16xf32>,
    tpu.vector_store %arg7[%swap3A_133], %broadcast_in_dim3A_1 {strides = array<i32>} : memref<2048xf32, #tpu.memory_space<vmem>>, vector<16xf32>,
    %swap3A_135 = arith.constant 1056 : index
    %swap3A_136 = tpu.vector_load %arg7[%swap3A_135] {strides = array<i32>} : memref<2048xf32, #tpu.memory_space<vmem>>, vector<16xf32>,
    tpu.vector_store %arg7[%swap3A_135], %broadcast_in_dim3A_1 {strides = array<i32>} : memref<2048xf32, #tpu.memory_space<vmem>>, vector<16xf32>,
    %swap3A_137 = arith.constant 1072 : index
    %swap3A_138 = tpu.vector_load %arg7[%swap3A_137] {strides = array<i32>} : memref<2048xf32, #tpu.memory_space<vmem>>, vector<16xf32>,
    tpu.vector_store %arg7[%swap3A_137], %broadcast_in_dim3A_1 {strides = array<i32>} : memref<2048xf32, #tpu.memory_space<vmem>>, vector<16xf32>,
    %swap3A_139 = arith.constant 1088 : index
    %swap3A_140 = tpu.vector_load %arg7[%swap3A_139] {strides = array<i32>} : memref<2048xf32, #tpu.memory_space<vmem>>, vector<16xf32>,
    tpu.vector_store %arg7[%swap3A_139], %broadcast_in_dim3A_1 {strides = array<i32>} : memref<2048xf32, #tpu.memory_space<vmem>>, vector<16xf32>,
    %swap3A_141 = arith.constant 1104 : index
    %swap3A_142 = tpu.vector_load %arg7[%swap3A_141] {strides = array<i32>} : memref<2048xf32, #tpu.memory_space<vmem>>, vector<16xf32>,
    tpu.vector_store %arg7[%swap3A_141], %broadcast_in_dim3A_1 {strides = array<i32>} : memref<2048xf32, #tpu.memory_space<vmem>>, vector<16xf32>,
    %swap3A_143 = arith.constant 1120 : index
    %swap3A_144 = tpu.vector_load %arg7[%swap3A_143] {strides = array<i32>} : memref<2048xf32, #tpu.memory_space<vmem>>, vector<16xf32>,
    tpu.vector_store %arg7[%swap3A_143], %broadcast_in_dim3A_1 {strides = array<i32>} : memref<2048xf32, #tpu.memory_space<vmem>>, vector<16xf32>,
    %swap3A_145 = arith.constant 1136 : index
    %swap3A_146 = tpu.vector_load %arg7[%swap3A_145] {strides = array<i32>} : memref<2048xf32, #tpu.memory_space<vmem>>, vector<16xf32>,
    tpu.vector_store %arg7[%swap3A_145], %broadcast_in_dim3A_1 {strides = array<i32>} : memref<2048xf32, #tpu.memory_space<vmem>>, vector<16xf32>,
    %swap3A_147 = arith.constant 1152 : index
    %swap3A_148 = tpu.vector_load %arg7[%swap3A_147] {strides = array<i32>} : memref<2048xf32, #tpu.memory_space<vmem>>, vector<16xf32>,
    tpu.vector_store %arg7[%swap3A_147], %broadcast_in_dim3A_1 {strides = array<i32>} : memref<2048xf32, #tpu.memory_space<vmem>>, vector<16xf32>,
    %swap3A_149 = arith.constant 1168 : index
    %swap3A_150 = tpu.vector_load %arg7[%swap3A_149] {strides = array<i32>} : memref<2048xf32, #tpu.memory_space<vmem>>, vector<16xf32>,
    tpu.vector_store %arg7[%swap3A_149], %broadcast_in_dim3A_1 {strides = array<i32>} : memref<2048xf32, #tpu.memory_space<vmem>>, vector<16xf32>,
    %swap3A_151 = arith.constant 1184 : index
    %swap3A_152 = tpu.vector_load %arg7[%swap3A_151] {strides = array<i32>} : memref<2048xf32, #tpu.memory_space<vmem>>, vector<16xf32>,
    tpu.vector_store %arg7[%swap3A_151], %broadcast_in_dim3A_1 {strides = array<i32>} : memref<2048xf32, #tpu.memory_space<vmem>>, vector<16xf32>,
    %swap3A_153 = arith.constant 1200 : index
    %swap3A_154 = tpu.vector_load %arg7[%swap3A_153] {strides = array<i32>} : memref<2048xf32, #tpu.memory_space<vmem>>, vector<16xf32>,
    tpu.vector_store %arg7[%swap3A_153], %broadcast_in_dim3A_1 {strides = array<i32>} : memref<2048xf32, #tpu.memory_space<vmem>>, vector<16xf32>,
    %swap3A_155 = arith.constant 1216 : index
    %swap3A_156 = tpu.vector_load %arg7[%swap3A_155] {strides = array<i32>} : memref<2048xf32, #tpu.memory_space<vmem>>, vector<16xf32>,
    tpu.vector_store %arg7[%swap3A_155], %broadcast_in_dim3A_1 {strides = array<i32>} : memref<2048xf32, #tpu.memory_space<vmem>>, vector<16xf32>,
    %swap3A_157 = arith.constant 1232 : index
    %swap3A_158 = tpu.vector_load %arg7[%swap3A_157] {strides = array<i32>} : memref<2048xf32, #tpu.memory_space<vmem>>, vector<16xf32>,
    tpu.vector_store %arg7[%swap3A_157], %broadcast_in_dim3A_1 {strides = array<i32>} : memref<2048xf32, #tpu.memory_space<vmem>>, vector<16xf32>,
    %swap3A_159 = arith.constant 1248 : index
    %swap3A_160 = tpu.vector_load %arg7[%swap3A_159] {strides = array<i32>} : memref<2048xf32, #tpu.memory_space<vmem>>, vector<16xf32>,
    tpu.vector_store %arg7[%swap3A_159], %broadcast_in_dim3A_1 {strides = array<i32>} : memref<2048xf32, #tpu.memory_space<vmem>>, vector<16xf32>,
    %swap3A_161 = arith.constant 1264 : index
    %swap3A_162 = tpu.vector_load %arg7[%swap3A_161] {strides = array<i32>} : memref<2048xf32, #tpu.memory_space<vmem>>, vector<16xf32>,
    tpu.vector_store %arg7[%swap3A_161], %broadcast_in_dim3A_1 {strides = array<i32>} : memref<2048xf32, #tpu.memory_space<vmem>>, vector<16xf32>,
    %swap3A_163 = arith.constant 1280 : index
    %swap3A_164 = tpu.vector_load %arg7[%swap3A_163] {strides = array<i32>} : memref<2048xf32, #tpu.memory_space<vmem>>, vector<16xf32>,
    tpu.vector_store %arg7[%swap3A_163], %broadcast_in_dim3A_1 {strides = array<i32>} : memref<2048xf32, #tpu.memory_space<vmem>>, vector<16xf32>,
    %swap3A_165 = arith.constant 1296 : index
    %swap3A_166 = tpu.vector_load %arg7[%swap3A_165] {strides = array<i32>} : memref<2048xf32, #tpu.memory_space<vmem>>, vector<16xf32>,
    tpu.vector_store %arg7[%swap3A_165], %broadcast_in_dim3A_1 {strides = array<i32>} : memref<2048xf32, #tpu.memory_space<vmem>>, vector<16xf32>,
    %swap3A_167 = arith.constant 1312 : index
    %swap3A_168 = tpu.vector_load %arg7[%swap3A_167] {strides = array<i32>} : memref<2048xf32, #tpu.memory_space<vmem>>, vector<16xf32>,
    tpu.vector_store %arg7[%swap3A_167], %broadcast_in_dim3A_1 {strides = array<i32>} : memref<2048xf32, #tpu.memory_space<vmem>>, vector<16xf32>,
    %swap3A_169 = arith.constant 1328 : index
    %swap3A_170 = tpu.vector_load %arg7[%swap3A_169] {strides = array<i32>} : memref<2048xf32, #tpu.memory_space<vmem>>, vector<16xf32>,
    tpu.vector_store %arg7[%swap3A_169], %broadcast_in_dim3A_1 {strides = array<i32>} : memref<2048xf32, #tpu.memory_space<vmem>>, vector<16xf32>,
    %swap3A_171 = arith.constant 1344 : index
    %swap3A_172 = tpu.vector_load %arg7[%swap3A_171] {strides = array<i32>} : memref<2048xf32, #tpu.memory_space<vmem>>, vector<16xf32>,
    tpu.vector_store %arg7[%swap3A_171], %broadcast_in_dim3A_1 {strides = array<i32>} : memref<2048xf32, #tpu.memory_space<vmem>>, vector<16xf32>,
    %swap3A_173 = arith.constant 1360 : index
    %swap3A_174 = tpu.vector_load %arg7[%swap3A_173] {strides = array<i32>} : memref<2048xf32, #tpu.memory_space<vmem>>, vector<16xf32>,
    tpu.vector_store %arg7[%swap3A_173], %broadcast_in_dim3A_1 {strides = array<i32>} : memref<2048xf32, #tpu.memory_space<vmem>>, vector<16xf32>,
    %swap3A_175 = arith.constant 1376 : index
    %swap3A_176 = tpu.vector_load %arg7[%swap3A_175] {strides = array<i32>} : memref<2048xf32, #tpu.memory_space<vmem>>, vector<16xf32>,
    tpu.vector_store %arg7[%swap3A_175], %broadcast_in_dim3A_1 {strides = array<i32>} : memref<2048xf32, #tpu.memory_space<vmem>>, vector<16xf32>,
    %swap3A_177 = arith.constant 1392 : index
    %swap3A_178 = tpu.vector_load %arg7[%swap3A_177] {strides = array<i32>} : memref<2048xf32, #tpu.memory_space<vmem>>, vector<16xf32>,
    tpu.vector_store %arg7[%swap3A_177], %broadcast_in_dim3A_1 {strides = array<i32>} : memref<2048xf32, #tpu.memory_space<vmem>>, vector<16xf32>,
    %swap3A_179 = arith.constant 1408 : index
    %swap3A_180 = tpu.vector_load %arg7[%swap3A_179] {strides = array<i32>} : memref<2048xf32, #tpu.memory_space<vmem>>, vector<16xf32>,
    tpu.vector_store %arg7[%swap3A_179], %broadcast_in_dim3A_1 {strides = array<i32>} : memref<2048xf32, #tpu.memory_space<vmem>>, vector<16xf32>,
    %swap3A_181 = arith.constant 1424 : index
    %swap3A_182 = tpu.vector_load %arg7[%swap3A_181] {strides = array<i32>} : memref<2048xf32, #tpu.memory_space<vmem>>, vector<16xf32>,
    tpu.vector_store %arg7[%swap3A_181], %broadcast_in_dim3A_1 {strides = array<i32>} : memref<2048xf32, #tpu.memory_space<vmem>>, vector<16xf32>,
    %swap3A_183 = arith.constant 1440 : index
    %swap3A_184 = tpu.vector_load %arg7[%swap3A_183] {strides = array<i32>} : memref<2048xf32, #tpu.memory_space<vmem>>, vector<16xf32>,
    tpu.vector_store %arg7[%swap3A_183], %broadcast_in_dim3A_1 {strides = array<i32>} : memref<2048xf32, #tpu.memory_space<vmem>>, vector<16xf32>,
    %swap3A_185 = arith.constant 1456 : index
    %swap3A_186 = tpu.vector_load %arg7[%swap3A_185] {strides = array<i32>} : memref<2048xf32, #tpu.memory_space<vmem>>, vector<16xf32>,
    tpu.vector_store %arg7[%swap3A_185], %broadcast_in_dim3A_1 {strides = array<i32>} : memref<2048xf32, #tpu.memory_space<vmem>>, vector<16xf32>,
    %swap3A_187 = arith.constant 1472 : index
    %swap3A_188 = tpu.vector_load %arg7[%swap3A_187] {strides = array<i32>} : memref<2048xf32, #tpu.memory_space<vmem>>, vector<16xf32>,
    tpu.vector_store %arg7[%swap3A_187], %broadcast_in_dim3A_1 {strides = array<i32>} : memref<2048xf32, #tpu.memory_space<vmem>>, vector<16xf32>,
    %swap3A_189 = arith.constant 1488 : index
    %swap3A_190 = tpu.vector_load %arg7[%swap3A_189] {strides = array<i32>} : memref<2048xf32, #tpu.memory_space<vmem>>, vector<16xf32>,
    tpu.vector_store %arg7[%swap3A_189], %broadcast_in_dim3A_1 {strides = array<i32>} : memref<2048xf32, #tpu.memory_space<vmem>>, vector<16xf32>,
    %swap3A_191 = arith.constant 1504 : index
    %swap3A_192 = tpu.vector_load %arg7[%swap3A_191] {strides = array<i32>} : memref<2048xf32, #tpu.memory_space<vmem>>, vector<16xf32>,
    tpu.vector_store %arg7[%swap3A_191], %broadcast_in_dim3A_1 {strides = array<i32>} : memref<2048xf32, #tpu.memory_space<vmem>>, vector<16xf32>,
    %swap3A_193 = arith.constant 1520 : index
    %swap3A_194 = tpu.vector_load %arg7[%swap3A_193] {strides = array<i32>} : memref<2048xf32, #tpu.memory_space<vmem>>, vector<16xf32>,
    tpu.vector_store %arg7[%swap3A_193], %broadcast_in_dim3A_1 {strides = array<i32>} : memref<2048xf32, #tpu.memory_space<vmem>>, vector<16xf32>,
    %swap3A_195 = arith.constant 1536 : index
    %swap3A_196 = tpu.vector_load %arg7[%swap3A_195] {strides = array<i32>} : memref<2048xf32, #tpu.memory_space<vmem>>, vector<16xf32>,
    tpu.vector_store %arg7[%swap3A_195], %broadcast_in_dim3A_1 {strides = array<i32>} : memref<2048xf32, #tpu.memory_space<vmem>>, vector<16xf32>,
    %swap3A_197 = arith.constant 1552 : index
    %swap3A_198 = tpu.vector_load %arg7[%swap3A_197] {strides = array<i32>} : memref<2048xf32, #tpu.memory_space<vmem>>, vector<16xf32>,
    tpu.vector_store %arg7[%swap3A_197], %broadcast_in_dim3A_1 {strides = array<i32>} : memref<2048xf32, #tpu.memory_space<vmem>>, vector<16xf32>,
    %swap3A_199 = arith.constant 1568 : index
    %swap3A_200 = tpu.vector_load %arg7[%swap3A_199] {strides = array<i32>} : memref<2048xf32, #tpu.memory_space<vmem>>, vector<16xf32>,
    tpu.vector_store %arg7[%swap3A_199], %broadcast_in_dim3A_1 {strides = array<i32>} : memref<2048xf32, #tpu.memory_space<vmem>>, vector<16xf32>,
    %swap3A_201 = arith.constant 1584 : index
    %swap3A_202 = tpu.vector_load %arg7[%swap3A_201] {strides = array<i32>} : memref<2048xf32, #tpu.memory_space<vmem>>, vector<16xf32>,
    tpu.vector_store %arg7[%swap3A_201], %broadcast_in_dim3A_1 {strides = array<i32>} : memref<2048xf32, #tpu.memory_space<vmem>>, vector<16xf32>,
    %swap3A_203 = arith.constant 1600 : index
    %swap3A_204 = tpu.vector_load %arg7[%swap3A_203] {strides = array<i32>} : memref<2048xf32, #tpu.memory_space<vmem>>, vector<16xf32>,
    tpu.vector_store %arg7[%swap3A_203], %broadcast_in_dim3A_1 {strides = array<i32>} : memref<2048xf32, #tpu.memory_space<vmem>>, vector<16xf32>,
    %swap3A_205 = arith.constant 1616 : index
    %swap3A_206 = tpu.vector_load %arg7[%swap3A_205] {strides = array<i32>} : memref<2048xf32, #tpu.memory_space<vmem>>, vector<16xf32>,
    tpu.vector_store %arg7[%swap3A_205], %broadcast_in_dim3A_1 {strides = array<i32>} : memref<2048xf32, #tpu.memory_space<vmem>>, vector<16xf32>,
    %swap3A_207 = arith.constant 1632 : index
    %swap3A_208 = tpu.vector_load %arg7[%swap3A_207] {strides = array<i32>} : memref<2048xf32, #tpu.memory_space<vmem>>, vector<16xf32>,
    tpu.vector_store %arg7[%swap3A_207], %broadcast_in_dim3A_1 {strides = array<i32>} : memref<2048xf32, #tpu.memory_space<vmem>>, vector<16xf32>,
    %swap3A_209 = arith.constant 1648 : index
    %swap3A_210 = tpu.vector_load %arg7[%swap3A_209] {strides = array<i32>} : memref<2048xf32, #tpu.memory_space<vmem>>, vector<16xf32>,
    tpu.vector_store %arg7[%swap3A_209], %broadcast_in_dim3A_1 {strides = array<i32>} : memref<2048xf32, #tpu.memory_space<vmem>>, vector<16xf32>,
    %swap3A_211 = arith.constant 1664 : index
    %swap3A_212 = tpu.vector_load %arg7[%swap3A_211] {strides = array<i32>} : memref<2048xf32, #tpu.memory_space<vmem>>, vector<16xf32>,
    tpu.vector_store %arg7[%swap3A_211], %broadcast_in_dim3A_1 {strides = array<i32>} : memref<2048xf32, #tpu.memory_space<vmem>>, vector<16xf32>,
    %swap3A_213 = arith.constant 1680 : index
    %swap3A_214 = tpu.vector_load %arg7[%swap3A_213] {strides = array<i32>} : memref<2048xf32, #tpu.memory_space<vmem>>, vector<16xf32>,
    tpu.vector_store %arg7[%swap3A_213], %broadcast_in_dim3A_1 {strides = array<i32>} : memref<2048xf32, #tpu.memory_space<vmem>>, vector<16xf32>,
    %swap3A_215 = arith.constant 1696 : index
    %swap3A_216 = tpu.vector_load %arg7[%swap3A_215] {strides = array<i32>} : memref<2048xf32, #tpu.memory_space<vmem>>, vector<16xf32>,
    tpu.vector_store %arg7[%swap3A_215], %broadcast_in_dim3A_1 {strides = array<i32>} : memref<2048xf32, #tpu.memory_space<vmem>>, vector<16xf32>,
    %swap3A_217 = arith.constant 1712 : index
    %swap3A_218 = tpu.vector_load %arg7[%swap3A_217] {strides = array<i32>} : memref<2048xf32, #tpu.memory_space<vmem>>, vector<16xf32>,
    tpu.vector_store %arg7[%swap3A_217], %broadcast_in_dim3A_1 {strides = array<i32>} : memref<2048xf32, #tpu.memory_space<vmem>>, vector<16xf32>,
    %swap3A_219 = arith.constant 1728 : index
    %swap3A_220 = tpu.vector_load %arg7[%swap3A_219] {strides = array<i32>} : memref<2048xf32, #tpu.memory_space<vmem>>, vector<16xf32>,
    tpu.vector_store %arg7[%swap3A_219], %broadcast_in_dim3A_1 {strides = array<i32>} : memref<2048xf32, #tpu.memory_space<vmem>>, vector<16xf32>,
    %swap3A_221 = arith.constant 1744 : index
    %swap3A_222 = tpu.vector_load %arg7[%swap3A_221] {strides = array<i32>} : memref<2048xf32, #tpu.memory_space<vmem>>, vector<16xf32>,
    tpu.vector_store %arg7[%swap3A_221], %broadcast_in_dim3A_1 {strides = array<i32>} : memref<2048xf32, #tpu.memory_space<vmem>>, vector<16xf32>,
    %swap3A_223 = arith.constant 1760 : index
    %swap3A_224 = tpu.vector_load %arg7[%swap3A_223] {strides = array<i32>} : memref<2048xf32, #tpu.memory_space<vmem>>, vector<16xf32>,
    tpu.vector_store %arg7[%swap3A_223], %broadcast_in_dim3A_1 {strides = array<i32>} : memref<2048xf32, #tpu.memory_space<vmem>>, vector<16xf32>,
    %swap3A_225 = arith.constant 1776 : index
    %swap3A_226 = tpu.vector_load %arg7[%swap3A_225] {strides = array<i32>} : memref<2048xf32, #tpu.memory_space<vmem>>, vector<16xf32>,
    tpu.vector_store %arg7[%swap3A_225], %broadcast_in_dim3A_1 {strides = array<i32>} : memref<2048xf32, #tpu.memory_space<vmem>>, vector<16xf32>,
    %swap3A_227 = arith.constant 1792 : index
    %swap3A_228 = tpu.vector_load %arg7[%swap3A_227] {strides = array<i32>} : memref<2048xf32, #tpu.memory_space<vmem>>, vector<16xf32>,
    tpu.vector_store %arg7[%swap3A_227], %broadcast_in_dim3A_1 {strides = array<i32>} : memref<2048xf32, #tpu.memory_space<vmem>>, vector<16xf32>,
    %swap3A_229 = arith.constant 1808 : index
    %swap3A_230 = tpu.vector_load %arg7[%swap3A_229] {strides = array<i32>} : memref<2048xf32, #tpu.memory_space<vmem>>, vector<16xf32>,
    tpu.vector_store %arg7[%swap3A_229], %broadcast_in_dim3A_1 {strides = array<i32>} : memref<2048xf32, #tpu.memory_space<vmem>>, vector<16xf32>,
    %swap3A_231 = arith.constant 1824 : index
    %swap3A_232 = tpu.vector_load %arg7[%swap3A_231] {strides = array<i32>} : memref<2048xf32, #tpu.memory_space<vmem>>, vector<16xf32>,
    tpu.vector_store %arg7[%swap3A_231], %broadcast_in_dim3A_1 {strides = array<i32>} : memref<2048xf32, #tpu.memory_space<vmem>>, vector<16xf32>,
    %swap3A_233 = arith.constant 1840 : index
    %swap3A_234 = tpu.vector_load %arg7[%swap3A_233] {strides = array<i32>} : memref<2048xf32, #tpu.memory_space<vmem>>, vector<16xf32>,
    tpu.vector_store %arg7[%swap3A_233], %broadcast_in_dim3A_1 {strides = array<i32>} : memref<2048xf32, #tpu.memory_space<vmem>>, vector<16xf32>,
    %swap3A_235 = arith.constant 1856 : index
    %swap3A_236 = tpu.vector_load %arg7[%swap3A_235] {strides = array<i32>} : memref<2048xf32, #tpu.memory_space<vmem>>, vector<16xf32>,
    tpu.vector_store %arg7[%swap3A_235], %broadcast_in_dim3A_1 {strides = array<i32>} : memref<2048xf32, #tpu.memory_space<vmem>>, vector<16xf32>,
    %swap3A_237 = arith.constant 1872 : index
    %swap3A_238 = tpu.vector_load %arg7[%swap3A_237] {strides = array<i32>} : memref<2048xf32, #tpu.memory_space<vmem>>, vector<16xf32>,
    tpu.vector_store %arg7[%swap3A_237], %broadcast_in_dim3A_1 {strides = array<i32>} : memref<2048xf32, #tpu.memory_space<vmem>>, vector<16xf32>,
    %swap3A_239 = arith.constant 1888 : index
    %swap3A_240 = tpu.vector_load %arg7[%swap3A_239] {strides = array<i32>} : memref<2048xf32, #tpu.memory_space<vmem>>, vector<16xf32>,
    tpu.vector_store %arg7[%swap3A_239], %broadcast_in_dim3A_1 {strides = array<i32>} : memref<2048xf32, #tpu.memory_space<vmem>>, vector<16xf32>,
    %swap3A_241 = arith.constant 1904 : index
    %swap3A_242 = tpu.vector_load %arg7[%swap3A_241] {strides = array<i32>} : memref<2048xf32, #tpu.memory_space<vmem>>, vector<16xf32>,
    tpu.vector_store %arg7[%swap3A_241], %broadcast_in_dim3A_1 {strides = array<i32>} : memref<2048xf32, #tpu.memory_space<vmem>>, vector<16xf32>,
    %swap3A_243 = arith.constant 1920 : index
    %swap3A_244 = tpu.vector_load %arg7[%swap3A_243] {strides = array<i32>} : memref<2048xf32, #tpu.memory_space<vmem>>, vector<16xf32>,
    tpu.vector_store %arg7[%swap3A_243], %broadcast_in_dim3A_1 {strides = array<i32>} : memref<2048xf32, #tpu.memory_space<vmem>>, vector<16xf32>,
    %swap3A_245 = arith.constant 1936 : index
    %swap3A_246 = tpu.vector_load %arg7[%swap3A_245] {strides = array<i32>} : memref<2048xf32, #tpu.memory_space<vmem>>, vector<16xf32>,
    tpu.vector_store %arg7[%swap3A_245], %broadcast_in_dim3A_1 {strides = array<i32>} : memref<2048xf32, #tpu.memory_space<vmem>>, vector<16xf32>,
    %swap3A_247 = arith.constant 1952 : index
    %swap3A_248 = tpu.vector_load %arg7[%swap3A_247] {strides = array<i32>} : memref<2048xf32, #tpu.memory_space<vmem>>, vector<16xf32>,
    tpu.vector_store %arg7[%swap3A_247], %broadcast_in_dim3A_1 {strides = array<i32>} : memref<2048xf32, #tpu.memory_space<vmem>>, vector<16xf32>,
    %swap3A_249 = arith.constant 1968 : index
    %swap3A_250 = tpu.vector_load %arg7[%swap3A_249] {strides = array<i32>} : memref<2048xf32, #tpu.memory_space<vmem>>, vector<16xf32>,
    tpu.vector_store %arg7[%swap3A_249], %broadcast_in_dim3A_1 {strides = array<i32>} : memref<2048xf32, #tpu.memory_space<vmem>>, vector<16xf32>,
    %swap3A_251 = arith.constant 1984 : index
    %swap3A_252 = tpu.vector_load %arg7[%swap3A_251] {strides = array<i32>} : memref<2048xf32, #tpu.memory_space<vmem>>, vector<16xf32>,
    tpu.vector_store %arg7[%swap3A_251], %broadcast_in_dim3A_1 {strides = array<i32>} : memref<2048xf32, #tpu.memory_space<vmem>>, vector<16xf32>,
    %swap3A_253 = arith.constant 2000 : index
    %swap3A_254 = tpu.vector_load %arg7[%swap3A_253] {strides = array<i32>} : memref<2048xf32, #tpu.memory_space<vmem>>, vector<16xf32>,
    tpu.vector_store %arg7[%swap3A_253], %broadcast_in_dim3A_1 {strides = array<i32>} : memref<2048xf32, #tpu.memory_space<vmem>>, vector<16xf32>,
    %swap3A_255 = arith.constant 2016 : index
    %swap3A_256 = tpu.vector_load %arg7[%swap3A_255] {strides = array<i32>} : memref<2048xf32, #tpu.memory_space<vmem>>, vector<16xf32>,
    tpu.vector_store %arg7[%swap3A_255], %broadcast_in_dim3A_1 {strides = array<i32>} : memref<2048xf32, #tpu.memory_space<vmem>>, vector<16xf32>,
    %swap3A_257 = arith.constant 2032 : index
    %swap3A_258 = tpu.vector_load %arg7[%swap3A_257] {strides = array<i32>} : memref<2048xf32, #tpu.memory_space<vmem>>, vector<16xf32>,
    tpu.vector_store %arg7[%swap3A_257], %broadcast_in_dim3A_1 {strides = array<i32>} : memref<2048xf32, #tpu.memory_space<vmem>>, vector<16xf32>,
    %scan3A = arith.constant 0 : i32
    %scan3A_259 = arith.constant 0 : i32
    %scan3A_260 = arith.constant 196 : i32
    %scan3A_261 = arith.addi %scan3A_259, %scan3A_260 : i32
    %scan3A_262 = arith.constant 1 : i32
    scf.for %scan3A_1719 = %scan3A_259 to %scan3A_261 step %scan3A_262  : i32 {
      %mul3A_1720 = arith.constant 16 : i32
      %mul3A_1721 = arith.muli %scan3A_1719, %mul3A_1720 : i32
      %get3A_1722 = arith.index_cast %mul3A_1721 : i32 to index
      %get3A_1723 = tpu.vector_load %arg5[%get3A_1722] {strides = array<i32>} : memref<3136xf32, #tpu.memory_space<vmem>>, vector<16xf32>,
      %get3A_1724 = arith.index_cast %mul3A_1721 : i32 to index
      %get3A_1725 = tpu.vector_load %arg6[%get3A_1724] {strides = array<i32>} : memref<3136xi32, #tpu.memory_space<vmem>>, vector<16xi32>,
      %mul3A_1726 = arith.constant 64 : i32
      %mul3A_1727 = vector.broadcast %mul3A_1726 : i32 to vector<16xi32>
      %mul3A_1728 = arith.muli %iota3A, %mul3A_1727 : vector<16xi32>
      %add3A_1729 = arith.addi %mul3A_1728, %get3A_1725 : vector<16xi32>
      tpu.vector_store_idx %arg7[%add3A_1729], %broadcast_in_dim3A_3 {add = true} : memref<2048xf32, #tpu.memory_space<vmem>>[vector<16xi32>], vector<16xf32>,
      %add3A_1730 = arith.constant 1024 : i32
      %add3A_1731 = vector.broadcast %add3A_1730 : i32 to vector<16xi32>
      %add3A_1732 = arith.addi %add3A_1729, %add3A_1731 : vector<16xi32>
      %exp3A = math.exp %get3A_1723 : vector<16xf32>
      tpu.vector_store_idx %arg7[%add3A_1732], %exp3A {add = true} : memref<2048xf32, #tpu.memory_space<vmem>>[vector<16xi32>], vector<16xf32>,
    }
    %scan3A_263 = arith.constant 196 : i32
    %get3A = arith.constant 0 : index
    %get3A_264 = tpu.vector_load %arg7[%get3A] {strides = array<i32>} : memref<2048xf32, #tpu.memory_space<vmem>>, vector<16xf32>,
    %add3A = arith.addf %broadcast_in_dim3A_1, %get3A_264 : vector<16xf32>
    %get3A_265 = arith.constant 1024 : index
    %get3A_266 = tpu.vector_load %arg7[%get3A_265] {strides = array<i32>} : memref<2048xf32, #tpu.memory_space<vmem>>, vector<16xf32>,
    %add3A_267 = arith.addf %broadcast_in_dim3A_1, %get3A_266 : vector<16xf32>
    %get3A_268 = arith.constant 64 : index
    %get3A_269 = tpu.vector_load %arg7[%get3A_268] {strides = array<i32>} : memref<2048xf32, #tpu.memory_space<vmem>>, vector<16xf32>,
    %add3A_270 = arith.addf %add3A, %get3A_269 : vector<16xf32>
    %get3A_271 = arith.constant 1088 : index
    %get3A_272 = tpu.vector_load %arg7[%get3A_271] {strides = array<i32>} : memref<2048xf32, #tpu.memory_space<vmem>>, vector<16xf32>,
    %add3A_273 = arith.addf %add3A_267, %get3A_272 : vector<16xf32>
    %get3A_274 = arith.constant 128 : index
    %get3A_275 = tpu.vector_load %arg7[%get3A_274] {strides = array<i32>} : memref<2048xf32, #tpu.memory_space<vmem>>, vector<16xf32>,
    %add3A_276 = arith.addf %add3A_270, %get3A_275 : vector<16xf32>
    %get3A_277 = arith.constant 1152 : index
    %get3A_278 = tpu.vector_load %arg7[%get3A_277] {strides = array<i32>} : memref<2048xf32, #tpu.memory_space<vmem>>, vector<16xf32>,
    %add3A_279 = arith.addf %add3A_273, %get3A_278 : vector<16xf32>
    %get3A_280 = arith.constant 192 : index
    %get3A_281 = tpu.vector_load %arg7[%get3A_280] {strides = array<i32>} : memref<2048xf32, #tpu.memory_space<vmem>>, vector<16xf32>,
    %add3A_282 = arith.addf %add3A_276, %get3A_281 : vector<16xf32>
    %get3A_283 = arith.constant 1216 : index
    %get3A_284 = tpu.vector_load %arg7[%get3A_283] {strides = array<i32>} : memref<2048xf32, #tpu.memory_space<vmem>>, vector<16xf32>,
    %add3A_285 = arith.addf %add3A_279, %get3A_284 : vector<16xf32>
    %get3A_286 = arith.constant 256 : index
    %get3A_287 = tpu.vector_load %arg7[%get3A_286] {strides = array<i32>} : memref<2048xf32, #tpu.memory_space<vmem>>, vector<16xf32>,
    %add3A_288 = arith.addf %add3A_282, %get3A_287 : vector<16xf32>
    %get3A_289 = arith.constant 1280 : index
    %get3A_290 = tpu.vector_load %arg7[%get3A_289] {strides = array<i32>} : memref<2048xf32, #tpu.memory_space<vmem>>, vector<16xf32>,
    %add3A_291 = arith.addf %add3A_285, %get3A_290 : vector<16xf32>
    %get3A_292 = arith.constant 320 : index
    %get3A_293 = tpu.vector_load %arg7[%get3A_292] {strides = array<i32>} : memref<2048xf32, #tpu.memory_space<vmem>>, vector<16xf32>,
    %add3A_294 = arith.addf %add3A_288, %get3A_293 : vector<16xf32>
    %get3A_295 = arith.constant 1344 : index
    %get3A_296 = tpu.vector_load %arg7[%get3A_295] {strides = array<i32>} : memref<2048xf32, #tpu.memory_space<vmem>>, vector<16xf32>,
    %add3A_297 = arith.addf %add3A_291, %get3A_296 : vector<16xf32>
    %get3A_298 = arith.constant 384 : index
    %get3A_299 = tpu.vector_load %arg7[%get3A_298] {strides = array<i32>} : memref<2048xf32, #tpu.memory_space<vmem>>, vector<16xf32>,
    %add3A_300 = arith.addf %add3A_294, %get3A_299 : vector<16xf32>
    %get3A_301 = arith.constant 1408 : index
    %get3A_302 = tpu.vector_load %arg7[%get3A_301] {strides = array<i32>} : memref<2048xf32, #tpu.memory_space<vmem>>, vector<16xf32>,
    %add3A_303 = arith.addf %add3A_297, %get3A_302 : vector<16xf32>
    %get3A_304 = arith.constant 448 : index
    %get3A_305 = tpu.vector_load %arg7[%get3A_304] {strides = array<i32>} : memref<2048xf32, #tpu.memory_space<vmem>>, vector<16xf32>,
    %add3A_306 = arith.addf %add3A_300, %get3A_305 : vector<16xf32>
    %get3A_307 = arith.constant 1472 : index
    %get3A_308 = tpu.vector_load %arg7[%get3A_307] {strides = array<i32>} : memref<2048xf32, #tpu.memory_space<vmem>>, vector<16xf32>,
    %add3A_309 = arith.addf %add3A_303, %get3A_308 : vector<16xf32>
    %get3A_310 = arith.constant 512 : index
    %get3A_311 = tpu.vector_load %arg7[%get3A_310] {strides = array<i32>} : memref<2048xf32, #tpu.memory_space<vmem>>, vector<16xf32>,
    %add3A_312 = arith.addf %add3A_306, %get3A_311 : vector<16xf32>
    %get3A_313 = arith.constant 1536 : index
    %get3A_314 = tpu.vector_load %arg7[%get3A_313] {strides = array<i32>} : memref<2048xf32, #tpu.memory_space<vmem>>, vector<16xf32>,
    %add3A_315 = arith.addf %add3A_309, %get3A_314 : vector<16xf32>
    %get3A_316 = arith.constant 576 : index
    %get3A_317 = tpu.vector_load %arg7[%get3A_316] {strides = array<i32>} : memref<2048xf32, #tpu.memory_space<vmem>>, vector<16xf32>,
    %add3A_318 = arith.addf %add3A_312, %get3A_317 : vector<16xf32>
    %get3A_319 = arith.constant 1600 : index
    %get3A_320 = tpu.vector_load %arg7[%get3A_319] {strides = array<i32>} : memref<2048xf32, #tpu.memory_space<vmem>>, vector<16xf32>,
    %add3A_321 = arith.addf %add3A_315, %get3A_320 : vector<16xf32>
    %get3A_322 = arith.constant 640 : index
    %get3A_323 = tpu.vector_load %arg7[%get3A_322] {strides = array<i32>} : memref<2048xf32, #tpu.memory_space<vmem>>, vector<16xf32>,
    %add3A_324 = arith.addf %add3A_318, %get3A_323 : vector<16xf32>
    %get3A_325 = arith.constant 1664 : index
    %get3A_326 = tpu.vector_load %arg7[%get3A_325] {strides = array<i32>} : memref<2048xf32, #tpu.memory_space<vmem>>, vector<16xf32>,
    %add3A_327 = arith.addf %add3A_321, %get3A_326 : vector<16xf32>
    %get3A_328 = arith.constant 704 : index
    %get3A_329 = tpu.vector_load %arg7[%get3A_328] {strides = array<i32>} : memref<2048xf32, #tpu.memory_space<vmem>>, vector<16xf32>,
    %add3A_330 = arith.addf %add3A_324, %get3A_329 : vector<16xf32>
    %get3A_331 = arith.constant 1728 : index
    %get3A_332 = tpu.vector_load %arg7[%get3A_331] {strides = array<i32>} : memref<2048xf32, #tpu.memory_space<vmem>>, vector<16xf32>,
    %add3A_333 = arith.addf %add3A_327, %get3A_332 : vector<16xf32>
    %get3A_334 = arith.constant 768 : index
    %get3A_335 = tpu.vector_load %arg7[%get3A_334] {strides = array<i32>} : memref<2048xf32, #tpu.memory_space<vmem>>, vector<16xf32>,
    %add3A_336 = arith.addf %add3A_330, %get3A_335 : vector<16xf32>
    %get3A_337 = arith.constant 1792 : index
    %get3A_338 = tpu.vector_load %arg7[%get3A_337] {strides = array<i32>} : memref<2048xf32, #tpu.memory_space<vmem>>, vector<16xf32>,
    %add3A_339 = arith.addf %add3A_333, %get3A_338 : vector<16xf32>
    %get3A_340 = arith.constant 832 : index
    %get3A_341 = tpu.vector_load %arg7[%get3A_340] {strides = array<i32>} : memref<2048xf32, #tpu.memory_space<vmem>>, vector<16xf32>,
    %add3A_342 = arith.addf %add3A_336, %get3A_341 : vector<16xf32>
    %get3A_343 = arith.constant 1856 : index
    %get3A_344 = tpu.vector_load %arg7[%get3A_343] {strides = array<i32>} : memref<2048xf32, #tpu.memory_space<vmem>>, vector<16xf32>,
    %add3A_345 = arith.addf %add3A_339, %get3A_344 : vector<16xf32>
    %get3A_346 = arith.constant 896 : index
    %get3A_347 = tpu.vector_load %arg7[%get3A_346] {strides = array<i32>} : memref<2048xf32, #tpu.memory_space<vmem>>, vector<16xf32>,
    %add3A_348 = arith.addf %add3A_342, %get3A_347 : vector<16xf32>
    %get3A_349 = arith.constant 1920 : index
    %get3A_350 = tpu.vector_load %arg7[%get3A_349] {strides = array<i32>} : memref<2048xf32, #tpu.memory_space<vmem>>, vector<16xf32>,
    %add3A_351 = arith.addf %add3A_345, %get3A_350 : vector<16xf32>
    %get3A_352 = arith.constant 960 : index
    %get3A_353 = tpu.vector_load %arg7[%get3A_352] {strides = array<i32>} : memref<2048xf32, #tpu.memory_space<vmem>>, vector<16xf32>,
    %add3A_354 = arith.addf %add3A_348, %get3A_353 : vector<16xf32>
    %get3A_355 = arith.constant 1984 : index
    %get3A_356 = tpu.vector_load %arg7[%get3A_355] {strides = array<i32>} : memref<2048xf32, #tpu.memory_space<vmem>>, vector<16xf32>,
    %add3A_357 = arith.addf %add3A_351, %get3A_356 : vector<16xf32>
    %swap3A_358 = arith.constant 0 : index
    %swap3A_359 = tpu.vector_load %arg8[%swap3A_358] {strides = array<i32>} : memref<128xf32, #tpu.memory_space<vmem>>, vector<16xf32>,
    tpu.vector_store %arg8[%swap3A_358], %add3A_354 {strides = array<i32>} : memref<128xf32, #tpu.memory_space<vmem>>, vector<16xf32>,
    %swap3A_360 = arith.constant 64 : index
    %swap3A_361 = tpu.vector_load %arg8[%swap3A_360] {strides = array<i32>} : memref<128xf32, #tpu.memory_space<vmem>>, vector<16xf32>,
    tpu.vector_store %arg8[%swap3A_360], %add3A_357 {strides = array<i32>} : memref<128xf32, #tpu.memory_space<vmem>>, vector<16xf32>,
    %get3A_362 = arith.constant 16 : index
    %get3A_363 = tpu.vector_load %arg7[%get3A_362] {strides = array<i32>} : memref<2048xf32, #tpu.memory_space<vmem>>, vector<16xf32>,
    %add3A_364 = arith.addf %broadcast_in_dim3A_1, %get3A_363 : vector<16xf32>
    %get3A_365 = arith.constant 1040 : index
    %get3A_366 = tpu.vector_load %arg7[%get3A_365] {strides = array<i32>} : memref<2048xf32, #tpu.memory_space<vmem>>, vector<16xf32>,
    %add3A_367 = arith.addf %broadcast_in_dim3A_1, %get3A_366 : vector<16xf32>
    %get3A_368 = arith.constant 80 : index
    %get3A_369 = tpu.vector_load %arg7[%get3A_368] {strides = array<i32>} : memref<2048xf32, #tpu.memory_space<vmem>>, vector<16xf32>,
    %add3A_370 = arith.addf %add3A_364, %get3A_369 : vector<16xf32>
    %get3A_371 = arith.constant 1104 : index
    %get3A_372 = tpu.vector_load %arg7[%get3A_371] {strides = array<i32>} : memref<2048xf32, #tpu.memory_space<vmem>>, vector<16xf32>,
    %add3A_373 = arith.addf %add3A_367, %get3A_372 : vector<16xf32>
    %get3A_374 = arith.constant 144 : index
    %get3A_375 = tpu.vector_load %arg7[%get3A_374] {strides = array<i32>} : memref<2048xf32, #tpu.memory_space<vmem>>, vector<16xf32>,
    %add3A_376 = arith.addf %add3A_370, %get3A_375 : vector<16xf32>
    %get3A_377 = arith.constant 1168 : index
    %get3A_378 = tpu.vector_load %arg7[%get3A_377] {strides = array<i32>} : memref<2048xf32, #tpu.memory_space<vmem>>, vector<16xf32>,
    %add3A_379 = arith.addf %add3A_373, %get3A_378 : vector<16xf32>
    %get3A_380 = arith.constant 208 : index
    %get3A_381 = tpu.vector_load %arg7[%get3A_380] {strides = array<i32>} : memref<2048xf32, #tpu.memory_space<vmem>>, vector<16xf32>,
    %add3A_382 = arith.addf %add3A_376, %get3A_381 : vector<16xf32>
    %get3A_383 = arith.constant 1232 : index
    %get3A_384 = tpu.vector_load %arg7[%get3A_383] {strides = array<i32>} : memref<2048xf32, #tpu.memory_space<vmem>>, vector<16xf32>,
    %add3A_385 = arith.addf %add3A_379, %get3A_384 : vector<16xf32>
    %get3A_386 = arith.constant 272 : index
    %get3A_387 = tpu.vector_load %arg7[%get3A_386] {strides = array<i32>} : memref<2048xf32, #tpu.memory_space<vmem>>, vector<16xf32>,
    %add3A_388 = arith.addf %add3A_382, %get3A_387 : vector<16xf32>
    %get3A_389 = arith.constant 1296 : index
    %get3A_390 = tpu.vector_load %arg7[%get3A_389] {strides = array<i32>} : memref<2048xf32, #tpu.memory_space<vmem>>, vector<16xf32>,
    %add3A_391 = arith.addf %add3A_385, %get3A_390 : vector<16xf32>
    %get3A_392 = arith.constant 336 : index
    %get3A_393 = tpu.vector_load %arg7[%get3A_392] {strides = array<i32>} : memref<2048xf32, #tpu.memory_space<vmem>>, vector<16xf32>,
    %add3A_394 = arith.addf %add3A_388, %get3A_393 : vector<16xf32>
    %get3A_395 = arith.constant 1360 : index
    %get3A_396 = tpu.vector_load %arg7[%get3A_395] {strides = array<i32>} : memref<2048xf32, #tpu.memory_space<vmem>>, vector<16xf32>,
    %add3A_397 = arith.addf %add3A_391, %get3A_396 : vector<16xf32>
    %get3A_398 = arith.constant 400 : index
    %get3A_399 = tpu.vector_load %arg7[%get3A_398] {strides = array<i32>} : memref<2048xf32, #tpu.memory_space<vmem>>, vector<16xf32>,
    %add3A_400 = arith.addf %add3A_394, %get3A_399 : vector<16xf32>
    %get3A_401 = arith.constant 1424 : index
    %get3A_402 = tpu.vector_load %arg7[%get3A_401] {strides = array<i32>} : memref<2048xf32, #tpu.memory_space<vmem>>, vector<16xf32>,
    %add3A_403 = arith.addf %add3A_397, %get3A_402 : vector<16xf32>
    %get3A_404 = arith.constant 464 : index
    %get3A_405 = tpu.vector_load %arg7[%get3A_404] {strides = array<i32>} : memref<2048xf32, #tpu.memory_space<vmem>>, vector<16xf32>,
    %add3A_406 = arith.addf %add3A_400, %get3A_405 : vector<16xf32>
    %get3A_407 = arith.constant 1488 : index
    %get3A_408 = tpu.vector_load %arg7[%get3A_407] {strides = array<i32>} : memref<2048xf32, #tpu.memory_space<vmem>>, vector<16xf32>,
    %add3A_409 = arith.addf %add3A_403, %get3A_408 : vector<16xf32>
    %get3A_410 = arith.constant 528 : index
    %get3A_411 = tpu.vector_load %arg7[%get3A_410] {strides = array<i32>} : memref<2048xf32, #tpu.memory_space<vmem>>, vector<16xf32>,
    %add3A_412 = arith.addf %add3A_406, %get3A_411 : vector<16xf32>
    %get3A_413 = arith.constant 1552 : index
    %get3A_414 = tpu.vector_load %arg7[%get3A_413] {strides = array<i32>} : memref<2048xf32, #tpu.memory_space<vmem>>, vector<16xf32>,
    %add3A_415 = arith.addf %add3A_409, %get3A_414 : vector<16xf32>
    %get3A_416 = arith.constant 592 : index
    %get3A_417 = tpu.vector_load %arg7[%get3A_416] {strides = array<i32>} : memref<2048xf32, #tpu.memory_space<vmem>>, vector<16xf32>,
    %add3A_418 = arith.addf %add3A_412, %get3A_417 : vector<16xf32>
    %get3A_419 = arith.constant 1616 : index
    %get3A_420 = tpu.vector_load %arg7[%get3A_419] {strides = array<i32>} : memref<2048xf32, #tpu.memory_space<vmem>>, vector<16xf32>,
    %add3A_421 = arith.addf %add3A_415, %get3A_420 : vector<16xf32>
    %get3A_422 = arith.constant 656 : index
    %get3A_423 = tpu.vector_load %arg7[%get3A_422] {strides = array<i32>} : memref<2048xf32, #tpu.memory_space<vmem>>, vector<16xf32>,
    %add3A_424 = arith.addf %add3A_418, %get3A_423 : vector<16xf32>
    %get3A_425 = arith.constant 1680 : index
    %get3A_426 = tpu.vector_load %arg7[%get3A_425] {strides = array<i32>} : memref<2048xf32, #tpu.memory_space<vmem>>, vector<16xf32>,
    %add3A_427 = arith.addf %add3A_421, %get3A_426 : vector<16xf32>
    %get3A_428 = arith.constant 720 : index
    %get3A_429 = tpu.vector_load %arg7[%get3A_428] {strides = array<i32>} : memref<2048xf32, #tpu.memory_space<vmem>>, vector<16xf32>,
    %add3A_430 = arith.addf %add3A_424, %get3A_429 : vector<16xf32>
    %get3A_431 = arith.constant 1744 : index
    %get3A_432 = tpu.vector_load %arg7[%get3A_431] {strides = array<i32>} : memref<2048xf32, #tpu.memory_space<vmem>>, vector<16xf32>,
    %add3A_433 = arith.addf %add3A_427, %get3A_432 : vector<16xf32>
    %get3A_434 = arith.constant 784 : index
    %get3A_435 = tpu.vector_load %arg7[%get3A_434] {strides = array<i32>} : memref<2048xf32, #tpu.memory_space<vmem>>, vector<16xf32>,
    %add3A_436 = arith.addf %add3A_430, %get3A_435 : vector<16xf32>
    %get3A_437 = arith.constant 1808 : index
    %get3A_438 = tpu.vector_load %arg7[%get3A_437] {strides = array<i32>} : memref<2048xf32, #tpu.memory_space<vmem>>, vector<16xf32>,
    %add3A_439 = arith.addf %add3A_433, %get3A_438 : vector<16xf32>
    %get3A_440 = arith.constant 848 : index
    %get3A_441 = tpu.vector_load %arg7[%get3A_440] {strides = array<i32>} : memref<2048xf32, #tpu.memory_space<vmem>>, vector<16xf32>,
    %add3A_442 = arith.addf %add3A_436, %get3A_441 : vector<16xf32>
    %get3A_443 = arith.constant 1872 : index
    %get3A_444 = tpu.vector_load %arg7[%get3A_443] {strides = array<i32>} : memref<2048xf32, #tpu.memory_space<vmem>>, vector<16xf32>,
    %add3A_445 = arith.addf %add3A_439, %get3A_444 : vector<16xf32>
    %get3A_446 = arith.constant 912 : index
    %get3A_447 = tpu.vector_load %arg7[%get3A_446] {strides = array<i32>} : memref<2048xf32, #tpu.memory_space<vmem>>, vector<16xf32>,
    %add3A_448 = arith.addf %add3A_442, %get3A_447 : vector<16xf32>
    %get3A_449 = arith.constant 1936 : index
    %get3A_450 = tpu.vector_load %arg7[%get3A_449] {strides = array<i32>} : memref<2048xf32, #tpu.memory_space<vmem>>, vector<16xf32>,
    %add3A_451 = arith.addf %add3A_445, %get3A_450 : vector<16xf32>
    %get3A_452 = arith.constant 976 : index
    %get3A_453 = tpu.vector_load %arg7[%get3A_452] {strides = array<i32>} : memref<2048xf32, #tpu.memory_space<vmem>>, vector<16xf32>,
    %add3A_454 = arith.addf %add3A_448, %get3A_453 : vector<16xf32>
    %get3A_455 = arith.constant 2000 : index
    %get3A_456 = tpu.vector_load %arg7[%get3A_455] {strides = array<i32>} : memref<2048xf32, #tpu.memory_space<vmem>>, vector<16xf32>,
    %add3A_457 = arith.addf %add3A_451, %get3A_456 : vector<16xf32>
    %swap3A_458 = arith.constant 16 : index
    %swap3A_459 = tpu.vector_load %arg8[%swap3A_458] {strides = array<i32>} : memref<128xf32, #tpu.memory_space<vmem>>, vector<16xf32>,
    tpu.vector_store %arg8[%swap3A_458], %add3A_454 {strides = array<i32>} : memref<128xf32, #tpu.memory_space<vmem>>, vector<16xf32>,
    %swap3A_460 = arith.constant 80 : index
    %swap3A_461 = tpu.vector_load %arg8[%swap3A_460] {strides = array<i32>} : memref<128xf32, #tpu.memory_space<vmem>>, vector<16xf32>,
    tpu.vector_store %arg8[%swap3A_460], %add3A_457 {strides = array<i32>} : memref<128xf32, #tpu.memory_space<vmem>>, vector<16xf32>,
    %get3A_462 = arith.constant 32 : index
    %get3A_463 = tpu.vector_load %arg7[%get3A_462] {strides = array<i32>} : memref<2048xf32, #tpu.memory_space<vmem>>, vector<16xf32>,
    %add3A_464 = arith.addf %broadcast_in_dim3A_1, %get3A_463 : vector<16xf32>
    %get3A_465 = arith.constant 1056 : index
    %get3A_466 = tpu.vector_load %arg7[%get3A_465] {strides = array<i32>} : memref<2048xf32, #tpu.memory_space<vmem>>, vector<16xf32>,
    %add3A_467 = arith.addf %broadcast_in_dim3A_1, %get3A_466 : vector<16xf32>
    %get3A_468 = arith.constant 96 : index
    %get3A_469 = tpu.vector_load %arg7[%get3A_468] {strides = array<i32>} : memref<2048xf32, #tpu.memory_space<vmem>>, vector<16xf32>,
    %add3A_470 = arith.addf %add3A_464, %get3A_469 : vector<16xf32>
    %get3A_471 = arith.constant 1120 : index
    %get3A_472 = tpu.vector_load %arg7[%get3A_471] {strides = array<i32>} : memref<2048xf32, #tpu.memory_space<vmem>>, vector<16xf32>,
    %add3A_473 = arith.addf %add3A_467, %get3A_472 : vector<16xf32>
    %get3A_474 = arith.constant 160 : index
    %get3A_475 = tpu.vector_load %arg7[%get3A_474] {strides = array<i32>} : memref<2048xf32, #tpu.memory_space<vmem>>, vector<16xf32>,
    %add3A_476 = arith.addf %add3A_470, %get3A_475 : vector<16xf32>
    %get3A_477 = arith.constant 1184 : index
    %get3A_478 = tpu.vector_load %arg7[%get3A_477] {strides = array<i32>} : memref<2048xf32, #tpu.memory_space<vmem>>, vector<16xf32>,
    %add3A_479 = arith.addf %add3A_473, %get3A_478 : vector<16xf32>
    %get3A_480 = arith.constant 224 : index
    %get3A_481 = tpu.vector_load %arg7[%get3A_480] {strides = array<i32>} : memref<2048xf32, #tpu.memory_space<vmem>>, vector<16xf32>,
    %add3A_482 = arith.addf %add3A_476, %get3A_481 : vector<16xf32>
    %get3A_483 = arith.constant 1248 : index
    %get3A_484 = tpu.vector_load %arg7[%get3A_483] {strides = array<i32>} : memref<2048xf32, #tpu.memory_space<vmem>>, vector<16xf32>,
    %add3A_485 = arith.addf %add3A_479, %get3A_484 : vector<16xf32>
    %get3A_486 = arith.constant 288 : index
    %get3A_487 = tpu.vector_load %arg7[%get3A_486] {strides = array<i32>} : memref<2048xf32, #tpu.memory_space<vmem>>, vector<16xf32>,
    %add3A_488 = arith.addf %add3A_482, %get3A_487 : vector<16xf32>
    %get3A_489 = arith.constant 1312 : index
    %get3A_490 = tpu.vector_load %arg7[%get3A_489] {strides = array<i32>} : memref<2048xf32, #tpu.memory_space<vmem>>, vector<16xf32>,
    %add3A_491 = arith.addf %add3A_485, %get3A_490 : vector<16xf32>
    %get3A_492 = arith.constant 352 : index
    %get3A_493 = tpu.vector_load %arg7[%get3A_492] {strides = array<i32>} : memref<2048xf32, #tpu.memory_space<vmem>>, vector<16xf32>,
    %add3A_494 = arith.addf %add3A_488, %get3A_493 : vector<16xf32>
    %get3A_495 = arith.constant 1376 : index
    %get3A_496 = tpu.vector_load %arg7[%get3A_495] {strides = array<i32>} : memref<2048xf32, #tpu.memory_space<vmem>>, vector<16xf32>,
    %add3A_497 = arith.addf %add3A_491, %get3A_496 : vector<16xf32>
    %get3A_498 = arith.constant 416 : index
    %get3A_499 = tpu.vector_load %arg7[%get3A_498] {strides = array<i32>} : memref<2048xf32, #tpu.memory_space<vmem>>, vector<16xf32>,
    %add3A_500 = arith.addf %add3A_494, %get3A_499 : vector<16xf32>
    %get3A_501 = arith.constant 1440 : index
    %get3A_502 = tpu.vector_load %arg7[%get3A_501] {strides = array<i32>} : memref<2048xf32, #tpu.memory_space<vmem>>, vector<16xf32>,
    %add3A_503 = arith.addf %add3A_497, %get3A_502 : vector<16xf32>
    %get3A_504 = arith.constant 480 : index
    %get3A_505 = tpu.vector_load %arg7[%get3A_504] {strides = array<i32>} : memref<2048xf32, #tpu.memory_space<vmem>>, vector<16xf32>,
    %add3A_506 = arith.addf %add3A_500, %get3A_505 : vector<16xf32>
    %get3A_507 = arith.constant 1504 : index
    %get3A_508 = tpu.vector_load %arg7[%get3A_507] {strides = array<i32>} : memref<2048xf32, #tpu.memory_space<vmem>>, vector<16xf32>,
    %add3A_509 = arith.addf %add3A_503, %get3A_508 : vector<16xf32>
    %get3A_510 = arith.constant 544 : index
    %get3A_511 = tpu.vector_load %arg7[%get3A_510] {strides = array<i32>} : memref<2048xf32, #tpu.memory_space<vmem>>, vector<16xf32>,
    %add3A_512 = arith.addf %add3A_506, %get3A_511 : vector<16xf32>
    %get3A_513 = arith.constant 1568 : index
    %get3A_514 = tpu.vector_load %arg7[%get3A_513] {strides = array<i32>} : memref<2048xf32, #tpu.memory_space<vmem>>, vector<16xf32>,
    %add3A_515 = arith.addf %add3A_509, %get3A_514 : vector<16xf32>
    %get3A_516 = arith.constant 608 : index
    %get3A_517 = tpu.vector_load %arg7[%get3A_516] {strides = array<i32>} : memref<2048xf32, #tpu.memory_space<vmem>>, vector<16xf32>,
    %add3A_518 = arith.addf %add3A_512, %get3A_517 : vector<16xf32>
    %get3A_519 = arith.constant 1632 : index
    %get3A_520 = tpu.vector_load %arg7[%get3A_519] {strides = array<i32>} : memref<2048xf32, #tpu.memory_space<vmem>>, vector<16xf32>,
    %add3A_521 = arith.addf %add3A_515, %get3A_520 : vector<16xf32>
    %get3A_522 = arith.constant 672 : index
    %get3A_523 = tpu.vector_load %arg7[%get3A_522] {strides = array<i32>} : memref<2048xf32, #tpu.memory_space<vmem>>, vector<16xf32>,
    %add3A_524 = arith.addf %add3A_518, %get3A_523 : vector<16xf32>
    %get3A_525 = arith.constant 1696 : index
    %get3A_526 = tpu.vector_load %arg7[%get3A_525] {strides = array<i32>} : memref<2048xf32, #tpu.memory_space<vmem>>, vector<16xf32>,
    %add3A_527 = arith.addf %add3A_521, %get3A_526 : vector<16xf32>
    %get3A_528 = arith.constant 736 : index
    %get3A_529 = tpu.vector_load %arg7[%get3A_528] {strides = array<i32>} : memref<2048xf32, #tpu.memory_space<vmem>>, vector<16xf32>,
    %add3A_530 = arith.addf %add3A_524, %get3A_529 : vector<16xf32>
    %get3A_531 = arith.constant 1760 : index
    %get3A_532 = tpu.vector_load %arg7[%get3A_531] {strides = array<i32>} : memref<2048xf32, #tpu.memory_space<vmem>>, vector<16xf32>,
    %add3A_533 = arith.addf %add3A_527, %get3A_532 : vector<16xf32>
    %get3A_534 = arith.constant 800 : index
    %get3A_535 = tpu.vector_load %arg7[%get3A_534] {strides = array<i32>} : memref<2048xf32, #tpu.memory_space<vmem>>, vector<16xf32>,
    %add3A_536 = arith.addf %add3A_530, %get3A_535 : vector<16xf32>
    %get3A_537 = arith.constant 1824 : index
    %get3A_538 = tpu.vector_load %arg7[%get3A_537] {strides = array<i32>} : memref<2048xf32, #tpu.memory_space<vmem>>, vector<16xf32>,
    %add3A_539 = arith.addf %add3A_533, %get3A_538 : vector<16xf32>
    %get3A_540 = arith.constant 864 : index
    %get3A_541 = tpu.vector_load %arg7[%get3A_540] {strides = array<i32>} : memref<2048xf32, #tpu.memory_space<vmem>>, vector<16xf32>,
    %add3A_542 = arith.addf %add3A_536, %get3A_541 : vector<16xf32>
    %get3A_543 = arith.constant 1888 : index
    %get3A_544 = tpu.vector_load %arg7[%get3A_543] {strides = array<i32>} : memref<2048xf32, #tpu.memory_space<vmem>>, vector<16xf32>,
    %add3A_545 = arith.addf %add3A_539, %get3A_544 : vector<16xf32>
    %get3A_546 = arith.constant 928 : index
    %get3A_547 = tpu.vector_load %arg7[%get3A_546] {strides = array<i32>} : memref<2048xf32, #tpu.memory_space<vmem>>, vector<16xf32>,
    %add3A_548 = arith.addf %add3A_542, %get3A_547 : vector<16xf32>
    %get3A_549 = arith.constant 1952 : index
    %get3A_550 = tpu.vector_load %arg7[%get3A_549] {strides = array<i32>} : memref<2048xf32, #tpu.memory_space<vmem>>, vector<16xf32>,
    %add3A_551 = arith.addf %add3A_545, %get3A_550 : vector<16xf32>
    %get3A_552 = arith.constant 992 : index
    %get3A_553 = tpu.vector_load %arg7[%get3A_552] {strides = array<i32>} : memref<2048xf32, #tpu.memory_space<vmem>>, vector<16xf32>,
    %add3A_554 = arith.addf %add3A_548, %get3A_553 : vector<16xf32>
    %get3A_555 = arith.constant 2016 : index
    %get3A_556 = tpu.vector_load %arg7[%get3A_555] {strides = array<i32>} : memref<2048xf32, #tpu.memory_space<vmem>>, vector<16xf32>,
    %add3A_557 = arith.addf %add3A_551, %get3A_556 : vector<16xf32>
    %swap3A_558 = arith.constant 32 : index
    %swap3A_559 = tpu.vector_load %arg8[%swap3A_558] {strides = array<i32>} : memref<128xf32, #tpu.memory_space<vmem>>, vector<16xf32>,
    tpu.vector_store %arg8[%swap3A_558], %add3A_554 {strides = array<i32>} : memref<128xf32, #tpu.memory_space<vmem>>, vector<16xf32>,
    %swap3A_560 = arith.constant 96 : index
    %swap3A_561 = tpu.vector_load %arg8[%swap3A_560] {strides = array<i32>} : memref<128xf32, #tpu.memory_space<vmem>>, vector<16xf32>,
    tpu.vector_store %arg8[%swap3A_560], %add3A_557 {strides = array<i32>} : memref<128xf32, #tpu.memory_space<vmem>>, vector<16xf32>,
    %get3A_562 = arith.constant 48 : index
    %get3A_563 = tpu.vector_load %arg7[%get3A_562] {strides = array<i32>} : memref<2048xf32, #tpu.memory_space<vmem>>, vector<16xf32>,
    %add3A_564 = arith.addf %broadcast_in_dim3A_1, %get3A_563 : vector<16xf32>
    %get3A_565 = arith.constant 1072 : index
    %get3A_566 = tpu.vector_load %arg7[%get3A_565] {strides = array<i32>} : memref<2048xf32, #tpu.memory_space<vmem>>, vector<16xf32>,
    %add3A_567 = arith.addf %broadcast_in_dim3A_1, %get3A_566 : vector<16xf32>
    %get3A_568 = arith.constant 112 : index
    %get3A_569 = tpu.vector_load %arg7[%get3A_568] {strides = array<i32>} : memref<2048xf32, #tpu.memory_space<vmem>>, vector<16xf32>,
    %add3A_570 = arith.addf %add3A_564, %get3A_569 : vector<16xf32>
    %get3A_571 = arith.constant 1136 : index
    %get3A_572 = tpu.vector_load %arg7[%get3A_571] {strides = array<i32>} : memref<2048xf32, #tpu.memory_space<vmem>>, vector<16xf32>,
    %add3A_573 = arith.addf %add3A_567, %get3A_572 : vector<16xf32>
    %get3A_574 = arith.constant 176 : index
    %get3A_575 = tpu.vector_load %arg7[%get3A_574] {strides = array<i32>} : memref<2048xf32, #tpu.memory_space<vmem>>, vector<16xf32>,
    %add3A_576 = arith.addf %add3A_570, %get3A_575 : vector<16xf32>
    %get3A_577 = arith.constant 1200 : index
    %get3A_578 = tpu.vector_load %arg7[%get3A_577] {strides = array<i32>} : memref<2048xf32, #tpu.memory_space<vmem>>, vector<16xf32>,
    %add3A_579 = arith.addf %add3A_573, %get3A_578 : vector<16xf32>
    %get3A_580 = arith.constant 240 : index
    %get3A_581 = tpu.vector_load %arg7[%get3A_580] {strides = array<i32>} : memref<2048xf32, #tpu.memory_space<vmem>>, vector<16xf32>,
    %add3A_582 = arith.addf %add3A_576, %get3A_581 : vector<16xf32>
    %get3A_583 = arith.constant 1264 : index
    %get3A_584 = tpu.vector_load %arg7[%get3A_583] {strides = array<i32>} : memref<2048xf32, #tpu.memory_space<vmem>>, vector<16xf32>,
    %add3A_585 = arith.addf %add3A_579, %get3A_584 : vector<16xf32>
    %get3A_586 = arith.constant 304 : index
    %get3A_587 = tpu.vector_load %arg7[%get3A_586] {strides = array<i32>} : memref<2048xf32, #tpu.memory_space<vmem>>, vector<16xf32>,
    %add3A_588 = arith.addf %add3A_582, %get3A_587 : vector<16xf32>
    %get3A_589 = arith.constant 1328 : index
    %get3A_590 = tpu.vector_load %arg7[%get3A_589] {strides = array<i32>} : memref<2048xf32, #tpu.memory_space<vmem>>, vector<16xf32>,
    %add3A_591 = arith.addf %add3A_585, %get3A_590 : vector<16xf32>
    %get3A_592 = arith.constant 368 : index
    %get3A_593 = tpu.vector_load %arg7[%get3A_592] {strides = array<i32>} : memref<2048xf32, #tpu.memory_space<vmem>>, vector<16xf32>,
    %add3A_594 = arith.addf %add3A_588, %get3A_593 : vector<16xf32>
    %get3A_595 = arith.constant 1392 : index
    %get3A_596 = tpu.vector_load %arg7[%get3A_595] {strides = array<i32>} : memref<2048xf32, #tpu.memory_space<vmem>>, vector<16xf32>,
    %add3A_597 = arith.addf %add3A_591, %get3A_596 : vector<16xf32>
    %get3A_598 = arith.constant 432 : index
    %get3A_599 = tpu.vector_load %arg7[%get3A_598] {strides = array<i32>} : memref<2048xf32, #tpu.memory_space<vmem>>, vector<16xf32>,
    %add3A_600 = arith.addf %add3A_594, %get3A_599 : vector<16xf32>
    %get3A_601 = arith.constant 1456 : index
    %get3A_602 = tpu.vector_load %arg7[%get3A_601] {strides = array<i32>} : memref<2048xf32, #tpu.memory_space<vmem>>, vector<16xf32>,
    %add3A_603 = arith.addf %add3A_597, %get3A_602 : vector<16xf32>
    %get3A_604 = arith.constant 496 : index
    %get3A_605 = tpu.vector_load %arg7[%get3A_604] {strides = array<i32>} : memref<2048xf32, #tpu.memory_space<vmem>>, vector<16xf32>,
    %add3A_606 = arith.addf %add3A_600, %get3A_605 : vector<16xf32>
    %get3A_607 = arith.constant 1520 : index
    %get3A_608 = tpu.vector_load %arg7[%get3A_607] {strides = array<i32>} : memref<2048xf32, #tpu.memory_space<vmem>>, vector<16xf32>,
    %add3A_609 = arith.addf %add3A_603, %get3A_608 : vector<16xf32>
    %get3A_610 = arith.constant 560 : index
    %get3A_611 = tpu.vector_load %arg7[%get3A_610] {strides = array<i32>} : memref<2048xf32, #tpu.memory_space<vmem>>, vector<16xf32>,
    %add3A_612 = arith.addf %add3A_606, %get3A_611 : vector<16xf32>
    %get3A_613 = arith.constant 1584 : index
    %get3A_614 = tpu.vector_load %arg7[%get3A_613] {strides = array<i32>} : memref<2048xf32, #tpu.memory_space<vmem>>, vector<16xf32>,
    %add3A_615 = arith.addf %add3A_609, %get3A_614 : vector<16xf32>
    %get3A_616 = arith.constant 624 : index
    %get3A_617 = tpu.vector_load %arg7[%get3A_616] {strides = array<i32>} : memref<2048xf32, #tpu.memory_space<vmem>>, vector<16xf32>,
    %add3A_618 = arith.addf %add3A_612, %get3A_617 : vector<16xf32>
    %get3A_619 = arith.constant 1648 : index
    %get3A_620 = tpu.vector_load %arg7[%get3A_619] {strides = array<i32>} : memref<2048xf32, #tpu.memory_space<vmem>>, vector<16xf32>,
    %add3A_621 = arith.addf %add3A_615, %get3A_620 : vector<16xf32>
    %get3A_622 = arith.constant 688 : index
    %get3A_623 = tpu.vector_load %arg7[%get3A_622] {strides = array<i32>} : memref<2048xf32, #tpu.memory_space<vmem>>, vector<16xf32>,
    %add3A_624 = arith.addf %add3A_618, %get3A_623 : vector<16xf32>
    %get3A_625 = arith.constant 1712 : index
    %get3A_626 = tpu.vector_load %arg7[%get3A_625] {strides = array<i32>} : memref<2048xf32, #tpu.memory_space<vmem>>, vector<16xf32>,
    %add3A_627 = arith.addf %add3A_621, %get3A_626 : vector<16xf32>
    %get3A_628 = arith.constant 752 : index
    %get3A_629 = tpu.vector_load %arg7[%get3A_628] {strides = array<i32>} : memref<2048xf32, #tpu.memory_space<vmem>>, vector<16xf32>,
    %add3A_630 = arith.addf %add3A_624, %get3A_629 : vector<16xf32>
    %get3A_631 = arith.constant 1776 : index
    %get3A_632 = tpu.vector_load %arg7[%get3A_631] {strides = array<i32>} : memref<2048xf32, #tpu.memory_space<vmem>>, vector<16xf32>,
    %add3A_633 = arith.addf %add3A_627, %get3A_632 : vector<16xf32>
    %get3A_634 = arith.constant 816 : index
    %get3A_635 = tpu.vector_load %arg7[%get3A_634] {strides = array<i32>} : memref<2048xf32, #tpu.memory_space<vmem>>, vector<16xf32>,
    %add3A_636 = arith.addf %add3A_630, %get3A_635 : vector<16xf32>
    %get3A_637 = arith.constant 1840 : index
    %get3A_638 = tpu.vector_load %arg7[%get3A_637] {strides = array<i32>} : memref<2048xf32, #tpu.memory_space<vmem>>, vector<16xf32>,
    %add3A_639 = arith.addf %add3A_633, %get3A_638 : vector<16xf32>
    %get3A_640 = arith.constant 880 : index
    %get3A_641 = tpu.vector_load %arg7[%get3A_640] {strides = array<i32>} : memref<2048xf32, #tpu.memory_space<vmem>>, vector<16xf32>,
    %add3A_642 = arith.addf %add3A_636, %get3A_641 : vector<16xf32>
    %get3A_643 = arith.constant 1904 : index
    %get3A_644 = tpu.vector_load %arg7[%get3A_643] {strides = array<i32>} : memref<2048xf32, #tpu.memory_space<vmem>>, vector<16xf32>,
    %add3A_645 = arith.addf %add3A_639, %get3A_644 : vector<16xf32>
    %get3A_646 = arith.constant 944 : index
    %get3A_647 = tpu.vector_load %arg7[%get3A_646] {strides = array<i32>} : memref<2048xf32, #tpu.memory_space<vmem>>, vector<16xf32>,
    %add3A_648 = arith.addf %add3A_642, %get3A_647 : vector<16xf32>
    %get3A_649 = arith.constant 1968 : index
    %get3A_650 = tpu.vector_load %arg7[%get3A_649] {strides = array<i32>} : memref<2048xf32, #tpu.memory_space<vmem>>, vector<16xf32>,
    %add3A_651 = arith.addf %add3A_645, %get3A_650 : vector<16xf32>
    %get3A_652 = arith.constant 1008 : index
    %get3A_653 = tpu.vector_load %arg7[%get3A_652] {strides = array<i32>} : memref<2048xf32, #tpu.memory_space<vmem>>, vector<16xf32>,
    %add3A_654 = arith.addf %add3A_648, %get3A_653 : vector<16xf32>
    %get3A_655 = arith.constant 2032 : index
    %get3A_656 = tpu.vector_load %arg7[%get3A_655] {strides = array<i32>} : memref<2048xf32, #tpu.memory_space<vmem>>, vector<16xf32>,
    %add3A_657 = arith.addf %add3A_651, %get3A_656 : vector<16xf32>
    %swap3A_658 = arith.constant 48 : index
    %swap3A_659 = tpu.vector_load %arg8[%swap3A_658] {strides = array<i32>} : memref<128xf32, #tpu.memory_space<vmem>>, vector<16xf32>,
    tpu.vector_store %arg8[%swap3A_658], %add3A_654 {strides = array<i32>} : memref<128xf32, #tpu.memory_space<vmem>>, vector<16xf32>,
    %swap3A_660 = arith.constant 112 : index
    %swap3A_661 = tpu.vector_load %arg8[%swap3A_660] {strides = array<i32>} : memref<128xf32, #tpu.memory_space<vmem>>, vector<16xf32>,
    tpu.vector_store %arg8[%swap3A_660], %add3A_657 {strides = array<i32>} : memref<128xf32, #tpu.memory_space<vmem>>, vector<16xf32>,
    "tpu.region"() ({
      %run_scoped3A = tpu.sem_alloc : memref<!tpu.dma_semaphore, #tpu.memory_space<semaphore_mem>>
      %dma_start3A = arith.constant 0 : i32
      %dma_start3A_1719 = tpu.memref_slice %arg13[%arg1, %dma_start3A] : memref<16x128xf32, #tpu.memory_space<vmem_shared>> -> memref<1x128xf32, #tpu.memory_space<vmem_shared>>
      %dma_start3A_1720 = tpu.memref_squeeze %dma_start3A_1719 : memref<1x128xf32, #tpu.memory_space<vmem_shared>> -> memref<128xf32, #tpu.memory_space<vmem_shared>>
      %dma_start3A_1721 = arith.constant 0 : i32
      %dma_start3A_1722 = tpu.memref_slice %arg13[%arg1, %dma_start3A_1721] : memref<16x128xf32, #tpu.memory_space<vmem_shared>> -> memref<1x128xf32, #tpu.memory_space<vmem_shared>>
      %dma_start3A_1723 = tpu.memref_squeeze %dma_start3A_1722 : memref<1x128xf32, #tpu.memory_space<vmem_shared>> -> memref<128xf32, #tpu.memory_space<vmem_shared>>
      tpu.enqueue_dma source(%arg8 : memref<128xf32, #tpu.memory_space<vmem>>) target(%dma_start3A_1723 : memref<128xf32, #tpu.memory_space<vmem_shared>>) target_semaphore(%run_scoped3A : memref<!tpu.dma_semaphore, #tpu.memory_space<semaphore_mem>>)
      %dma_wait3A = arith.constant 0 : i32
      %dma_wait3A_1724 = tpu.memref_slice %arg13[%arg1, %dma_wait3A] : memref<16x128xf32, #tpu.memory_space<vmem_shared>> -> memref<1x128xf32, #tpu.memory_space<vmem_shared>>
      %dma_wait3A_1725 = tpu.memref_squeeze %dma_wait3A_1724 : memref<1x128xf32, #tpu.memory_space<vmem_shared>> -> memref<128xf32, #tpu.memory_space<vmem_shared>>
      %dma_wait3A_1726 = arith.constant 0 : i32
      %dma_wait3A_1727 = tpu.memref_slice %arg13[%arg1, %dma_wait3A_1726] : memref<16x128xf32, #tpu.memory_space<vmem_shared>> -> memref<1x128xf32, #tpu.memory_space<vmem_shared>>
      %dma_wait3A_1728 = tpu.memref_squeeze %dma_wait3A_1727 : memref<1x128xf32, #tpu.memory_space<vmem_shared>> -> memref<128xf32, #tpu.memory_space<vmem_shared>>
      tpu.wait_dma2 semaphore(%run_scoped3A : memref<!tpu.dma_semaphore, #tpu.memory_space<semaphore_mem>>) src(%arg8 : memref<128xf32, #tpu.memory_space<vmem>>) dst(%dma_wait3A_1728 : memref<128xf32, #tpu.memory_space<vmem_shared>>)
      tpu.yield
    }) : () -> ()
    %barrier3A = arith.constant 0 : index
    tpu.barrier barrier_id(%barrier3A)
    "tpu.region"() ({
      %run_scoped3A = tpu.sem_alloc : memref<!tpu.dma_semaphore, #tpu.memory_space<semaphore_mem>>
      tpu.enqueue_dma source(%arg13 : memref<16x128xf32, #tpu.memory_space<vmem_shared>>) target(%arg9 : memref<16x128xf32, #tpu.memory_space<vmem>>) target_semaphore(%run_scoped3A : memref<!tpu.dma_semaphore, #tpu.memory_space<semaphore_mem>>)
      tpu.wait_dma2 semaphore(%run_scoped3A : memref<!tpu.dma_semaphore, #tpu.memory_space<semaphore_mem>>) src(%arg13 : memref<16x128xf32, #tpu.memory_space<vmem_shared>>) dst(%arg9 : memref<16x128xf32, #tpu.memory_space<vmem>>)
      tpu.yield
    }) : () -> ()
    %get3A_662 = arith.constant 0 : i32
    %get3A_663 = arith.index_cast %get3A_662 : i32 to index
    %get3A_664 = arith.constant 0 : index
    %get3A_665 = tpu.vector_load %arg9[%get3A_663, %get3A_664] {strides = array<i32>} : memref<16x128xf32, #tpu.memory_space<vmem>>, vector<16xf32>,
    %add3A_666 = arith.addf %broadcast_in_dim3A_1, %get3A_665 : vector<16xf32>
    %get3A_667 = arith.constant 0 : i32
    %get3A_668 = arith.index_cast %get3A_667 : i32 to index
    %get3A_669 = arith.constant 64 : index
    %get3A_670 = tpu.vector_load %arg9[%get3A_668, %get3A_669] {strides = array<i32>} : memref<16x128xf32, #tpu.memory_space<vmem>>, vector<16xf32>,
    %add3A_671 = arith.addf %broadcast_in_dim3A_1, %get3A_670 : vector<16xf32>
    %get3A_672 = arith.constant 1 : i32
    %get3A_673 = arith.index_cast %get3A_672 : i32 to index
    %get3A_674 = arith.constant 0 : index
    %get3A_675 = tpu.vector_load %arg9[%get3A_673, %get3A_674] {strides = array<i32>} : memref<16x128xf32, #tpu.memory_space<vmem>>, vector<16xf32>,
    %add3A_676 = arith.addf %add3A_666, %get3A_675 : vector<16xf32>
    %get3A_677 = arith.constant 1 : i32
    %get3A_678 = arith.index_cast %get3A_677 : i32 to index
    %get3A_679 = arith.constant 64 : index
    %get3A_680 = tpu.vector_load %arg9[%get3A_678, %get3A_679] {strides = array<i32>} : memref<16x128xf32, #tpu.memory_space<vmem>>, vector<16xf32>,
    %add3A_681 = arith.addf %add3A_671, %get3A_680 : vector<16xf32>
    %get3A_682 = arith.constant 2 : i32
    %get3A_683 = arith.index_cast %get3A_682 : i32 to index
    %get3A_684 = arith.constant 0 : index
    %get3A_685 = tpu.vector_load %arg9[%get3A_683, %get3A_684] {strides = array<i32>} : memref<16x128xf32, #tpu.memory_space<vmem>>, vector<16xf32>,
    %add3A_686 = arith.addf %add3A_676, %get3A_685 : vector<16xf32>
    %get3A_687 = arith.constant 2 : i32
    %get3A_688 = arith.index_cast %get3A_687 : i32 to index
    %get3A_689 = arith.constant 64 : index
    %get3A_690 = tpu.vector_load %arg9[%get3A_688, %get3A_689] {strides = array<i32>} : memref<16x128xf32, #tpu.memory_space<vmem>>, vector<16xf32>,
    %add3A_691 = arith.addf %add3A_681, %get3A_690 : vector<16xf32>
    %get3A_692 = arith.constant 3 : i32
    %get3A_693 = arith.index_cast %get3A_692 : i32 to index
    %get3A_694 = arith.constant 0 : index
    %get3A_695 = tpu.vector_load %arg9[%get3A_693, %get3A_694] {strides = array<i32>} : memref<16x128xf32, #tpu.memory_space<vmem>>, vector<16xf32>,
    %add3A_696 = arith.addf %add3A_686, %get3A_695 : vector<16xf32>
    %get3A_697 = arith.constant 3 : i32
    %get3A_698 = arith.index_cast %get3A_697 : i32 to index
    %get3A_699 = arith.constant 64 : index
    %get3A_700 = tpu.vector_load %arg9[%get3A_698, %get3A_699] {strides = array<i32>} : memref<16x128xf32, #tpu.memory_space<vmem>>, vector<16xf32>,
    %add3A_701 = arith.addf %add3A_691, %get3A_700 : vector<16xf32>
    %get3A_702 = arith.constant 4 : i32
    %get3A_703 = arith.index_cast %get3A_702 : i32 to index
    %get3A_704 = arith.constant 0 : index
    %get3A_705 = tpu.vector_load %arg9[%get3A_703, %get3A_704] {strides = array<i32>} : memref<16x128xf32, #tpu.memory_space<vmem>>, vector<16xf32>,
    %add3A_706 = arith.addf %add3A_696, %get3A_705 : vector<16xf32>
    %get3A_707 = arith.constant 4 : i32
    %get3A_708 = arith.index_cast %get3A_707 : i32 to index
    %get3A_709 = arith.constant 64 : index
    %get3A_710 = tpu.vector_load %arg9[%get3A_708, %get3A_709] {strides = array<i32>} : memref<16x128xf32, #tpu.memory_space<vmem>>, vector<16xf32>,
    %add3A_711 = arith.addf %add3A_701, %get3A_710 : vector<16xf32>
    %get3A_712 = arith.constant 5 : i32
    %get3A_713 = arith.index_cast %get3A_712 : i32 to index
    %get3A_714 = arith.constant 0 : index
    %get3A_715 = tpu.vector_load %arg9[%get3A_713, %get3A_714] {strides = array<i32>} : memref<16x128xf32, #tpu.memory_space<vmem>>, vector<16xf32>,
    %add3A_716 = arith.addf %add3A_706, %get3A_715 : vector<16xf32>
    %get3A_717 = arith.constant 5 : i32
    %get3A_718 = arith.index_cast %get3A_717 : i32 to index
    %get3A_719 = arith.constant 64 : index
    %get3A_720 = tpu.vector_load %arg9[%get3A_718, %get3A_719] {strides = array<i32>} : memref<16x128xf32, #tpu.memory_space<vmem>>, vector<16xf32>,
    %add3A_721 = arith.addf %add3A_711, %get3A_720 : vector<16xf32>
    %get3A_722 = arith.constant 6 : i32
    %get3A_723 = arith.index_cast %get3A_722 : i32 to index
    %get3A_724 = arith.constant 0 : index
    %get3A_725 = tpu.vector_load %arg9[%get3A_723, %get3A_724] {strides = array<i32>} : memref<16x128xf32, #tpu.memory_space<vmem>>, vector<16xf32>,
    %add3A_726 = arith.addf %add3A_716, %get3A_725 : vector<16xf32>
    %get3A_727 = arith.constant 6 : i32
    %get3A_728 = arith.index_cast %get3A_727 : i32 to index
    %get3A_729 = arith.constant 64 : index
    %get3A_730 = tpu.vector_load %arg9[%get3A_728, %get3A_729] {strides = array<i32>} : memref<16x128xf32, #tpu.memory_space<vmem>>, vector<16xf32>,
    %add3A_731 = arith.addf %add3A_721, %get3A_730 : vector<16xf32>
    %get3A_732 = arith.constant 7 : i32
    %get3A_733 = arith.index_cast %get3A_732 : i32 to index
    %get3A_734 = arith.constant 0 : index
    %get3A_735 = tpu.vector_load %arg9[%get3A_733, %get3A_734] {strides = array<i32>} : memref<16x128xf32, #tpu.memory_space<vmem>>, vector<16xf32>,
    %add3A_736 = arith.addf %add3A_726, %get3A_735 : vector<16xf32>
    %get3A_737 = arith.constant 7 : i32
    %get3A_738 = arith.index_cast %get3A_737 : i32 to index
    %get3A_739 = arith.constant 64 : index
    %get3A_740 = tpu.vector_load %arg9[%get3A_738, %get3A_739] {strides = array<i32>} : memref<16x128xf32, #tpu.memory_space<vmem>>, vector<16xf32>,
    %add3A_741 = arith.addf %add3A_731, %get3A_740 : vector<16xf32>
    %get3A_742 = arith.constant 8 : i32
    %get3A_743 = arith.index_cast %get3A_742 : i32 to index
    %get3A_744 = arith.constant 0 : index
    %get3A_745 = tpu.vector_load %arg9[%get3A_743, %get3A_744] {strides = array<i32>} : memref<16x128xf32, #tpu.memory_space<vmem>>, vector<16xf32>,
    %add3A_746 = arith.addf %add3A_736, %get3A_745 : vector<16xf32>
    %get3A_747 = arith.constant 8 : i32
    %get3A_748 = arith.index_cast %get3A_747 : i32 to index
    %get3A_749 = arith.constant 64 : index
    %get3A_750 = tpu.vector_load %arg9[%get3A_748, %get3A_749] {strides = array<i32>} : memref<16x128xf32, #tpu.memory_space<vmem>>, vector<16xf32>,
    %add3A_751 = arith.addf %add3A_741, %get3A_750 : vector<16xf32>
    %get3A_752 = arith.constant 9 : i32
    %get3A_753 = arith.index_cast %get3A_752 : i32 to index
    %get3A_754 = arith.constant 0 : index
    %get3A_755 = tpu.vector_load %arg9[%get3A_753, %get3A_754] {strides = array<i32>} : memref<16x128xf32, #tpu.memory_space<vmem>>, vector<16xf32>,
    %add3A_756 = arith.addf %add3A_746, %get3A_755 : vector<16xf32>
    %get3A_757 = arith.constant 9 : i32
    %get3A_758 = arith.index_cast %get3A_757 : i32 to index
    %get3A_759 = arith.constant 64 : index
    %get3A_760 = tpu.vector_load %arg9[%get3A_758, %get3A_759] {strides = array<i32>} : memref<16x128xf32, #tpu.memory_space<vmem>>, vector<16xf32>,
    %add3A_761 = arith.addf %add3A_751, %get3A_760 : vector<16xf32>
    %get3A_762 = arith.constant 10 : i32
    %get3A_763 = arith.index_cast %get3A_762 : i32 to index
    %get3A_764 = arith.constant 0 : index
    %get3A_765 = tpu.vector_load %arg9[%get3A_763, %get3A_764] {strides = array<i32>} : memref<16x128xf32, #tpu.memory_space<vmem>>, vector<16xf32>,
    %add3A_766 = arith.addf %add3A_756, %get3A_765 : vector<16xf32>
    %get3A_767 = arith.constant 10 : i32
    %get3A_768 = arith.index_cast %get3A_767 : i32 to index
    %get3A_769 = arith.constant 64 : index
    %get3A_770 = tpu.vector_load %arg9[%get3A_768, %get3A_769] {strides = array<i32>} : memref<16x128xf32, #tpu.memory_space<vmem>>, vector<16xf32>,
    %add3A_771 = arith.addf %add3A_761, %get3A_770 : vector<16xf32>
    %get3A_772 = arith.constant 11 : i32
    %get3A_773 = arith.index_cast %get3A_772 : i32 to index
    %get3A_774 = arith.constant 0 : index
    %get3A_775 = tpu.vector_load %arg9[%get3A_773, %get3A_774] {strides = array<i32>} : memref<16x128xf32, #tpu.memory_space<vmem>>, vector<16xf32>,
    %add3A_776 = arith.addf %add3A_766, %get3A_775 : vector<16xf32>
    %get3A_777 = arith.constant 11 : i32
    %get3A_778 = arith.index_cast %get3A_777 : i32 to index
    %get3A_779 = arith.constant 64 : index
    %get3A_780 = tpu.vector_load %arg9[%get3A_778, %get3A_779] {strides = array<i32>} : memref<16x128xf32, #tpu.memory_space<vmem>>, vector<16xf32>,
    %add3A_781 = arith.addf %add3A_771, %get3A_780 : vector<16xf32>
    %get3A_782 = arith.constant 12 : i32
    %get3A_783 = arith.index_cast %get3A_782 : i32 to index
    %get3A_784 = arith.constant 0 : index
    %get3A_785 = tpu.vector_load %arg9[%get3A_783, %get3A_784] {strides = array<i32>} : memref<16x128xf32, #tpu.memory_space<vmem>>, vector<16xf32>,
    %add3A_786 = arith.addf %add3A_776, %get3A_785 : vector<16xf32>
    %get3A_787 = arith.constant 12 : i32
    %get3A_788 = arith.index_cast %get3A_787 : i32 to index
    %get3A_789 = arith.constant 64 : index
    %get3A_790 = tpu.vector_load %arg9[%get3A_788, %get3A_789] {strides = array<i32>} : memref<16x128xf32, #tpu.memory_space<vmem>>, vector<16xf32>,
    %add3A_791 = arith.addf %add3A_781, %get3A_790 : vector<16xf32>
    %get3A_792 = arith.constant 13 : i32
    %get3A_793 = arith.index_cast %get3A_792 : i32 to index
    %get3A_794 = arith.constant 0 : index
    %get3A_795 = tpu.vector_load %arg9[%get3A_793, %get3A_794] {strides = array<i32>} : memref<16x128xf32, #tpu.memory_space<vmem>>, vector<16xf32>,
    %add3A_796 = arith.addf %add3A_786, %get3A_795 : vector<16xf32>
    %get3A_797 = arith.constant 13 : i32
    %get3A_798 = arith.index_cast %get3A_797 : i32 to index
    %get3A_799 = arith.constant 64 : index
    %get3A_800 = tpu.vector_load %arg9[%get3A_798, %get3A_799] {strides = array<i32>} : memref<16x128xf32, #tpu.memory_space<vmem>>, vector<16xf32>,
    %add3A_801 = arith.addf %add3A_791, %get3A_800 : vector<16xf32>
    %get3A_802 = arith.constant 14 : i32
    %get3A_803 = arith.index_cast %get3A_802 : i32 to index
    %get3A_804 = arith.constant 0 : index
    %get3A_805 = tpu.vector_load %arg9[%get3A_803, %get3A_804] {strides = array<i32>} : memref<16x128xf32, #tpu.memory_space<vmem>>, vector<16xf32>,
    %add3A_806 = arith.addf %add3A_796, %get3A_805 : vector<16xf32>
    %get3A_807 = arith.constant 14 : i32
    %get3A_808 = arith.index_cast %get3A_807 : i32 to index
    %get3A_809 = arith.constant 64 : index
    %get3A_810 = tpu.vector_load %arg9[%get3A_808, %get3A_809] {strides = array<i32>} : memref<16x128xf32, #tpu.memory_space<vmem>>, vector<16xf32>,
    %add3A_811 = arith.addf %add3A_801, %get3A_810 : vector<16xf32>
    %get3A_812 = arith.constant 15 : i32
    %get3A_813 = arith.index_cast %get3A_812 : i32 to index
    %get3A_814 = arith.constant 0 : index
    %get3A_815 = tpu.vector_load %arg9[%get3A_813, %get3A_814] {strides = array<i32>} : memref<16x128xf32, #tpu.memory_space<vmem>>, vector<16xf32>,
    %add3A_816 = arith.addf %add3A_806, %get3A_815 : vector<16xf32>
    %get3A_817 = arith.constant 15 : i32
    %get3A_818 = arith.index_cast %get3A_817 : i32 to index
    %get3A_819 = arith.constant 64 : index
    %get3A_820 = tpu.vector_load %arg9[%get3A_818, %get3A_819] {strides = array<i32>} : memref<16x128xf32, #tpu.memory_space<vmem>>, vector<16xf32>,
    %add3A_821 = arith.addf %add3A_811, %get3A_820 : vector<16xf32>
    %add3A_822 = arith.constant 0 : i32
    %add3A_823 = vector.broadcast %add3A_822 : i32 to vector<16xi32>
    %add3A_824 = arith.addi %iota3A, %add3A_823 : vector<16xi32>
    %lt3A = arith.constant 50 : i32
    %lt3A_825 = vector.broadcast %lt3A : i32 to vector<16xi32>
    %lt3A_826 = arith.cmpi slt, %add3A_824, %lt3A_825 : vector<16xi32>
    %ge3A = arith.constant 2.000000e+00 : f32
    %ge3A_827 = vector.broadcast %ge3A : f32 to vector<16xf32>
    %ge3A_828 = arith.cmpf oge, %add3A_816, %ge3A_827 : vector<16xf32>
    %and3A = arith.andi %lt3A_826, %ge3A_828 : vector<16xi1>
    %max3A = arith.constant 1.000000e+00 : f32
    %max3A_829 = vector.broadcast %max3A : f32 to vector<16xf32>
    %max3A_830 = arith.maximumf %add3A_816, %max3A_829 : vector<16xf32>
    %div3A = arith.constant 1.000000e+00 : f32
    %div3A_831 = vector.broadcast %div3A : f32 to vector<16xf32>
    %div3A_832 = arith.divf %div3A_831, %max3A_830 : vector<16xf32>
    %jit3A = arith.constant 0.000000e+00 : f32
    %broadcast_in_dim3A_833 = vector.broadcast %jit3A : f32 to vector<16xf32>
    %select_n3A = arith.select %and3A, %div3A_832, %broadcast_in_dim3A_833 : vector<16xi1>, vector<16xf32>
    %max3A_834 = arith.constant 1.000000e-30 : f32
    %max3A_835 = vector.broadcast %max3A_834 : f32 to vector<16xf32>
    %max3A_836 = arith.maximumf %add3A_821, %max3A_835 : vector<16xf32>
    %div3A_837 = arith.constant 1.000000e+00 : f32
    %div3A_838 = vector.broadcast %div3A_837 : f32 to vector<16xf32>
    %div3A_839 = arith.divf %div3A_838, %max3A_836 : vector<16xf32>
    %swap3A_840 = arith.constant 0 : index
    %swap3A_841 = tpu.vector_load %arg10[%swap3A_840] {strides = array<i32>} : memref<64xf32, #tpu.memory_space<vmem>>, vector<16xf32>,
    tpu.vector_store %arg10[%swap3A_840], %div3A_839 {strides = array<i32>} : memref<64xf32, #tpu.memory_space<vmem>>, vector<16xf32>,
    %swap3A_842 = arith.constant 0 : index
    %swap3A_843 = tpu.vector_load %arg11[%swap3A_842] {strides = array<i32>} : memref<64xf32, #tpu.memory_space<vmem>>, vector<16xf32>,
    tpu.vector_store %arg11[%swap3A_842], %select_n3A {strides = array<i32>} : memref<64xf32, #tpu.memory_space<vmem>>, vector<16xf32>,
    %max3A_844 = arith.constant 1.000000e+00 : f32
    %max3A_845 = vector.broadcast %max3A_844 : f32 to vector<16xf32>
    %max3A_846 = arith.maximumf %add3A_816, %max3A_845 : vector<16xf32>
    %bitcast3A = vector.bitcast %max3A_846 : vector<16xf32> to vector<16xi32>
    %shift_right_arithmetic3A = arith.constant 23 : i32
    %shift_right_arithmetic3A_847 = vector.broadcast %shift_right_arithmetic3A : i32 to vector<16xi32>
    %shift_right_arithmetic3A_848 = arith.shrsi %bitcast3A, %shift_right_arithmetic3A_847 : vector<16xi32>
    %sub3A = arith.constant 127 : i32
    %sub3A_849 = vector.broadcast %sub3A : i32 to vector<16xi32>
    %sub3A_850 = arith.subi %shift_right_arithmetic3A_848, %sub3A_849 : vector<16xi32>
    %and3A_851 = arith.constant 8388607 : i32
    %and3A_852 = vector.broadcast %and3A_851 : i32 to vector<16xi32>
    %and3A_853 = arith.andi %bitcast3A, %and3A_852 : vector<16xi32>
    %or3A = arith.constant 1065353216 : i32
    %or3A_854 = vector.broadcast %or3A : i32 to vector<16xi32>
    %or3A_855 = arith.ori %and3A_853, %or3A_854 : vector<16xi32>
    %bitcast3A_856 = vector.bitcast %or3A_855 : vector<16xi32> to vector<16xf32>
    %gt3A = arith.constant 1.41421354 : f32
    %gt3A_857 = vector.broadcast %gt3A : f32 to vector<16xf32>
    %gt3A_858 = arith.cmpf ogt, %bitcast3A_856, %gt3A_857 : vector<16xf32>
    %mul3A_859 = arith.constant 5.000000e-01 : f32
    %mul3A_860 = vector.broadcast %mul3A_859 : f32 to vector<16xf32>
    %mul3A_861 = arith.mulf %bitcast3A_856, %mul3A_860 : vector<16xf32>
    %select_n3A_862 = arith.select %gt3A_858, %mul3A_861, %bitcast3A_856 : vector<16xi1>, vector<16xf32>
    %convert_element_type3A = arith.sitofp %sub3A_850 : vector<16xi32> to vector<16xf32>
    %jit3A_863 = arith.constant 1.000000e+00 : f32
    %jit3A_864 = arith.constant 0.000000e+00 : f32
    %broadcast_in_dim3A_865 = vector.broadcast %jit3A_863 : f32 to vector<16xf32>
    %broadcast_in_dim3A_866 = vector.broadcast %jit3A_864 : f32 to vector<16xf32>
    %select_n3A_867 = arith.select %gt3A_858, %broadcast_in_dim3A_865, %broadcast_in_dim3A_866 : vector<16xi1>, vector<16xf32>
    %add3A_868 = arith.addf %convert_element_type3A, %select_n3A_867 : vector<16xf32>
    %sub3A_869 = arith.constant 1.000000e+00 : f32
    %sub3A_870 = vector.broadcast %sub3A_869 : f32 to vector<16xf32>
    %sub3A_871 = arith.subf %select_n3A_862, %sub3A_870 : vector<16xf32>
    %add3A_872 = arith.constant 1.000000e+00 : f32
    %add3A_873 = vector.broadcast %add3A_872 : f32 to vector<16xf32>
    %add3A_874 = arith.addf %select_n3A_862, %add3A_873 : vector<16xf32>
    %div3A_875 = arith.divf %sub3A_871, %add3A_874 : vector<16xf32>
    %mul3A_876 = arith.mulf %div3A_875, %div3A_875 : vector<16xf32>
    %mul3A_877 = arith.constant 0.111111112 : f32
    %mul3A_878 = vector.broadcast %mul3A_877 : f32 to vector<16xf32>
    %mul3A_879 = arith.mulf %mul3A_878, %mul3A_876 : vector<16xf32>
    %add3A_880 = arith.constant 0.142857149 : f32
    %add3A_881 = vector.broadcast %add3A_880 : f32 to vector<16xf32>
    %add3A_882 = arith.addf %mul3A_879, %add3A_881 : vector<16xf32>
    %mul3A_883 = arith.mulf %add3A_882, %mul3A_876 : vector<16xf32>
    %add3A_884 = arith.constant 2.000000e-01 : f32
    %add3A_885 = vector.broadcast %add3A_884 : f32 to vector<16xf32>
    %add3A_886 = arith.addf %mul3A_883, %add3A_885 : vector<16xf32>
    %mul3A_887 = arith.mulf %add3A_886, %mul3A_876 : vector<16xf32>
    %add3A_888 = arith.constant 0.333333343 : f32
    %add3A_889 = vector.broadcast %add3A_888 : f32 to vector<16xf32>
    %add3A_890 = arith.addf %mul3A_887, %add3A_889 : vector<16xf32>
    %mul3A_891 = arith.mulf %add3A_890, %mul3A_876 : vector<16xf32>
    %add3A_892 = arith.constant 1.000000e+00 : f32
    %add3A_893 = vector.broadcast %add3A_892 : f32 to vector<16xf32>
    %add3A_894 = arith.addf %mul3A_891, %add3A_893 : vector<16xf32>
    %mul3A_895 = arith.constant 0.693147182 : f32
    %mul3A_896 = vector.broadcast %mul3A_895 : f32 to vector<16xf32>
    %mul3A_897 = arith.mulf %add3A_868, %mul3A_896 : vector<16xf32>
    %mul3A_898 = arith.constant 2.000000e+00 : f32
    %mul3A_899 = vector.broadcast %mul3A_898 : f32 to vector<16xf32>
    %mul3A_900 = arith.mulf %mul3A_899, %div3A_875 : vector<16xf32>
    %mul3A_901 = arith.mulf %mul3A_900, %add3A_894 : vector<16xf32>
    %add3A_902 = arith.addf %mul3A_897, %mul3A_901 : vector<16xf32>
    %neg3A = arith.constant 0.000000e+00 : f32
    %neg3A_903 = vector.broadcast %neg3A : f32 to vector<16xf32>
    %neg3A_904 = arith.subf %neg3A_903, %add3A_902 : vector<16xf32>
    %jit3A_905 = arith.constant 0.000000e+00 : f32
    %broadcast_in_dim3A_906 = vector.broadcast %jit3A_905 : f32 to vector<16xf32>
    %select_n3A_907 = arith.select %and3A, %neg3A_904, %broadcast_in_dim3A_906 : vector<16xi1>, vector<16xf32>
    %add3A_908 = arith.addf %broadcast_in_dim3A_1, %select_n3A_907 : vector<16xf32>
    %select_n3A_909 = arith.select %and3A, %broadcast_in_dim3A_3, %broadcast_in_dim3A_1 : vector<16xi1>, vector<16xf32>
    %add3A_910 = arith.addf %broadcast_in_dim3A_1, %select_n3A_909 : vector<16xf32>
    %get3A_911 = arith.constant 0 : i32
    %get3A_912 = arith.index_cast %get3A_911 : i32 to index
    %get3A_913 = arith.constant 16 : index
    %get3A_914 = tpu.vector_load %arg9[%get3A_912, %get3A_913] {strides = array<i32>} : memref<16x128xf32, #tpu.memory_space<vmem>>, vector<16xf32>,
    %add3A_915 = arith.addf %broadcast_in_dim3A_1, %get3A_914 : vector<16xf32>
    %get3A_916 = arith.constant 0 : i32
    %get3A_917 = arith.index_cast %get3A_916 : i32 to index
    %get3A_918 = arith.constant 80 : index
    %get3A_919 = tpu.vector_load %arg9[%get3A_917, %get3A_918] {strides = array<i32>} : memref<16x128xf32, #tpu.memory_space<vmem>>, vector<16xf32>,
    %add3A_920 = arith.addf %broadcast_in_dim3A_1, %get3A_919 : vector<16xf32>
    %get3A_921 = arith.constant 1 : i32
    %get3A_922 = arith.index_cast %get3A_921 : i32 to index
    %get3A_923 = arith.constant 16 : index
    %get3A_924 = tpu.vector_load %arg9[%get3A_922, %get3A_923] {strides = array<i32>} : memref<16x128xf32, #tpu.memory_space<vmem>>, vector<16xf32>,
    %add3A_925 = arith.addf %add3A_915, %get3A_924 : vector<16xf32>
    %get3A_926 = arith.constant 1 : i32
    %get3A_927 = arith.index_cast %get3A_926 : i32 to index
    %get3A_928 = arith.constant 80 : index
    %get3A_929 = tpu.vector_load %arg9[%get3A_927, %get3A_928] {strides = array<i32>} : memref<16x128xf32, #tpu.memory_space<vmem>>, vector<16xf32>,
    %add3A_930 = arith.addf %add3A_920, %get3A_929 : vector<16xf32>
    %get3A_931 = arith.constant 2 : i32
    %get3A_932 = arith.index_cast %get3A_931 : i32 to index
    %get3A_933 = arith.constant 16 : index
    %get3A_934 = tpu.vector_load %arg9[%get3A_932, %get3A_933] {strides = array<i32>} : memref<16x128xf32, #tpu.memory_space<vmem>>, vector<16xf32>,
    %add3A_935 = arith.addf %add3A_925, %get3A_934 : vector<16xf32>
    %get3A_936 = arith.constant 2 : i32
    %get3A_937 = arith.index_cast %get3A_936 : i32 to index
    %get3A_938 = arith.constant 80 : index
    %get3A_939 = tpu.vector_load %arg9[%get3A_937, %get3A_938] {strides = array<i32>} : memref<16x128xf32, #tpu.memory_space<vmem>>, vector<16xf32>,
    %add3A_940 = arith.addf %add3A_930, %get3A_939 : vector<16xf32>
    %get3A_941 = arith.constant 3 : i32
    %get3A_942 = arith.index_cast %get3A_941 : i32 to index
    %get3A_943 = arith.constant 16 : index
    %get3A_944 = tpu.vector_load %arg9[%get3A_942, %get3A_943] {strides = array<i32>} : memref<16x128xf32, #tpu.memory_space<vmem>>, vector<16xf32>,
    %add3A_945 = arith.addf %add3A_935, %get3A_944 : vector<16xf32>
    %get3A_946 = arith.constant 3 : i32
    %get3A_947 = arith.index_cast %get3A_946 : i32 to index
    %get3A_948 = arith.constant 80 : index
    %get3A_949 = tpu.vector_load %arg9[%get3A_947, %get3A_948] {strides = array<i32>} : memref<16x128xf32, #tpu.memory_space<vmem>>, vector<16xf32>,
    %add3A_950 = arith.addf %add3A_940, %get3A_949 : vector<16xf32>
    %get3A_951 = arith.constant 4 : i32
    %get3A_952 = arith.index_cast %get3A_951 : i32 to index
    %get3A_953 = arith.constant 16 : index
    %get3A_954 = tpu.vector_load %arg9[%get3A_952, %get3A_953] {strides = array<i32>} : memref<16x128xf32, #tpu.memory_space<vmem>>, vector<16xf32>,
    %add3A_955 = arith.addf %add3A_945, %get3A_954 : vector<16xf32>
    %get3A_956 = arith.constant 4 : i32
    %get3A_957 = arith.index_cast %get3A_956 : i32 to index
    %get3A_958 = arith.constant 80 : index
    %get3A_959 = tpu.vector_load %arg9[%get3A_957, %get3A_958] {strides = array<i32>} : memref<16x128xf32, #tpu.memory_space<vmem>>, vector<16xf32>,
    %add3A_960 = arith.addf %add3A_950, %get3A_959 : vector<16xf32>
    %get3A_961 = arith.constant 5 : i32
    %get3A_962 = arith.index_cast %get3A_961 : i32 to index
    %get3A_963 = arith.constant 16 : index
    %get3A_964 = tpu.vector_load %arg9[%get3A_962, %get3A_963] {strides = array<i32>} : memref<16x128xf32, #tpu.memory_space<vmem>>, vector<16xf32>,
    %add3A_965 = arith.addf %add3A_955, %get3A_964 : vector<16xf32>
    %get3A_966 = arith.constant 5 : i32
    %get3A_967 = arith.index_cast %get3A_966 : i32 to index
    %get3A_968 = arith.constant 80 : index
    %get3A_969 = tpu.vector_load %arg9[%get3A_967, %get3A_968] {strides = array<i32>} : memref<16x128xf32, #tpu.memory_space<vmem>>, vector<16xf32>,
    %add3A_970 = arith.addf %add3A_960, %get3A_969 : vector<16xf32>
    %get3A_971 = arith.constant 6 : i32
    %get3A_972 = arith.index_cast %get3A_971 : i32 to index
    %get3A_973 = arith.constant 16 : index
    %get3A_974 = tpu.vector_load %arg9[%get3A_972, %get3A_973] {strides = array<i32>} : memref<16x128xf32, #tpu.memory_space<vmem>>, vector<16xf32>,
    %add3A_975 = arith.addf %add3A_965, %get3A_974 : vector<16xf32>
    %get3A_976 = arith.constant 6 : i32
    %get3A_977 = arith.index_cast %get3A_976 : i32 to index
    %get3A_978 = arith.constant 80 : index
    %get3A_979 = tpu.vector_load %arg9[%get3A_977, %get3A_978] {strides = array<i32>} : memref<16x128xf32, #tpu.memory_space<vmem>>, vector<16xf32>,
    %add3A_980 = arith.addf %add3A_970, %get3A_979 : vector<16xf32>
    %get3A_981 = arith.constant 7 : i32
    %get3A_982 = arith.index_cast %get3A_981 : i32 to index
    %get3A_983 = arith.constant 16 : index
    %get3A_984 = tpu.vector_load %arg9[%get3A_982, %get3A_983] {strides = array<i32>} : memref<16x128xf32, #tpu.memory_space<vmem>>, vector<16xf32>,
    %add3A_985 = arith.addf %add3A_975, %get3A_984 : vector<16xf32>
    %get3A_986 = arith.constant 7 : i32
    %get3A_987 = arith.index_cast %get3A_986 : i32 to index
    %get3A_988 = arith.constant 80 : index
    %get3A_989 = tpu.vector_load %arg9[%get3A_987, %get3A_988] {strides = array<i32>} : memref<16x128xf32, #tpu.memory_space<vmem>>, vector<16xf32>,
    %add3A_990 = arith.addf %add3A_980, %get3A_989 : vector<16xf32>
    %get3A_991 = arith.constant 8 : i32
    %get3A_992 = arith.index_cast %get3A_991 : i32 to index
    %get3A_993 = arith.constant 16 : index
    %get3A_994 = tpu.vector_load %arg9[%get3A_992, %get3A_993] {strides = array<i32>} : memref<16x128xf32, #tpu.memory_space<vmem>>, vector<16xf32>,
    %add3A_995 = arith.addf %add3A_985, %get3A_994 : vector<16xf32>
    %get3A_996 = arith.constant 8 : i32
    %get3A_997 = arith.index_cast %get3A_996 : i32 to index
    %get3A_998 = arith.constant 80 : index
    %get3A_999 = tpu.vector_load %arg9[%get3A_997, %get3A_998] {strides = array<i32>} : memref<16x128xf32, #tpu.memory_space<vmem>>, vector<16xf32>,
    %add3A_1000 = arith.addf %add3A_990, %get3A_999 : vector<16xf32>
    %get3A_1001 = arith.constant 9 : i32
    %get3A_1002 = arith.index_cast %get3A_1001 : i32 to index
    %get3A_1003 = arith.constant 16 : index
    %get3A_1004 = tpu.vector_load %arg9[%get3A_1002, %get3A_1003] {strides = array<i32>} : memref<16x128xf32, #tpu.memory_space<vmem>>, vector<16xf32>,
    %add3A_1005 = arith.addf %add3A_995, %get3A_1004 : vector<16xf32>
    %get3A_1006 = arith.constant 9 : i32
    %get3A_1007 = arith.index_cast %get3A_1006 : i32 to index
    %get3A_1008 = arith.constant 80 : index
    %get3A_1009 = tpu.vector_load %arg9[%get3A_1007, %get3A_1008] {strides = array<i32>} : memref<16x128xf32, #tpu.memory_space<vmem>>, vector<16xf32>,
    %add3A_1010 = arith.addf %add3A_1000, %get3A_1009 : vector<16xf32>
    %get3A_1011 = arith.constant 10 : i32
    %get3A_1012 = arith.index_cast %get3A_1011 : i32 to index
    %get3A_1013 = arith.constant 16 : index
    %get3A_1014 = tpu.vector_load %arg9[%get3A_1012, %get3A_1013] {strides = array<i32>} : memref<16x128xf32, #tpu.memory_space<vmem>>, vector<16xf32>,
    %add3A_1015 = arith.addf %add3A_1005, %get3A_1014 : vector<16xf32>
    %get3A_1016 = arith.constant 10 : i32
    %get3A_1017 = arith.index_cast %get3A_1016 : i32 to index
    %get3A_1018 = arith.constant 80 : index
    %get3A_1019 = tpu.vector_load %arg9[%get3A_1017, %get3A_1018] {strides = array<i32>} : memref<16x128xf32, #tpu.memory_space<vmem>>, vector<16xf32>,
    %add3A_1020 = arith.addf %add3A_1010, %get3A_1019 : vector<16xf32>
    %get3A_1021 = arith.constant 11 : i32
    %get3A_1022 = arith.index_cast %get3A_1021 : i32 to index
    %get3A_1023 = arith.constant 16 : index
    %get3A_1024 = tpu.vector_load %arg9[%get3A_1022, %get3A_1023] {strides = array<i32>} : memref<16x128xf32, #tpu.memory_space<vmem>>, vector<16xf32>,
    %add3A_1025 = arith.addf %add3A_1015, %get3A_1024 : vector<16xf32>
    %get3A_1026 = arith.constant 11 : i32
    %get3A_1027 = arith.index_cast %get3A_1026 : i32 to index
    %get3A_1028 = arith.constant 80 : index
    %get3A_1029 = tpu.vector_load %arg9[%get3A_1027, %get3A_1028] {strides = array<i32>} : memref<16x128xf32, #tpu.memory_space<vmem>>, vector<16xf32>,
    %add3A_1030 = arith.addf %add3A_1020, %get3A_1029 : vector<16xf32>
    %get3A_1031 = arith.constant 12 : i32
    %get3A_1032 = arith.index_cast %get3A_1031 : i32 to index
    %get3A_1033 = arith.constant 16 : index
    %get3A_1034 = tpu.vector_load %arg9[%get3A_1032, %get3A_1033] {strides = array<i32>} : memref<16x128xf32, #tpu.memory_space<vmem>>, vector<16xf32>,
    %add3A_1035 = arith.addf %add3A_1025, %get3A_1034 : vector<16xf32>
    %get3A_1036 = arith.constant 12 : i32
    %get3A_1037 = arith.index_cast %get3A_1036 : i32 to index
    %get3A_1038 = arith.constant 80 : index
    %get3A_1039 = tpu.vector_load %arg9[%get3A_1037, %get3A_1038] {strides = array<i32>} : memref<16x128xf32, #tpu.memory_space<vmem>>, vector<16xf32>,
    %add3A_1040 = arith.addf %add3A_1030, %get3A_1039 : vector<16xf32>
    %get3A_1041 = arith.constant 13 : i32
    %get3A_1042 = arith.index_cast %get3A_1041 : i32 to index
    %get3A_1043 = arith.constant 16 : index
    %get3A_1044 = tpu.vector_load %arg9[%get3A_1042, %get3A_1043] {strides = array<i32>} : memref<16x128xf32, #tpu.memory_space<vmem>>, vector<16xf32>,
    %add3A_1045 = arith.addf %add3A_1035, %get3A_1044 : vector<16xf32>
    %get3A_1046 = arith.constant 13 : i32
    %get3A_1047 = arith.index_cast %get3A_1046 : i32 to index
    %get3A_1048 = arith.constant 80 : index
    %get3A_1049 = tpu.vector_load %arg9[%get3A_1047, %get3A_1048] {strides = array<i32>} : memref<16x128xf32, #tpu.memory_space<vmem>>, vector<16xf32>,
    %add3A_1050 = arith.addf %add3A_1040, %get3A_1049 : vector<16xf32>
    %get3A_1051 = arith.constant 14 : i32
    %get3A_1052 = arith.index_cast %get3A_1051 : i32 to index
    %get3A_1053 = arith.constant 16 : index
    %get3A_1054 = tpu.vector_load %arg9[%get3A_1052, %get3A_1053] {strides = array<i32>} : memref<16x128xf32, #tpu.memory_space<vmem>>, vector<16xf32>,
    %add3A_1055 = arith.addf %add3A_1045, %get3A_1054 : vector<16xf32>
    %get3A_1056 = arith.constant 14 : i32
    %get3A_1057 = arith.index_cast %get3A_1056 : i32 to index
    %get3A_1058 = arith.constant 80 : index
    %get3A_1059 = tpu.vector_load %arg9[%get3A_1057, %get3A_1058] {strides = array<i32>} : memref<16x128xf32, #tpu.memory_space<vmem>>, vector<16xf32>,
    %add3A_1060 = arith.addf %add3A_1050, %get3A_1059 : vector<16xf32>
    %get3A_1061 = arith.constant 15 : i32
    %get3A_1062 = arith.index_cast %get3A_1061 : i32 to index
    %get3A_1063 = arith.constant 16 : index
    %get3A_1064 = tpu.vector_load %arg9[%get3A_1062, %get3A_1063] {strides = array<i32>} : memref<16x128xf32, #tpu.memory_space<vmem>>, vector<16xf32>,
    %add3A_1065 = arith.addf %add3A_1055, %get3A_1064 : vector<16xf32>
    %get3A_1066 = arith.constant 15 : i32
    %get3A_1067 = arith.index_cast %get3A_1066 : i32 to index
    %get3A_1068 = arith.constant 80 : index
    %get3A_1069 = tpu.vector_load %arg9[%get3A_1067, %get3A_1068] {strides = array<i32>} : memref<16x128xf32, #tpu.memory_space<vmem>>, vector<16xf32>,
    %add3A_1070 = arith.addf %add3A_1060, %get3A_1069 : vector<16xf32>
    %add3A_1071 = arith.constant 16 : i32
    %add3A_1072 = vector.broadcast %add3A_1071 : i32 to vector<16xi32>
    %add3A_1073 = arith.addi %iota3A, %add3A_1072 : vector<16xi32>
    %lt3A_1074 = arith.constant 50 : i32
    %lt3A_1075 = vector.broadcast %lt3A_1074 : i32 to vector<16xi32>
    %lt3A_1076 = arith.cmpi slt, %add3A_1073, %lt3A_1075 : vector<16xi32>
    %ge3A_1077 = arith.constant 2.000000e+00 : f32
    %ge3A_1078 = vector.broadcast %ge3A_1077 : f32 to vector<16xf32>
    %ge3A_1079 = arith.cmpf oge, %add3A_1065, %ge3A_1078 : vector<16xf32>
    %and3A_1080 = arith.andi %lt3A_1076, %ge3A_1079 : vector<16xi1>
    %max3A_1081 = arith.constant 1.000000e+00 : f32
    %max3A_1082 = vector.broadcast %max3A_1081 : f32 to vector<16xf32>
    %max3A_1083 = arith.maximumf %add3A_1065, %max3A_1082 : vector<16xf32>
    %div3A_1084 = arith.constant 1.000000e+00 : f32
    %div3A_1085 = vector.broadcast %div3A_1084 : f32 to vector<16xf32>
    %div3A_1086 = arith.divf %div3A_1085, %max3A_1083 : vector<16xf32>
    %jit3A_1087 = arith.constant 0.000000e+00 : f32
    %broadcast_in_dim3A_1088 = vector.broadcast %jit3A_1087 : f32 to vector<16xf32>
    %select_n3A_1089 = arith.select %and3A_1080, %div3A_1086, %broadcast_in_dim3A_1088 : vector<16xi1>, vector<16xf32>
    %max3A_1090 = arith.constant 1.000000e-30 : f32
    %max3A_1091 = vector.broadcast %max3A_1090 : f32 to vector<16xf32>
    %max3A_1092 = arith.maximumf %add3A_1070, %max3A_1091 : vector<16xf32>
    %div3A_1093 = arith.constant 1.000000e+00 : f32
    %div3A_1094 = vector.broadcast %div3A_1093 : f32 to vector<16xf32>
    %div3A_1095 = arith.divf %div3A_1094, %max3A_1092 : vector<16xf32>
    %swap3A_1096 = arith.constant 16 : index
    %swap3A_1097 = tpu.vector_load %arg10[%swap3A_1096] {strides = array<i32>} : memref<64xf32, #tpu.memory_space<vmem>>, vector<16xf32>,
    tpu.vector_store %arg10[%swap3A_1096], %div3A_1095 {strides = array<i32>} : memref<64xf32, #tpu.memory_space<vmem>>, vector<16xf32>,
    %swap3A_1098 = arith.constant 16 : index
    %swap3A_1099 = tpu.vector_load %arg11[%swap3A_1098] {strides = array<i32>} : memref<64xf32, #tpu.memory_space<vmem>>, vector<16xf32>,
    tpu.vector_store %arg11[%swap3A_1098], %select_n3A_1089 {strides = array<i32>} : memref<64xf32, #tpu.memory_space<vmem>>, vector<16xf32>,
    %max3A_1100 = arith.constant 1.000000e+00 : f32
    %max3A_1101 = vector.broadcast %max3A_1100 : f32 to vector<16xf32>
    %max3A_1102 = arith.maximumf %add3A_1065, %max3A_1101 : vector<16xf32>
    %bitcast3A_1103 = vector.bitcast %max3A_1102 : vector<16xf32> to vector<16xi32>
    %shift_right_arithmetic3A_1104 = arith.constant 23 : i32
    %shift_right_arithmetic3A_1105 = vector.broadcast %shift_right_arithmetic3A_1104 : i32 to vector<16xi32>
    %shift_right_arithmetic3A_1106 = arith.shrsi %bitcast3A_1103, %shift_right_arithmetic3A_1105 : vector<16xi32>
    %sub3A_1107 = arith.constant 127 : i32
    %sub3A_1108 = vector.broadcast %sub3A_1107 : i32 to vector<16xi32>
    %sub3A_1109 = arith.subi %shift_right_arithmetic3A_1106, %sub3A_1108 : vector<16xi32>
    %and3A_1110 = arith.constant 8388607 : i32
    %and3A_1111 = vector.broadcast %and3A_1110 : i32 to vector<16xi32>
    %and3A_1112 = arith.andi %bitcast3A_1103, %and3A_1111 : vector<16xi32>
    %or3A_1113 = arith.constant 1065353216 : i32
    %or3A_1114 = vector.broadcast %or3A_1113 : i32 to vector<16xi32>
    %or3A_1115 = arith.ori %and3A_1112, %or3A_1114 : vector<16xi32>
    %bitcast3A_1116 = vector.bitcast %or3A_1115 : vector<16xi32> to vector<16xf32>
    %gt3A_1117 = arith.constant 1.41421354 : f32
    %gt3A_1118 = vector.broadcast %gt3A_1117 : f32 to vector<16xf32>
    %gt3A_1119 = arith.cmpf ogt, %bitcast3A_1116, %gt3A_1118 : vector<16xf32>
    %mul3A_1120 = arith.constant 5.000000e-01 : f32
    %mul3A_1121 = vector.broadcast %mul3A_1120 : f32 to vector<16xf32>
    %mul3A_1122 = arith.mulf %bitcast3A_1116, %mul3A_1121 : vector<16xf32>
    %select_n3A_1123 = arith.select %gt3A_1119, %mul3A_1122, %bitcast3A_1116 : vector<16xi1>, vector<16xf32>
    %convert_element_type3A_1124 = arith.sitofp %sub3A_1109 : vector<16xi32> to vector<16xf32>
    %jit3A_1125 = arith.constant 1.000000e+00 : f32
    %jit3A_1126 = arith.constant 0.000000e+00 : f32
    %broadcast_in_dim3A_1127 = vector.broadcast %jit3A_1125 : f32 to vector<16xf32>
    %broadcast_in_dim3A_1128 = vector.broadcast %jit3A_1126 : f32 to vector<16xf32>
    %select_n3A_1129 = arith.select %gt3A_1119, %broadcast_in_dim3A_1127, %broadcast_in_dim3A_1128 : vector<16xi1>, vector<16xf32>
    %add3A_1130 = arith.addf %convert_element_type3A_1124, %select_n3A_1129 : vector<16xf32>
    %sub3A_1131 = arith.constant 1.000000e+00 : f32
    %sub3A_1132 = vector.broadcast %sub3A_1131 : f32 to vector<16xf32>
    %sub3A_1133 = arith.subf %select_n3A_1123, %sub3A_1132 : vector<16xf32>
    %add3A_1134 = arith.constant 1.000000e+00 : f32
    %add3A_1135 = vector.broadcast %add3A_1134 : f32 to vector<16xf32>
    %add3A_1136 = arith.addf %select_n3A_1123, %add3A_1135 : vector<16xf32>
    %div3A_1137 = arith.divf %sub3A_1133, %add3A_1136 : vector<16xf32>
    %mul3A_1138 = arith.mulf %div3A_1137, %div3A_1137 : vector<16xf32>
    %mul3A_1139 = arith.constant 0.111111112 : f32
    %mul3A_1140 = vector.broadcast %mul3A_1139 : f32 to vector<16xf32>
    %mul3A_1141 = arith.mulf %mul3A_1140, %mul3A_1138 : vector<16xf32>
    %add3A_1142 = arith.constant 0.142857149 : f32
    %add3A_1143 = vector.broadcast %add3A_1142 : f32 to vector<16xf32>
    %add3A_1144 = arith.addf %mul3A_1141, %add3A_1143 : vector<16xf32>
    %mul3A_1145 = arith.mulf %add3A_1144, %mul3A_1138 : vector<16xf32>
    %add3A_1146 = arith.constant 2.000000e-01 : f32
    %add3A_1147 = vector.broadcast %add3A_1146 : f32 to vector<16xf32>
    %add3A_1148 = arith.addf %mul3A_1145, %add3A_1147 : vector<16xf32>
    %mul3A_1149 = arith.mulf %add3A_1148, %mul3A_1138 : vector<16xf32>
    %add3A_1150 = arith.constant 0.333333343 : f32
    %add3A_1151 = vector.broadcast %add3A_1150 : f32 to vector<16xf32>
    %add3A_1152 = arith.addf %mul3A_1149, %add3A_1151 : vector<16xf32>
    %mul3A_1153 = arith.mulf %add3A_1152, %mul3A_1138 : vector<16xf32>
    %add3A_1154 = arith.constant 1.000000e+00 : f32
    %add3A_1155 = vector.broadcast %add3A_1154 : f32 to vector<16xf32>
    %add3A_1156 = arith.addf %mul3A_1153, %add3A_1155 : vector<16xf32>
    %mul3A_1157 = arith.constant 0.693147182 : f32
    %mul3A_1158 = vector.broadcast %mul3A_1157 : f32 to vector<16xf32>
    %mul3A_1159 = arith.mulf %add3A_1130, %mul3A_1158 : vector<16xf32>
    %mul3A_1160 = arith.constant 2.000000e+00 : f32
    %mul3A_1161 = vector.broadcast %mul3A_1160 : f32 to vector<16xf32>
    %mul3A_1162 = arith.mulf %mul3A_1161, %div3A_1137 : vector<16xf32>
    %mul3A_1163 = arith.mulf %mul3A_1162, %add3A_1156 : vector<16xf32>
    %add3A_1164 = arith.addf %mul3A_1159, %mul3A_1163 : vector<16xf32>
    %neg3A_1165 = arith.constant 0.000000e+00 : f32
    %neg3A_1166 = vector.broadcast %neg3A_1165 : f32 to vector<16xf32>
    %neg3A_1167 = arith.subf %neg3A_1166, %add3A_1164 : vector<16xf32>
    %jit3A_1168 = arith.constant 0.000000e+00 : f32
    %broadcast_in_dim3A_1169 = vector.broadcast %jit3A_1168 : f32 to vector<16xf32>
    %select_n3A_1170 = arith.select %and3A_1080, %neg3A_1167, %broadcast_in_dim3A_1169 : vector<16xi1>, vector<16xf32>
    %add3A_1171 = arith.addf %add3A_908, %select_n3A_1170 : vector<16xf32>
    %select_n3A_1172 = arith.select %and3A_1080, %broadcast_in_dim3A_3, %broadcast_in_dim3A_1 : vector<16xi1>, vector<16xf32>
    %add3A_1173 = arith.addf %add3A_910, %select_n3A_1172 : vector<16xf32>
    %get3A_1174 = arith.constant 0 : i32
    %get3A_1175 = arith.index_cast %get3A_1174 : i32 to index
    %get3A_1176 = arith.constant 32 : index
    %get3A_1177 = tpu.vector_load %arg9[%get3A_1175, %get3A_1176] {strides = array<i32>} : memref<16x128xf32, #tpu.memory_space<vmem>>, vector<16xf32>,
    %add3A_1178 = arith.addf %broadcast_in_dim3A_1, %get3A_1177 : vector<16xf32>
    %get3A_1179 = arith.constant 0 : i32
    %get3A_1180 = arith.index_cast %get3A_1179 : i32 to index
    %get3A_1181 = arith.constant 96 : index
    %get3A_1182 = tpu.vector_load %arg9[%get3A_1180, %get3A_1181] {strides = array<i32>} : memref<16x128xf32, #tpu.memory_space<vmem>>, vector<16xf32>,
    %add3A_1183 = arith.addf %broadcast_in_dim3A_1, %get3A_1182 : vector<16xf32>
    %get3A_1184 = arith.constant 1 : i32
    %get3A_1185 = arith.index_cast %get3A_1184 : i32 to index
    %get3A_1186 = arith.constant 32 : index
    %get3A_1187 = tpu.vector_load %arg9[%get3A_1185, %get3A_1186] {strides = array<i32>} : memref<16x128xf32, #tpu.memory_space<vmem>>, vector<16xf32>,
    %add3A_1188 = arith.addf %add3A_1178, %get3A_1187 : vector<16xf32>
    %get3A_1189 = arith.constant 1 : i32
    %get3A_1190 = arith.index_cast %get3A_1189 : i32 to index
    %get3A_1191 = arith.constant 96 : index
    %get3A_1192 = tpu.vector_load %arg9[%get3A_1190, %get3A_1191] {strides = array<i32>} : memref<16x128xf32, #tpu.memory_space<vmem>>, vector<16xf32>,
    %add3A_1193 = arith.addf %add3A_1183, %get3A_1192 : vector<16xf32>
    %get3A_1194 = arith.constant 2 : i32
    %get3A_1195 = arith.index_cast %get3A_1194 : i32 to index
    %get3A_1196 = arith.constant 32 : index
    %get3A_1197 = tpu.vector_load %arg9[%get3A_1195, %get3A_1196] {strides = array<i32>} : memref<16x128xf32, #tpu.memory_space<vmem>>, vector<16xf32>,
    %add3A_1198 = arith.addf %add3A_1188, %get3A_1197 : vector<16xf32>
    %get3A_1199 = arith.constant 2 : i32
    %get3A_1200 = arith.index_cast %get3A_1199 : i32 to index
    %get3A_1201 = arith.constant 96 : index
    %get3A_1202 = tpu.vector_load %arg9[%get3A_1200, %get3A_1201] {strides = array<i32>} : memref<16x128xf32, #tpu.memory_space<vmem>>, vector<16xf32>,
    %add3A_1203 = arith.addf %add3A_1193, %get3A_1202 : vector<16xf32>
    %get3A_1204 = arith.constant 3 : i32
    %get3A_1205 = arith.index_cast %get3A_1204 : i32 to index
    %get3A_1206 = arith.constant 32 : index
    %get3A_1207 = tpu.vector_load %arg9[%get3A_1205, %get3A_1206] {strides = array<i32>} : memref<16x128xf32, #tpu.memory_space<vmem>>, vector<16xf32>,
    %add3A_1208 = arith.addf %add3A_1198, %get3A_1207 : vector<16xf32>
    %get3A_1209 = arith.constant 3 : i32
    %get3A_1210 = arith.index_cast %get3A_1209 : i32 to index
    %get3A_1211 = arith.constant 96 : index
    %get3A_1212 = tpu.vector_load %arg9[%get3A_1210, %get3A_1211] {strides = array<i32>} : memref<16x128xf32, #tpu.memory_space<vmem>>, vector<16xf32>,
    %add3A_1213 = arith.addf %add3A_1203, %get3A_1212 : vector<16xf32>
    %get3A_1214 = arith.constant 4 : i32
    %get3A_1215 = arith.index_cast %get3A_1214 : i32 to index
    %get3A_1216 = arith.constant 32 : index
    %get3A_1217 = tpu.vector_load %arg9[%get3A_1215, %get3A_1216] {strides = array<i32>} : memref<16x128xf32, #tpu.memory_space<vmem>>, vector<16xf32>,
    %add3A_1218 = arith.addf %add3A_1208, %get3A_1217 : vector<16xf32>
    %get3A_1219 = arith.constant 4 : i32
    %get3A_1220 = arith.index_cast %get3A_1219 : i32 to index
    %get3A_1221 = arith.constant 96 : index
    %get3A_1222 = tpu.vector_load %arg9[%get3A_1220, %get3A_1221] {strides = array<i32>} : memref<16x128xf32, #tpu.memory_space<vmem>>, vector<16xf32>,
    %add3A_1223 = arith.addf %add3A_1213, %get3A_1222 : vector<16xf32>
    %get3A_1224 = arith.constant 5 : i32
    %get3A_1225 = arith.index_cast %get3A_1224 : i32 to index
    %get3A_1226 = arith.constant 32 : index
    %get3A_1227 = tpu.vector_load %arg9[%get3A_1225, %get3A_1226] {strides = array<i32>} : memref<16x128xf32, #tpu.memory_space<vmem>>, vector<16xf32>,
    %add3A_1228 = arith.addf %add3A_1218, %get3A_1227 : vector<16xf32>
    %get3A_1229 = arith.constant 5 : i32
    %get3A_1230 = arith.index_cast %get3A_1229 : i32 to index
    %get3A_1231 = arith.constant 96 : index
    %get3A_1232 = tpu.vector_load %arg9[%get3A_1230, %get3A_1231] {strides = array<i32>} : memref<16x128xf32, #tpu.memory_space<vmem>>, vector<16xf32>,
    %add3A_1233 = arith.addf %add3A_1223, %get3A_1232 : vector<16xf32>
    %get3A_1234 = arith.constant 6 : i32
    %get3A_1235 = arith.index_cast %get3A_1234 : i32 to index
    %get3A_1236 = arith.constant 32 : index
    %get3A_1237 = tpu.vector_load %arg9[%get3A_1235, %get3A_1236] {strides = array<i32>} : memref<16x128xf32, #tpu.memory_space<vmem>>, vector<16xf32>,
    %add3A_1238 = arith.addf %add3A_1228, %get3A_1237 : vector<16xf32>
    %get3A_1239 = arith.constant 6 : i32
    %get3A_1240 = arith.index_cast %get3A_1239 : i32 to index
    %get3A_1241 = arith.constant 96 : index
    %get3A_1242 = tpu.vector_load %arg9[%get3A_1240, %get3A_1241] {strides = array<i32>} : memref<16x128xf32, #tpu.memory_space<vmem>>, vector<16xf32>,
    %add3A_1243 = arith.addf %add3A_1233, %get3A_1242 : vector<16xf32>
    %get3A_1244 = arith.constant 7 : i32
    %get3A_1245 = arith.index_cast %get3A_1244 : i32 to index
    %get3A_1246 = arith.constant 32 : index
    %get3A_1247 = tpu.vector_load %arg9[%get3A_1245, %get3A_1246] {strides = array<i32>} : memref<16x128xf32, #tpu.memory_space<vmem>>, vector<16xf32>,
    %add3A_1248 = arith.addf %add3A_1238, %get3A_1247 : vector<16xf32>
    %get3A_1249 = arith.constant 7 : i32
    %get3A_1250 = arith.index_cast %get3A_1249 : i32 to index
    %get3A_1251 = arith.constant 96 : index
    %get3A_1252 = tpu.vector_load %arg9[%get3A_1250, %get3A_1251] {strides = array<i32>} : memref<16x128xf32, #tpu.memory_space<vmem>>, vector<16xf32>,
    %add3A_1253 = arith.addf %add3A_1243, %get3A_1252 : vector<16xf32>
    %get3A_1254 = arith.constant 8 : i32
    %get3A_1255 = arith.index_cast %get3A_1254 : i32 to index
    %get3A_1256 = arith.constant 32 : index
    %get3A_1257 = tpu.vector_load %arg9[%get3A_1255, %get3A_1256] {strides = array<i32>} : memref<16x128xf32, #tpu.memory_space<vmem>>, vector<16xf32>,
    %add3A_1258 = arith.addf %add3A_1248, %get3A_1257 : vector<16xf32>
    %get3A_1259 = arith.constant 8 : i32
    %get3A_1260 = arith.index_cast %get3A_1259 : i32 to index
    %get3A_1261 = arith.constant 96 : index
    %get3A_1262 = tpu.vector_load %arg9[%get3A_1260, %get3A_1261] {strides = array<i32>} : memref<16x128xf32, #tpu.memory_space<vmem>>, vector<16xf32>,
    %add3A_1263 = arith.addf %add3A_1253, %get3A_1262 : vector<16xf32>
    %get3A_1264 = arith.constant 9 : i32
    %get3A_1265 = arith.index_cast %get3A_1264 : i32 to index
    %get3A_1266 = arith.constant 32 : index
    %get3A_1267 = tpu.vector_load %arg9[%get3A_1265, %get3A_1266] {strides = array<i32>} : memref<16x128xf32, #tpu.memory_space<vmem>>, vector<16xf32>,
    %add3A_1268 = arith.addf %add3A_1258, %get3A_1267 : vector<16xf32>
    %get3A_1269 = arith.constant 9 : i32
    %get3A_1270 = arith.index_cast %get3A_1269 : i32 to index
    %get3A_1271 = arith.constant 96 : index
    %get3A_1272 = tpu.vector_load %arg9[%get3A_1270, %get3A_1271] {strides = array<i32>} : memref<16x128xf32, #tpu.memory_space<vmem>>, vector<16xf32>,
    %add3A_1273 = arith.addf %add3A_1263, %get3A_1272 : vector<16xf32>
    %get3A_1274 = arith.constant 10 : i32
    %get3A_1275 = arith.index_cast %get3A_1274 : i32 to index
    %get3A_1276 = arith.constant 32 : index
    %get3A_1277 = tpu.vector_load %arg9[%get3A_1275, %get3A_1276] {strides = array<i32>} : memref<16x128xf32, #tpu.memory_space<vmem>>, vector<16xf32>,
    %add3A_1278 = arith.addf %add3A_1268, %get3A_1277 : vector<16xf32>
    %get3A_1279 = arith.constant 10 : i32
    %get3A_1280 = arith.index_cast %get3A_1279 : i32 to index
    %get3A_1281 = arith.constant 96 : index
    %get3A_1282 = tpu.vector_load %arg9[%get3A_1280, %get3A_1281] {strides = array<i32>} : memref<16x128xf32, #tpu.memory_space<vmem>>, vector<16xf32>,
    %add3A_1283 = arith.addf %add3A_1273, %get3A_1282 : vector<16xf32>
    %get3A_1284 = arith.constant 11 : i32
    %get3A_1285 = arith.index_cast %get3A_1284 : i32 to index
    %get3A_1286 = arith.constant 32 : index
    %get3A_1287 = tpu.vector_load %arg9[%get3A_1285, %get3A_1286] {strides = array<i32>} : memref<16x128xf32, #tpu.memory_space<vmem>>, vector<16xf32>,
    %add3A_1288 = arith.addf %add3A_1278, %get3A_1287 : vector<16xf32>
    %get3A_1289 = arith.constant 11 : i32
    %get3A_1290 = arith.index_cast %get3A_1289 : i32 to index
    %get3A_1291 = arith.constant 96 : index
    %get3A_1292 = tpu.vector_load %arg9[%get3A_1290, %get3A_1291] {strides = array<i32>} : memref<16x128xf32, #tpu.memory_space<vmem>>, vector<16xf32>,
    %add3A_1293 = arith.addf %add3A_1283, %get3A_1292 : vector<16xf32>
    %get3A_1294 = arith.constant 12 : i32
    %get3A_1295 = arith.index_cast %get3A_1294 : i32 to index
    %get3A_1296 = arith.constant 32 : index
    %get3A_1297 = tpu.vector_load %arg9[%get3A_1295, %get3A_1296] {strides = array<i32>} : memref<16x128xf32, #tpu.memory_space<vmem>>, vector<16xf32>,
    %add3A_1298 = arith.addf %add3A_1288, %get3A_1297 : vector<16xf32>
    %get3A_1299 = arith.constant 12 : i32
    %get3A_1300 = arith.index_cast %get3A_1299 : i32 to index
    %get3A_1301 = arith.constant 96 : index
    %get3A_1302 = tpu.vector_load %arg9[%get3A_1300, %get3A_1301] {strides = array<i32>} : memref<16x128xf32, #tpu.memory_space<vmem>>, vector<16xf32>,
    %add3A_1303 = arith.addf %add3A_1293, %get3A_1302 : vector<16xf32>
    %get3A_1304 = arith.constant 13 : i32
    %get3A_1305 = arith.index_cast %get3A_1304 : i32 to index
    %get3A_1306 = arith.constant 32 : index
    %get3A_1307 = tpu.vector_load %arg9[%get3A_1305, %get3A_1306] {strides = array<i32>} : memref<16x128xf32, #tpu.memory_space<vmem>>, vector<16xf32>,
    %add3A_1308 = arith.addf %add3A_1298, %get3A_1307 : vector<16xf32>
    %get3A_1309 = arith.constant 13 : i32
    %get3A_1310 = arith.index_cast %get3A_1309 : i32 to index
    %get3A_1311 = arith.constant 96 : index
    %get3A_1312 = tpu.vector_load %arg9[%get3A_1310, %get3A_1311] {strides = array<i32>} : memref<16x128xf32, #tpu.memory_space<vmem>>, vector<16xf32>,
    %add3A_1313 = arith.addf %add3A_1303, %get3A_1312 : vector<16xf32>
    %get3A_1314 = arith.constant 14 : i32
    %get3A_1315 = arith.index_cast %get3A_1314 : i32 to index
    %get3A_1316 = arith.constant 32 : index
    %get3A_1317 = tpu.vector_load %arg9[%get3A_1315, %get3A_1316] {strides = array<i32>} : memref<16x128xf32, #tpu.memory_space<vmem>>, vector<16xf32>,
    %add3A_1318 = arith.addf %add3A_1308, %get3A_1317 : vector<16xf32>
    %get3A_1319 = arith.constant 14 : i32
    %get3A_1320 = arith.index_cast %get3A_1319 : i32 to index
    %get3A_1321 = arith.constant 96 : index
    %get3A_1322 = tpu.vector_load %arg9[%get3A_1320, %get3A_1321] {strides = array<i32>} : memref<16x128xf32, #tpu.memory_space<vmem>>, vector<16xf32>,
    %add3A_1323 = arith.addf %add3A_1313, %get3A_1322 : vector<16xf32>
    %get3A_1324 = arith.constant 15 : i32
    %get3A_1325 = arith.index_cast %get3A_1324 : i32 to index
    %get3A_1326 = arith.constant 32 : index
    %get3A_1327 = tpu.vector_load %arg9[%get3A_1325, %get3A_1326] {strides = array<i32>} : memref<16x128xf32, #tpu.memory_space<vmem>>, vector<16xf32>,
    %add3A_1328 = arith.addf %add3A_1318, %get3A_1327 : vector<16xf32>
    %get3A_1329 = arith.constant 15 : i32
    %get3A_1330 = arith.index_cast %get3A_1329 : i32 to index
    %get3A_1331 = arith.constant 96 : index
    %get3A_1332 = tpu.vector_load %arg9[%get3A_1330, %get3A_1331] {strides = array<i32>} : memref<16x128xf32, #tpu.memory_space<vmem>>, vector<16xf32>,
    %add3A_1333 = arith.addf %add3A_1323, %get3A_1332 : vector<16xf32>
    %add3A_1334 = arith.constant 32 : i32
    %add3A_1335 = vector.broadcast %add3A_1334 : i32 to vector<16xi32>
    %add3A_1336 = arith.addi %iota3A, %add3A_1335 : vector<16xi32>
    %lt3A_1337 = arith.constant 50 : i32
    %lt3A_1338 = vector.broadcast %lt3A_1337 : i32 to vector<16xi32>
    %lt3A_1339 = arith.cmpi slt, %add3A_1336, %lt3A_1338 : vector<16xi32>
    %ge3A_1340 = arith.constant 2.000000e+00 : f32
    %ge3A_1341 = vector.broadcast %ge3A_1340 : f32 to vector<16xf32>
    %ge3A_1342 = arith.cmpf oge, %add3A_1328, %ge3A_1341 : vector<16xf32>
    %and3A_1343 = arith.andi %lt3A_1339, %ge3A_1342 : vector<16xi1>
    %max3A_1344 = arith.constant 1.000000e+00 : f32
    %max3A_1345 = vector.broadcast %max3A_1344 : f32 to vector<16xf32>
    %max3A_1346 = arith.maximumf %add3A_1328, %max3A_1345 : vector<16xf32>
    %div3A_1347 = arith.constant 1.000000e+00 : f32
    %div3A_1348 = vector.broadcast %div3A_1347 : f32 to vector<16xf32>
    %div3A_1349 = arith.divf %div3A_1348, %max3A_1346 : vector<16xf32>
    %jit3A_1350 = arith.constant 0.000000e+00 : f32
    %broadcast_in_dim3A_1351 = vector.broadcast %jit3A_1350 : f32 to vector<16xf32>
    %select_n3A_1352 = arith.select %and3A_1343, %div3A_1349, %broadcast_in_dim3A_1351 : vector<16xi1>, vector<16xf32>
    %max3A_1353 = arith.constant 1.000000e-30 : f32
    %max3A_1354 = vector.broadcast %max3A_1353 : f32 to vector<16xf32>
    %max3A_1355 = arith.maximumf %add3A_1333, %max3A_1354 : vector<16xf32>
    %div3A_1356 = arith.constant 1.000000e+00 : f32
    %div3A_1357 = vector.broadcast %div3A_1356 : f32 to vector<16xf32>
    %div3A_1358 = arith.divf %div3A_1357, %max3A_1355 : vector<16xf32>
    %swap3A_1359 = arith.constant 32 : index
    %swap3A_1360 = tpu.vector_load %arg10[%swap3A_1359] {strides = array<i32>} : memref<64xf32, #tpu.memory_space<vmem>>, vector<16xf32>,
    tpu.vector_store %arg10[%swap3A_1359], %div3A_1358 {strides = array<i32>} : memref<64xf32, #tpu.memory_space<vmem>>, vector<16xf32>,
    %swap3A_1361 = arith.constant 32 : index
    %swap3A_1362 = tpu.vector_load %arg11[%swap3A_1361] {strides = array<i32>} : memref<64xf32, #tpu.memory_space<vmem>>, vector<16xf32>,
    tpu.vector_store %arg11[%swap3A_1361], %select_n3A_1352 {strides = array<i32>} : memref<64xf32, #tpu.memory_space<vmem>>, vector<16xf32>,
    %max3A_1363 = arith.constant 1.000000e+00 : f32
    %max3A_1364 = vector.broadcast %max3A_1363 : f32 to vector<16xf32>
    %max3A_1365 = arith.maximumf %add3A_1328, %max3A_1364 : vector<16xf32>
    %bitcast3A_1366 = vector.bitcast %max3A_1365 : vector<16xf32> to vector<16xi32>
    %shift_right_arithmetic3A_1367 = arith.constant 23 : i32
    %shift_right_arithmetic3A_1368 = vector.broadcast %shift_right_arithmetic3A_1367 : i32 to vector<16xi32>
    %shift_right_arithmetic3A_1369 = arith.shrsi %bitcast3A_1366, %shift_right_arithmetic3A_1368 : vector<16xi32>
    %sub3A_1370 = arith.constant 127 : i32
    %sub3A_1371 = vector.broadcast %sub3A_1370 : i32 to vector<16xi32>
    %sub3A_1372 = arith.subi %shift_right_arithmetic3A_1369, %sub3A_1371 : vector<16xi32>
    %and3A_1373 = arith.constant 8388607 : i32
    %and3A_1374 = vector.broadcast %and3A_1373 : i32 to vector<16xi32>
    %and3A_1375 = arith.andi %bitcast3A_1366, %and3A_1374 : vector<16xi32>
    %or3A_1376 = arith.constant 1065353216 : i32
    %or3A_1377 = vector.broadcast %or3A_1376 : i32 to vector<16xi32>
    %or3A_1378 = arith.ori %and3A_1375, %or3A_1377 : vector<16xi32>
    %bitcast3A_1379 = vector.bitcast %or3A_1378 : vector<16xi32> to vector<16xf32>
    %gt3A_1380 = arith.constant 1.41421354 : f32
    %gt3A_1381 = vector.broadcast %gt3A_1380 : f32 to vector<16xf32>
    %gt3A_1382 = arith.cmpf ogt, %bitcast3A_1379, %gt3A_1381 : vector<16xf32>
    %mul3A_1383 = arith.constant 5.000000e-01 : f32
    %mul3A_1384 = vector.broadcast %mul3A_1383 : f32 to vector<16xf32>
    %mul3A_1385 = arith.mulf %bitcast3A_1379, %mul3A_1384 : vector<16xf32>
    %select_n3A_1386 = arith.select %gt3A_1382, %mul3A_1385, %bitcast3A_1379 : vector<16xi1>, vector<16xf32>
    %convert_element_type3A_1387 = arith.sitofp %sub3A_1372 : vector<16xi32> to vector<16xf32>
    %jit3A_1388 = arith.constant 1.000000e+00 : f32
    %jit3A_1389 = arith.constant 0.000000e+00 : f32
    %broadcast_in_dim3A_1390 = vector.broadcast %jit3A_1388 : f32 to vector<16xf32>
    %broadcast_in_dim3A_1391 = vector.broadcast %jit3A_1389 : f32 to vector<16xf32>
    %select_n3A_1392 = arith.select %gt3A_1382, %broadcast_in_dim3A_1390, %broadcast_in_dim3A_1391 : vector<16xi1>, vector<16xf32>
    %add3A_1393 = arith.addf %convert_element_type3A_1387, %select_n3A_1392 : vector<16xf32>
    %sub3A_1394 = arith.constant 1.000000e+00 : f32
    %sub3A_1395 = vector.broadcast %sub3A_1394 : f32 to vector<16xf32>
    %sub3A_1396 = arith.subf %select_n3A_1386, %sub3A_1395 : vector<16xf32>
    %add3A_1397 = arith.constant 1.000000e+00 : f32
    %add3A_1398 = vector.broadcast %add3A_1397 : f32 to vector<16xf32>
    %add3A_1399 = arith.addf %select_n3A_1386, %add3A_1398 : vector<16xf32>
    %div3A_1400 = arith.divf %sub3A_1396, %add3A_1399 : vector<16xf32>
    %mul3A_1401 = arith.mulf %div3A_1400, %div3A_1400 : vector<16xf32>
    %mul3A_1402 = arith.constant 0.111111112 : f32
    %mul3A_1403 = vector.broadcast %mul3A_1402 : f32 to vector<16xf32>
    %mul3A_1404 = arith.mulf %mul3A_1403, %mul3A_1401 : vector<16xf32>
    %add3A_1405 = arith.constant 0.142857149 : f32
    %add3A_1406 = vector.broadcast %add3A_1405 : f32 to vector<16xf32>
    %add3A_1407 = arith.addf %mul3A_1404, %add3A_1406 : vector<16xf32>
    %mul3A_1408 = arith.mulf %add3A_1407, %mul3A_1401 : vector<16xf32>
    %add3A_1409 = arith.constant 2.000000e-01 : f32
    %add3A_1410 = vector.broadcast %add3A_1409 : f32 to vector<16xf32>
    %add3A_1411 = arith.addf %mul3A_1408, %add3A_1410 : vector<16xf32>
    %mul3A_1412 = arith.mulf %add3A_1411, %mul3A_1401 : vector<16xf32>
    %add3A_1413 = arith.constant 0.333333343 : f32
    %add3A_1414 = vector.broadcast %add3A_1413 : f32 to vector<16xf32>
    %add3A_1415 = arith.addf %mul3A_1412, %add3A_1414 : vector<16xf32>
    %mul3A_1416 = arith.mulf %add3A_1415, %mul3A_1401 : vector<16xf32>
    %add3A_1417 = arith.constant 1.000000e+00 : f32
    %add3A_1418 = vector.broadcast %add3A_1417 : f32 to vector<16xf32>
    %add3A_1419 = arith.addf %mul3A_1416, %add3A_1418 : vector<16xf32>
    %mul3A_1420 = arith.constant 0.693147182 : f32
    %mul3A_1421 = vector.broadcast %mul3A_1420 : f32 to vector<16xf32>
    %mul3A_1422 = arith.mulf %add3A_1393, %mul3A_1421 : vector<16xf32>
    %mul3A_1423 = arith.constant 2.000000e+00 : f32
    %mul3A_1424 = vector.broadcast %mul3A_1423 : f32 to vector<16xf32>
    %mul3A_1425 = arith.mulf %mul3A_1424, %div3A_1400 : vector<16xf32>
    %mul3A_1426 = arith.mulf %mul3A_1425, %add3A_1419 : vector<16xf32>
    %add3A_1427 = arith.addf %mul3A_1422, %mul3A_1426 : vector<16xf32>
    %neg3A_1428 = arith.constant 0.000000e+00 : f32
    %neg3A_1429 = vector.broadcast %neg3A_1428 : f32 to vector<16xf32>
    %neg3A_1430 = arith.subf %neg3A_1429, %add3A_1427 : vector<16xf32>
    %jit3A_1431 = arith.constant 0.000000e+00 : f32
    %broadcast_in_dim3A_1432 = vector.broadcast %jit3A_1431 : f32 to vector<16xf32>
    %select_n3A_1433 = arith.select %and3A_1343, %neg3A_1430, %broadcast_in_dim3A_1432 : vector<16xi1>, vector<16xf32>
    %add3A_1434 = arith.addf %add3A_1171, %select_n3A_1433 : vector<16xf32>
    %select_n3A_1435 = arith.select %and3A_1343, %broadcast_in_dim3A_3, %broadcast_in_dim3A_1 : vector<16xi1>, vector<16xf32>
    %add3A_1436 = arith.addf %add3A_1173, %select_n3A_1435 : vector<16xf32>
    %get3A_1437 = arith.constant 0 : i32
    %get3A_1438 = arith.index_cast %get3A_1437 : i32 to index
    %get3A_1439 = arith.constant 48 : index
    %get3A_1440 = tpu.vector_load %arg9[%get3A_1438, %get3A_1439] {strides = array<i32>} : memref<16x128xf32, #tpu.memory_space<vmem>>, vector<16xf32>,
    %add3A_1441 = arith.addf %broadcast_in_dim3A_1, %get3A_1440 : vector<16xf32>
    %get3A_1442 = arith.constant 0 : i32
    %get3A_1443 = arith.index_cast %get3A_1442 : i32 to index
    %get3A_1444 = arith.constant 112 : index
    %get3A_1445 = tpu.vector_load %arg9[%get3A_1443, %get3A_1444] {strides = array<i32>} : memref<16x128xf32, #tpu.memory_space<vmem>>, vector<16xf32>,
    %add3A_1446 = arith.addf %broadcast_in_dim3A_1, %get3A_1445 : vector<16xf32>
    %get3A_1447 = arith.constant 1 : i32
    %get3A_1448 = arith.index_cast %get3A_1447 : i32 to index
    %get3A_1449 = arith.constant 48 : index
    %get3A_1450 = tpu.vector_load %arg9[%get3A_1448, %get3A_1449] {strides = array<i32>} : memref<16x128xf32, #tpu.memory_space<vmem>>, vector<16xf32>,
    %add3A_1451 = arith.addf %add3A_1441, %get3A_1450 : vector<16xf32>
    %get3A_1452 = arith.constant 1 : i32
    %get3A_1453 = arith.index_cast %get3A_1452 : i32 to index
    %get3A_1454 = arith.constant 112 : index
    %get3A_1455 = tpu.vector_load %arg9[%get3A_1453, %get3A_1454] {strides = array<i32>} : memref<16x128xf32, #tpu.memory_space<vmem>>, vector<16xf32>,
    %add3A_1456 = arith.addf %add3A_1446, %get3A_1455 : vector<16xf32>
    %get3A_1457 = arith.constant 2 : i32
    %get3A_1458 = arith.index_cast %get3A_1457 : i32 to index
    %get3A_1459 = arith.constant 48 : index
    %get3A_1460 = tpu.vector_load %arg9[%get3A_1458, %get3A_1459] {strides = array<i32>} : memref<16x128xf32, #tpu.memory_space<vmem>>, vector<16xf32>,
    %add3A_1461 = arith.addf %add3A_1451, %get3A_1460 : vector<16xf32>
    %get3A_1462 = arith.constant 2 : i32
    %get3A_1463 = arith.index_cast %get3A_1462 : i32 to index
    %get3A_1464 = arith.constant 112 : index
    %get3A_1465 = tpu.vector_load %arg9[%get3A_1463, %get3A_1464] {strides = array<i32>} : memref<16x128xf32, #tpu.memory_space<vmem>>, vector<16xf32>,
    %add3A_1466 = arith.addf %add3A_1456, %get3A_1465 : vector<16xf32>
    %get3A_1467 = arith.constant 3 : i32
    %get3A_1468 = arith.index_cast %get3A_1467 : i32 to index
    %get3A_1469 = arith.constant 48 : index
    %get3A_1470 = tpu.vector_load %arg9[%get3A_1468, %get3A_1469] {strides = array<i32>} : memref<16x128xf32, #tpu.memory_space<vmem>>, vector<16xf32>,
    %add3A_1471 = arith.addf %add3A_1461, %get3A_1470 : vector<16xf32>
    %get3A_1472 = arith.constant 3 : i32
    %get3A_1473 = arith.index_cast %get3A_1472 : i32 to index
    %get3A_1474 = arith.constant 112 : index
    %get3A_1475 = tpu.vector_load %arg9[%get3A_1473, %get3A_1474] {strides = array<i32>} : memref<16x128xf32, #tpu.memory_space<vmem>>, vector<16xf32>,
    %add3A_1476 = arith.addf %add3A_1466, %get3A_1475 : vector<16xf32>
    %get3A_1477 = arith.constant 4 : i32
    %get3A_1478 = arith.index_cast %get3A_1477 : i32 to index
    %get3A_1479 = arith.constant 48 : index
    %get3A_1480 = tpu.vector_load %arg9[%get3A_1478, %get3A_1479] {strides = array<i32>} : memref<16x128xf32, #tpu.memory_space<vmem>>, vector<16xf32>,
    %add3A_1481 = arith.addf %add3A_1471, %get3A_1480 : vector<16xf32>
    %get3A_1482 = arith.constant 4 : i32
    %get3A_1483 = arith.index_cast %get3A_1482 : i32 to index
    %get3A_1484 = arith.constant 112 : index
    %get3A_1485 = tpu.vector_load %arg9[%get3A_1483, %get3A_1484] {strides = array<i32>} : memref<16x128xf32, #tpu.memory_space<vmem>>, vector<16xf32>,
    %add3A_1486 = arith.addf %add3A_1476, %get3A_1485 : vector<16xf32>
    %get3A_1487 = arith.constant 5 : i32
    %get3A_1488 = arith.index_cast %get3A_1487 : i32 to index
    %get3A_1489 = arith.constant 48 : index
    %get3A_1490 = tpu.vector_load %arg9[%get3A_1488, %get3A_1489] {strides = array<i32>} : memref<16x128xf32, #tpu.memory_space<vmem>>, vector<16xf32>,
    %add3A_1491 = arith.addf %add3A_1481, %get3A_1490 : vector<16xf32>
    %get3A_1492 = arith.constant 5 : i32
    %get3A_1493 = arith.index_cast %get3A_1492 : i32 to index
    %get3A_1494 = arith.constant 112 : index
    %get3A_1495 = tpu.vector_load %arg9[%get3A_1493, %get3A_1494] {strides = array<i32>} : memref<16x128xf32, #tpu.memory_space<vmem>>, vector<16xf32>,
    %add3A_1496 = arith.addf %add3A_1486, %get3A_1495 : vector<16xf32>
    %get3A_1497 = arith.constant 6 : i32
    %get3A_1498 = arith.index_cast %get3A_1497 : i32 to index
    %get3A_1499 = arith.constant 48 : index
    %get3A_1500 = tpu.vector_load %arg9[%get3A_1498, %get3A_1499] {strides = array<i32>} : memref<16x128xf32, #tpu.memory_space<vmem>>, vector<16xf32>,
    %add3A_1501 = arith.addf %add3A_1491, %get3A_1500 : vector<16xf32>
    %get3A_1502 = arith.constant 6 : i32
    %get3A_1503 = arith.index_cast %get3A_1502 : i32 to index
    %get3A_1504 = arith.constant 112 : index
    %get3A_1505 = tpu.vector_load %arg9[%get3A_1503, %get3A_1504] {strides = array<i32>} : memref<16x128xf32, #tpu.memory_space<vmem>>, vector<16xf32>,
    %add3A_1506 = arith.addf %add3A_1496, %get3A_1505 : vector<16xf32>
    %get3A_1507 = arith.constant 7 : i32
    %get3A_1508 = arith.index_cast %get3A_1507 : i32 to index
    %get3A_1509 = arith.constant 48 : index
    %get3A_1510 = tpu.vector_load %arg9[%get3A_1508, %get3A_1509] {strides = array<i32>} : memref<16x128xf32, #tpu.memory_space<vmem>>, vector<16xf32>,
    %add3A_1511 = arith.addf %add3A_1501, %get3A_1510 : vector<16xf32>
    %get3A_1512 = arith.constant 7 : i32
    %get3A_1513 = arith.index_cast %get3A_1512 : i32 to index
    %get3A_1514 = arith.constant 112 : index
    %get3A_1515 = tpu.vector_load %arg9[%get3A_1513, %get3A_1514] {strides = array<i32>} : memref<16x128xf32, #tpu.memory_space<vmem>>, vector<16xf32>,
    %add3A_1516 = arith.addf %add3A_1506, %get3A_1515 : vector<16xf32>
    %get3A_1517 = arith.constant 8 : i32
    %get3A_1518 = arith.index_cast %get3A_1517 : i32 to index
    %get3A_1519 = arith.constant 48 : index
    %get3A_1520 = tpu.vector_load %arg9[%get3A_1518, %get3A_1519] {strides = array<i32>} : memref<16x128xf32, #tpu.memory_space<vmem>>, vector<16xf32>,
    %add3A_1521 = arith.addf %add3A_1511, %get3A_1520 : vector<16xf32>
    %get3A_1522 = arith.constant 8 : i32
    %get3A_1523 = arith.index_cast %get3A_1522 : i32 to index
    %get3A_1524 = arith.constant 112 : index
    %get3A_1525 = tpu.vector_load %arg9[%get3A_1523, %get3A_1524] {strides = array<i32>} : memref<16x128xf32, #tpu.memory_space<vmem>>, vector<16xf32>,
    %add3A_1526 = arith.addf %add3A_1516, %get3A_1525 : vector<16xf32>
    %get3A_1527 = arith.constant 9 : i32
    %get3A_1528 = arith.index_cast %get3A_1527 : i32 to index
    %get3A_1529 = arith.constant 48 : index
    %get3A_1530 = tpu.vector_load %arg9[%get3A_1528, %get3A_1529] {strides = array<i32>} : memref<16x128xf32, #tpu.memory_space<vmem>>, vector<16xf32>,
    %add3A_1531 = arith.addf %add3A_1521, %get3A_1530 : vector<16xf32>
    %get3A_1532 = arith.constant 9 : i32
    %get3A_1533 = arith.index_cast %get3A_1532 : i32 to index
    %get3A_1534 = arith.constant 112 : index
    %get3A_1535 = tpu.vector_load %arg9[%get3A_1533, %get3A_1534] {strides = array<i32>} : memref<16x128xf32, #tpu.memory_space<vmem>>, vector<16xf32>,
    %add3A_1536 = arith.addf %add3A_1526, %get3A_1535 : vector<16xf32>
    %get3A_1537 = arith.constant 10 : i32
    %get3A_1538 = arith.index_cast %get3A_1537 : i32 to index
    %get3A_1539 = arith.constant 48 : index
    %get3A_1540 = tpu.vector_load %arg9[%get3A_1538, %get3A_1539] {strides = array<i32>} : memref<16x128xf32, #tpu.memory_space<vmem>>, vector<16xf32>,
    %add3A_1541 = arith.addf %add3A_1531, %get3A_1540 : vector<16xf32>
    %get3A_1542 = arith.constant 10 : i32
    %get3A_1543 = arith.index_cast %get3A_1542 : i32 to index
    %get3A_1544 = arith.constant 112 : index
    %get3A_1545 = tpu.vector_load %arg9[%get3A_1543, %get3A_1544] {strides = array<i32>} : memref<16x128xf32, #tpu.memory_space<vmem>>, vector<16xf32>,
    %add3A_1546 = arith.addf %add3A_1536, %get3A_1545 : vector<16xf32>
    %get3A_1547 = arith.constant 11 : i32
    %get3A_1548 = arith.index_cast %get3A_1547 : i32 to index
    %get3A_1549 = arith.constant 48 : index
    %get3A_1550 = tpu.vector_load %arg9[%get3A_1548, %get3A_1549] {strides = array<i32>} : memref<16x128xf32, #tpu.memory_space<vmem>>, vector<16xf32>,
    %add3A_1551 = arith.addf %add3A_1541, %get3A_1550 : vector<16xf32>
    %get3A_1552 = arith.constant 11 : i32
    %get3A_1553 = arith.index_cast %get3A_1552 : i32 to index
    %get3A_1554 = arith.constant 112 : index
    %get3A_1555 = tpu.vector_load %arg9[%get3A_1553, %get3A_1554] {strides = array<i32>} : memref<16x128xf32, #tpu.memory_space<vmem>>, vector<16xf32>,
    %add3A_1556 = arith.addf %add3A_1546, %get3A_1555 : vector<16xf32>
    %get3A_1557 = arith.constant 12 : i32
    %get3A_1558 = arith.index_cast %get3A_1557 : i32 to index
    %get3A_1559 = arith.constant 48 : index
    %get3A_1560 = tpu.vector_load %arg9[%get3A_1558, %get3A_1559] {strides = array<i32>} : memref<16x128xf32, #tpu.memory_space<vmem>>, vector<16xf32>,
    %add3A_1561 = arith.addf %add3A_1551, %get3A_1560 : vector<16xf32>
    %get3A_1562 = arith.constant 12 : i32
    %get3A_1563 = arith.index_cast %get3A_1562 : i32 to index
    %get3A_1564 = arith.constant 112 : index
    %get3A_1565 = tpu.vector_load %arg9[%get3A_1563, %get3A_1564] {strides = array<i32>} : memref<16x128xf32, #tpu.memory_space<vmem>>, vector<16xf32>,
    %add3A_1566 = arith.addf %add3A_1556, %get3A_1565 : vector<16xf32>
    %get3A_1567 = arith.constant 13 : i32
    %get3A_1568 = arith.index_cast %get3A_1567 : i32 to index
    %get3A_1569 = arith.constant 48 : index
    %get3A_1570 = tpu.vector_load %arg9[%get3A_1568, %get3A_1569] {strides = array<i32>} : memref<16x128xf32, #tpu.memory_space<vmem>>, vector<16xf32>,
    %add3A_1571 = arith.addf %add3A_1561, %get3A_1570 : vector<16xf32>
    %get3A_1572 = arith.constant 13 : i32
    %get3A_1573 = arith.index_cast %get3A_1572 : i32 to index
    %get3A_1574 = arith.constant 112 : index
    %get3A_1575 = tpu.vector_load %arg9[%get3A_1573, %get3A_1574] {strides = array<i32>} : memref<16x128xf32, #tpu.memory_space<vmem>>, vector<16xf32>,
    %add3A_1576 = arith.addf %add3A_1566, %get3A_1575 : vector<16xf32>
    %get3A_1577 = arith.constant 14 : i32
    %get3A_1578 = arith.index_cast %get3A_1577 : i32 to index
    %get3A_1579 = arith.constant 48 : index
    %get3A_1580 = tpu.vector_load %arg9[%get3A_1578, %get3A_1579] {strides = array<i32>} : memref<16x128xf32, #tpu.memory_space<vmem>>, vector<16xf32>,
    %add3A_1581 = arith.addf %add3A_1571, %get3A_1580 : vector<16xf32>
    %get3A_1582 = arith.constant 14 : i32
    %get3A_1583 = arith.index_cast %get3A_1582 : i32 to index
    %get3A_1584 = arith.constant 112 : index
    %get3A_1585 = tpu.vector_load %arg9[%get3A_1583, %get3A_1584] {strides = array<i32>} : memref<16x128xf32, #tpu.memory_space<vmem>>, vector<16xf32>,
    %add3A_1586 = arith.addf %add3A_1576, %get3A_1585 : vector<16xf32>
    %get3A_1587 = arith.constant 15 : i32
    %get3A_1588 = arith.index_cast %get3A_1587 : i32 to index
    %get3A_1589 = arith.constant 48 : index
    %get3A_1590 = tpu.vector_load %arg9[%get3A_1588, %get3A_1589] {strides = array<i32>} : memref<16x128xf32, #tpu.memory_space<vmem>>, vector<16xf32>,
    %add3A_1591 = arith.addf %add3A_1581, %get3A_1590 : vector<16xf32>
    %get3A_1592 = arith.constant 15 : i32
    %get3A_1593 = arith.index_cast %get3A_1592 : i32 to index
    %get3A_1594 = arith.constant 112 : index
    %get3A_1595 = tpu.vector_load %arg9[%get3A_1593, %get3A_1594] {strides = array<i32>} : memref<16x128xf32, #tpu.memory_space<vmem>>, vector<16xf32>,
    %add3A_1596 = arith.addf %add3A_1586, %get3A_1595 : vector<16xf32>
    %add3A_1597 = arith.constant 48 : i32
    %add3A_1598 = vector.broadcast %add3A_1597 : i32 to vector<16xi32>
    %add3A_1599 = arith.addi %iota3A, %add3A_1598 : vector<16xi32>
    %lt3A_1600 = arith.constant 50 : i32
    %lt3A_1601 = vector.broadcast %lt3A_1600 : i32 to vector<16xi32>
    %lt3A_1602 = arith.cmpi slt, %add3A_1599, %lt3A_1601 : vector<16xi32>
    %ge3A_1603 = arith.constant 2.000000e+00 : f32
    %ge3A_1604 = vector.broadcast %ge3A_1603 : f32 to vector<16xf32>
    %ge3A_1605 = arith.cmpf oge, %add3A_1591, %ge3A_1604 : vector<16xf32>
    %and3A_1606 = arith.andi %lt3A_1602, %ge3A_1605 : vector<16xi1>
    %max3A_1607 = arith.constant 1.000000e+00 : f32
    %max3A_1608 = vector.broadcast %max3A_1607 : f32 to vector<16xf32>
    %max3A_1609 = arith.maximumf %add3A_1591, %max3A_1608 : vector<16xf32>
    %div3A_1610 = arith.constant 1.000000e+00 : f32
    %div3A_1611 = vector.broadcast %div3A_1610 : f32 to vector<16xf32>
    %div3A_1612 = arith.divf %div3A_1611, %max3A_1609 : vector<16xf32>
    %jit3A_1613 = arith.constant 0.000000e+00 : f32
    %broadcast_in_dim3A_1614 = vector.broadcast %jit3A_1613 : f32 to vector<16xf32>
    %select_n3A_1615 = arith.select %and3A_1606, %div3A_1612, %broadcast_in_dim3A_1614 : vector<16xi1>, vector<16xf32>
    %max3A_1616 = arith.constant 1.000000e-30 : f32
    %max3A_1617 = vector.broadcast %max3A_1616 : f32 to vector<16xf32>
    %max3A_1618 = arith.maximumf %add3A_1596, %max3A_1617 : vector<16xf32>
    %div3A_1619 = arith.constant 1.000000e+00 : f32
    %div3A_1620 = vector.broadcast %div3A_1619 : f32 to vector<16xf32>
    %div3A_1621 = arith.divf %div3A_1620, %max3A_1618 : vector<16xf32>
    %swap3A_1622 = arith.constant 48 : index
    %swap3A_1623 = tpu.vector_load %arg10[%swap3A_1622] {strides = array<i32>} : memref<64xf32, #tpu.memory_space<vmem>>, vector<16xf32>,
    tpu.vector_store %arg10[%swap3A_1622], %div3A_1621 {strides = array<i32>} : memref<64xf32, #tpu.memory_space<vmem>>, vector<16xf32>,
    %swap3A_1624 = arith.constant 48 : index
    %swap3A_1625 = tpu.vector_load %arg11[%swap3A_1624] {strides = array<i32>} : memref<64xf32, #tpu.memory_space<vmem>>, vector<16xf32>,
    tpu.vector_store %arg11[%swap3A_1624], %select_n3A_1615 {strides = array<i32>} : memref<64xf32, #tpu.memory_space<vmem>>, vector<16xf32>,
    %max3A_1626 = arith.constant 1.000000e+00 : f32
    %max3A_1627 = vector.broadcast %max3A_1626 : f32 to vector<16xf32>
    %max3A_1628 = arith.maximumf %add3A_1591, %max3A_1627 : vector<16xf32>
    %bitcast3A_1629 = vector.bitcast %max3A_1628 : vector<16xf32> to vector<16xi32>
    %shift_right_arithmetic3A_1630 = arith.constant 23 : i32
    %shift_right_arithmetic3A_1631 = vector.broadcast %shift_right_arithmetic3A_1630 : i32 to vector<16xi32>
    %shift_right_arithmetic3A_1632 = arith.shrsi %bitcast3A_1629, %shift_right_arithmetic3A_1631 : vector<16xi32>
    %sub3A_1633 = arith.constant 127 : i32
    %sub3A_1634 = vector.broadcast %sub3A_1633 : i32 to vector<16xi32>
    %sub3A_1635 = arith.subi %shift_right_arithmetic3A_1632, %sub3A_1634 : vector<16xi32>
    %and3A_1636 = arith.constant 8388607 : i32
    %and3A_1637 = vector.broadcast %and3A_1636 : i32 to vector<16xi32>
    %and3A_1638 = arith.andi %bitcast3A_1629, %and3A_1637 : vector<16xi32>
    %or3A_1639 = arith.constant 1065353216 : i32
    %or3A_1640 = vector.broadcast %or3A_1639 : i32 to vector<16xi32>
    %or3A_1641 = arith.ori %and3A_1638, %or3A_1640 : vector<16xi32>
    %bitcast3A_1642 = vector.bitcast %or3A_1641 : vector<16xi32> to vector<16xf32>
    %gt3A_1643 = arith.constant 1.41421354 : f32
    %gt3A_1644 = vector.broadcast %gt3A_1643 : f32 to vector<16xf32>
    %gt3A_1645 = arith.cmpf ogt, %bitcast3A_1642, %gt3A_1644 : vector<16xf32>
    %mul3A_1646 = arith.constant 5.000000e-01 : f32
    %mul3A_1647 = vector.broadcast %mul3A_1646 : f32 to vector<16xf32>
    %mul3A_1648 = arith.mulf %bitcast3A_1642, %mul3A_1647 : vector<16xf32>
    %select_n3A_1649 = arith.select %gt3A_1645, %mul3A_1648, %bitcast3A_1642 : vector<16xi1>, vector<16xf32>
    %convert_element_type3A_1650 = arith.sitofp %sub3A_1635 : vector<16xi32> to vector<16xf32>
    %jit3A_1651 = arith.constant 1.000000e+00 : f32
    %jit3A_1652 = arith.constant 0.000000e+00 : f32
    %broadcast_in_dim3A_1653 = vector.broadcast %jit3A_1651 : f32 to vector<16xf32>
    %broadcast_in_dim3A_1654 = vector.broadcast %jit3A_1652 : f32 to vector<16xf32>
    %select_n3A_1655 = arith.select %gt3A_1645, %broadcast_in_dim3A_1653, %broadcast_in_dim3A_1654 : vector<16xi1>, vector<16xf32>
    %add3A_1656 = arith.addf %convert_element_type3A_1650, %select_n3A_1655 : vector<16xf32>
    %sub3A_1657 = arith.constant 1.000000e+00 : f32
    %sub3A_1658 = vector.broadcast %sub3A_1657 : f32 to vector<16xf32>
    %sub3A_1659 = arith.subf %select_n3A_1649, %sub3A_1658 : vector<16xf32>
    %add3A_1660 = arith.constant 1.000000e+00 : f32
    %add3A_1661 = vector.broadcast %add3A_1660 : f32 to vector<16xf32>
    %add3A_1662 = arith.addf %select_n3A_1649, %add3A_1661 : vector<16xf32>
    %div3A_1663 = arith.divf %sub3A_1659, %add3A_1662 : vector<16xf32>
    %mul3A_1664 = arith.mulf %div3A_1663, %div3A_1663 : vector<16xf32>
    %mul3A_1665 = arith.constant 0.111111112 : f32
    %mul3A_1666 = vector.broadcast %mul3A_1665 : f32 to vector<16xf32>
    %mul3A_1667 = arith.mulf %mul3A_1666, %mul3A_1664 : vector<16xf32>
    %add3A_1668 = arith.constant 0.142857149 : f32
    %add3A_1669 = vector.broadcast %add3A_1668 : f32 to vector<16xf32>
    %add3A_1670 = arith.addf %mul3A_1667, %add3A_1669 : vector<16xf32>
    %mul3A_1671 = arith.mulf %add3A_1670, %mul3A_1664 : vector<16xf32>
    %add3A_1672 = arith.constant 2.000000e-01 : f32
    %add3A_1673 = vector.broadcast %add3A_1672 : f32 to vector<16xf32>
    %add3A_1674 = arith.addf %mul3A_1671, %add3A_1673 : vector<16xf32>
    %mul3A_1675 = arith.mulf %add3A_1674, %mul3A_1664 : vector<16xf32>
    %add3A_1676 = arith.constant 0.333333343 : f32
    %add3A_1677 = vector.broadcast %add3A_1676 : f32 to vector<16xf32>
    %add3A_1678 = arith.addf %mul3A_1675, %add3A_1677 : vector<16xf32>
    %mul3A_1679 = arith.mulf %add3A_1678, %mul3A_1664 : vector<16xf32>
    %add3A_1680 = arith.constant 1.000000e+00 : f32
    %add3A_1681 = vector.broadcast %add3A_1680 : f32 to vector<16xf32>
    %add3A_1682 = arith.addf %mul3A_1679, %add3A_1681 : vector<16xf32>
    %mul3A_1683 = arith.constant 0.693147182 : f32
    %mul3A_1684 = vector.broadcast %mul3A_1683 : f32 to vector<16xf32>
    %mul3A_1685 = arith.mulf %add3A_1656, %mul3A_1684 : vector<16xf32>
    %mul3A_1686 = arith.constant 2.000000e+00 : f32
    %mul3A_1687 = vector.broadcast %mul3A_1686 : f32 to vector<16xf32>
    %mul3A_1688 = arith.mulf %mul3A_1687, %div3A_1663 : vector<16xf32>
    %mul3A_1689 = arith.mulf %mul3A_1688, %add3A_1682 : vector<16xf32>
    %add3A_1690 = arith.addf %mul3A_1685, %mul3A_1689 : vector<16xf32>
    %neg3A_1691 = arith.constant 0.000000e+00 : f32
    %neg3A_1692 = vector.broadcast %neg3A_1691 : f32 to vector<16xf32>
    %neg3A_1693 = arith.subf %neg3A_1692, %add3A_1690 : vector<16xf32>
    %jit3A_1694 = arith.constant 0.000000e+00 : f32
    %broadcast_in_dim3A_1695 = vector.broadcast %jit3A_1694 : f32 to vector<16xf32>
    %select_n3A_1696 = arith.select %and3A_1606, %neg3A_1693, %broadcast_in_dim3A_1695 : vector<16xi1>, vector<16xf32>
    %add3A_1697 = arith.addf %add3A_1434, %select_n3A_1696 : vector<16xf32>
    %select_n3A_1698 = arith.select %and3A_1606, %broadcast_in_dim3A_3, %broadcast_in_dim3A_1 : vector<16xi1>, vector<16xf32>
    %add3A_1699 = arith.addf %add3A_1436, %select_n3A_1698 : vector<16xf32>
    %reduce_sum3A = arith.constant true
    %reduce_sum3A_1700 = vector.broadcast %reduce_sum3A : i1 to vector<16xi1>
    %reduce_sum3A_1701 = tpu.scan <sum>, %add3A_1697 masked %reduce_sum3A_1700 : vector<16xf32>, vector<16xi1> -> vector<16xf32>
    %reduce_sum3A_1702 = vector.extract %reduce_sum3A_1701[15] : f32 from vector<16xf32>
    %reduce_sum3A_1703 = arith.constant true
    %reduce_sum3A_1704 = vector.broadcast %reduce_sum3A_1703 : i1 to vector<16xi1>
    %reduce_sum3A_1705 = tpu.scan <sum>, %add3A_1699 masked %reduce_sum3A_1704 : vector<16xf32>, vector<16xi1> -> vector<16xf32>
    %reduce_sum3A_1706 = vector.extract %reduce_sum3A_1705[15] : f32 from vector<16xf32>
    %scan3A_1707 = arith.constant 0 : i32
    %scan3A_1708 = arith.constant 196 : i32
    %scan3A_1709 = arith.addi %scan3A_1707, %scan3A_1708 : i32
    %scan3A_1710 = arith.constant 1 : i32
    %scan3A_1711 = scf.for %scan3A_1719 = %scan3A_1707 to %scan3A_1709 step %scan3A_1710 iter_args(%scan3A_1720 = %broadcast_in_dim3A_1) -> (vector<16xf32>)  : i32 {
      %mul3A_1721 = arith.constant 16 : i32
      %mul3A_1722 = arith.muli %scan3A_1719, %mul3A_1721 : i32
      %get3A_1723 = arith.index_cast %mul3A_1722 : i32 to index
      %get3A_1724 = tpu.vector_load %arg5[%get3A_1723] {strides = array<i32>} : memref<3136xf32, #tpu.memory_space<vmem>>, vector<16xf32>,
      %get3A_1725 = arith.index_cast %mul3A_1722 : i32 to index
      %get3A_1726 = tpu.vector_load %arg6[%get3A_1725] {strides = array<i32>} : memref<3136xi32, #tpu.memory_space<vmem>>, vector<16xi32>,
      %gather3A = tpu.vector_load_idx %arg10[%get3A_1726] : memref<64xf32, #tpu.memory_space<vmem>>[vector<16xi32>], vector<16xf32>,
      %gather3A_1727 = tpu.vector_load_idx %arg11[%get3A_1726] : memref<64xf32, #tpu.memory_space<vmem>>[vector<16xi32>], vector<16xf32>,
      %exp3A = math.exp %get3A_1724 : vector<16xf32>
      %mul3A_1728 = arith.mulf %exp3A, %gather3A : vector<16xf32>
      %add3A_1729 = arith.constant 9.99999993E-9 : f32
      %add3A_1730 = vector.broadcast %add3A_1729 : f32 to vector<16xf32>
      %add3A_1731 = arith.addf %mul3A_1728, %add3A_1730 : vector<16xf32>
      %bitcast3A_1732 = vector.bitcast %add3A_1731 : vector<16xf32> to vector<16xi32>
      %shift_right_arithmetic3A_1733 = arith.constant 23 : i32
      %shift_right_arithmetic3A_1734 = vector.broadcast %shift_right_arithmetic3A_1733 : i32 to vector<16xi32>
      %shift_right_arithmetic3A_1735 = arith.shrsi %bitcast3A_1732, %shift_right_arithmetic3A_1734 : vector<16xi32>
      %sub3A_1736 = arith.constant 127 : i32
      %sub3A_1737 = vector.broadcast %sub3A_1736 : i32 to vector<16xi32>
      %sub3A_1738 = arith.subi %shift_right_arithmetic3A_1735, %sub3A_1737 : vector<16xi32>
      %and3A_1739 = arith.constant 8388607 : i32
      %and3A_1740 = vector.broadcast %and3A_1739 : i32 to vector<16xi32>
      %and3A_1741 = arith.andi %bitcast3A_1732, %and3A_1740 : vector<16xi32>
      %or3A_1742 = arith.constant 1065353216 : i32
      %or3A_1743 = vector.broadcast %or3A_1742 : i32 to vector<16xi32>
      %or3A_1744 = arith.ori %and3A_1741, %or3A_1743 : vector<16xi32>
      %bitcast3A_1745 = vector.bitcast %or3A_1744 : vector<16xi32> to vector<16xf32>
      %gt3A_1746 = arith.constant 1.41421354 : f32
      %gt3A_1747 = vector.broadcast %gt3A_1746 : f32 to vector<16xf32>
      %gt3A_1748 = arith.cmpf ogt, %bitcast3A_1745, %gt3A_1747 : vector<16xf32>
      %mul3A_1749 = arith.constant 5.000000e-01 : f32
      %mul3A_1750 = vector.broadcast %mul3A_1749 : f32 to vector<16xf32>
      %mul3A_1751 = arith.mulf %bitcast3A_1745, %mul3A_1750 : vector<16xf32>
      %select_n3A_1752 = arith.select %gt3A_1748, %mul3A_1751, %bitcast3A_1745 : vector<16xi1>, vector<16xf32>
      %convert_element_type3A_1753 = arith.sitofp %sub3A_1738 : vector<16xi32> to vector<16xf32>
      %jit3A_1754 = arith.constant 1.000000e+00 : f32
      %jit3A_1755 = arith.constant 0.000000e+00 : f32
      %broadcast_in_dim3A_1756 = vector.broadcast %jit3A_1754 : f32 to vector<16xf32>
      %broadcast_in_dim3A_1757 = vector.broadcast %jit3A_1755 : f32 to vector<16xf32>
      %select_n3A_1758 = arith.select %gt3A_1748, %broadcast_in_dim3A_1756, %broadcast_in_dim3A_1757 : vector<16xi1>, vector<16xf32>
      %add3A_1759 = arith.addf %convert_element_type3A_1753, %select_n3A_1758 : vector<16xf32>
      %sub3A_1760 = arith.constant 1.000000e+00 : f32
      %sub3A_1761 = vector.broadcast %sub3A_1760 : f32 to vector<16xf32>
      %sub3A_1762 = arith.subf %select_n3A_1752, %sub3A_1761 : vector<16xf32>
      %add3A_1763 = arith.constant 1.000000e+00 : f32
      %add3A_1764 = vector.broadcast %add3A_1763 : f32 to vector<16xf32>
      %add3A_1765 = arith.addf %select_n3A_1752, %add3A_1764 : vector<16xf32>
      %div3A_1766 = arith.divf %sub3A_1762, %add3A_1765 : vector<16xf32>
      %mul3A_1767 = arith.mulf %div3A_1766, %div3A_1766 : vector<16xf32>
      %mul3A_1768 = arith.constant 0.111111112 : f32
      %mul3A_1769 = vector.broadcast %mul3A_1768 : f32 to vector<16xf32>
      %mul3A_1770 = arith.mulf %mul3A_1769, %mul3A_1767 : vector<16xf32>
      %add3A_1771 = arith.constant 0.142857149 : f32
      %add3A_1772 = vector.broadcast %add3A_1771 : f32 to vector<16xf32>
      %add3A_1773 = arith.addf %mul3A_1770, %add3A_1772 : vector<16xf32>
      %mul3A_1774 = arith.mulf %add3A_1773, %mul3A_1767 : vector<16xf32>
      %add3A_1775 = arith.constant 2.000000e-01 : f32
      %add3A_1776 = vector.broadcast %add3A_1775 : f32 to vector<16xf32>
      %add3A_1777 = arith.addf %mul3A_1774, %add3A_1776 : vector<16xf32>
      %mul3A_1778 = arith.mulf %add3A_1777, %mul3A_1767 : vector<16xf32>
      %add3A_1779 = arith.constant 0.333333343 : f32
      %add3A_1780 = vector.broadcast %add3A_1779 : f32 to vector<16xf32>
      %add3A_1781 = arith.addf %mul3A_1778, %add3A_1780 : vector<16xf32>
      %mul3A_1782 = arith.mulf %add3A_1781, %mul3A_1767 : vector<16xf32>
      %add3A_1783 = arith.constant 1.000000e+00 : f32
      %add3A_1784 = vector.broadcast %add3A_1783 : f32 to vector<16xf32>
      %add3A_1785 = arith.addf %mul3A_1782, %add3A_1784 : vector<16xf32>
      %mul3A_1786 = arith.constant 0.693147182 : f32
      %mul3A_1787 = vector.broadcast %mul3A_1786 : f32 to vector<16xf32>
      %mul3A_1788 = arith.mulf %add3A_1759, %mul3A_1787 : vector<16xf32>
      %mul3A_1789 = arith.constant 2.000000e+00 : f32
      %mul3A_1790 = vector.broadcast %mul3A_1789 : f32 to vector<16xf32>
      %mul3A_1791 = arith.mulf %mul3A_1790, %div3A_1766 : vector<16xf32>
      %mul3A_1792 = arith.mulf %mul3A_1791, %add3A_1785 : vector<16xf32>
      %add3A_1793 = arith.addf %mul3A_1788, %mul3A_1792 : vector<16xf32>
      %mul3A_1794 = arith.mulf %add3A_1793, %gather3A_1727 : vector<16xf32>
      %add3A_1795 = arith.addf %scan3A_1720, %mul3A_1794 : vector<16xf32>
      scf.yield %add3A_1795 : vector<16xf32>
    }
    %scan3A_1712 = arith.constant 196 : i32
    %swap3A_1713 = arith.constant 0 : index
    %swap3A_1714 = tpu.vector_load %arg8[%swap3A_1713] {strides = array<i32>} : memref<128xf32, #tpu.memory_space<vmem>>, vector<16xf32>,
    tpu.vector_store %arg8[%swap3A_1713], %scan3A_1711 {strides = array<i32>} : memref<128xf32, #tpu.memory_space<vmem>>, vector<16xf32>,
    "tpu.region"() ({
      %run_scoped3A = tpu.sem_alloc : memref<!tpu.dma_semaphore, #tpu.memory_space<semaphore_mem>>
      %dma_start3A = arith.constant 0 : i32
      %dma_start3A_1719 = tpu.memref_slice %arg14[%arg1, %dma_start3A] : memref<16x128xf32, #tpu.memory_space<vmem_shared>> -> memref<1x128xf32, #tpu.memory_space<vmem_shared>>
      %dma_start3A_1720 = tpu.memref_squeeze %dma_start3A_1719 : memref<1x128xf32, #tpu.memory_space<vmem_shared>> -> memref<128xf32, #tpu.memory_space<vmem_shared>>
      %dma_start3A_1721 = arith.constant 0 : i32
      %dma_start3A_1722 = tpu.memref_slice %arg14[%arg1, %dma_start3A_1721] : memref<16x128xf32, #tpu.memory_space<vmem_shared>> -> memref<1x128xf32, #tpu.memory_space<vmem_shared>>
      %dma_start3A_1723 = tpu.memref_squeeze %dma_start3A_1722 : memref<1x128xf32, #tpu.memory_space<vmem_shared>> -> memref<128xf32, #tpu.memory_space<vmem_shared>>
      tpu.enqueue_dma source(%arg8 : memref<128xf32, #tpu.memory_space<vmem>>) target(%dma_start3A_1723 : memref<128xf32, #tpu.memory_space<vmem_shared>>) target_semaphore(%run_scoped3A : memref<!tpu.dma_semaphore, #tpu.memory_space<semaphore_mem>>)
      %dma_wait3A = arith.constant 0 : i32
      %dma_wait3A_1724 = tpu.memref_slice %arg14[%arg1, %dma_wait3A] : memref<16x128xf32, #tpu.memory_space<vmem_shared>> -> memref<1x128xf32, #tpu.memory_space<vmem_shared>>
      %dma_wait3A_1725 = tpu.memref_squeeze %dma_wait3A_1724 : memref<1x128xf32, #tpu.memory_space<vmem_shared>> -> memref<128xf32, #tpu.memory_space<vmem_shared>>
      %dma_wait3A_1726 = arith.constant 0 : i32
      %dma_wait3A_1727 = tpu.memref_slice %arg14[%arg1, %dma_wait3A_1726] : memref<16x128xf32, #tpu.memory_space<vmem_shared>> -> memref<1x128xf32, #tpu.memory_space<vmem_shared>>
      %dma_wait3A_1728 = tpu.memref_squeeze %dma_wait3A_1727 : memref<1x128xf32, #tpu.memory_space<vmem_shared>> -> memref<128xf32, #tpu.memory_space<vmem_shared>>
      tpu.wait_dma2 semaphore(%run_scoped3A : memref<!tpu.dma_semaphore, #tpu.memory_space<semaphore_mem>>) src(%arg8 : memref<128xf32, #tpu.memory_space<vmem>>) dst(%dma_wait3A_1728 : memref<128xf32, #tpu.memory_space<vmem_shared>>)
      tpu.yield
    }) : () -> ()
    %barrier3A_1715 = arith.constant 0 : index
    tpu.barrier barrier_id(%barrier3A_1715)
    %eq3A = arith.constant 0 : i32
    %eq3A_1716 = arith.cmpi eq, %arg1, %eq3A : i32
    %convert_element_type3A_1717 = arith.extui %eq3A_1716 : i1 to i32
    %cond3A = arith.constant 0 : i32
    %cond3A_1718 = arith.cmpi ne, %convert_element_type3A_1717, %cond3A : i32
    scf.if %cond3A_1718 {
      "tpu.region"() ({
        %run_scoped3A = tpu.sem_alloc : memref<!tpu.dma_semaphore, #tpu.memory_space<semaphore_mem>>
        tpu.enqueue_dma source(%arg14 : memref<16x128xf32, #tpu.memory_space<vmem_shared>>) target(%arg9 : memref<16x128xf32, #tpu.memory_space<vmem>>) target_semaphore(%run_scoped3A : memref<!tpu.dma_semaphore, #tpu.memory_space<semaphore_mem>>)
        tpu.wait_dma2 semaphore(%run_scoped3A : memref<!tpu.dma_semaphore, #tpu.memory_space<semaphore_mem>>) src(%arg14 : memref<16x128xf32, #tpu.memory_space<vmem_shared>>) dst(%arg9 : memref<16x128xf32, #tpu.memory_space<vmem>>)
        tpu.yield
      }) : () -> ()
      %get3A_1719 = arith.constant 0 : i32
      %get3A_1720 = arith.index_cast %get3A_1719 : i32 to index
      %get3A_1721 = arith.constant 0 : index
      %get3A_1722 = tpu.vector_load %arg9[%get3A_1720, %get3A_1721] {strides = array<i32>} : memref<16x128xf32, #tpu.memory_space<vmem>>, vector<16xf32>,
      %add3A_1723 = arith.addf %broadcast_in_dim3A_1, %get3A_1722 : vector<16xf32>
      %get3A_1724 = arith.constant 1 : i32
      %get3A_1725 = arith.index_cast %get3A_1724 : i32 to index
      %get3A_1726 = arith.constant 0 : index
      %get3A_1727 = tpu.vector_load %arg9[%get3A_1725, %get3A_1726] {strides = array<i32>} : memref<16x128xf32, #tpu.memory_space<vmem>>, vector<16xf32>,
      %add3A_1728 = arith.addf %add3A_1723, %get3A_1727 : vector<16xf32>
      %get3A_1729 = arith.constant 2 : i32
      %get3A_1730 = arith.index_cast %get3A_1729 : i32 to index
      %get3A_1731 = arith.constant 0 : index
      %get3A_1732 = tpu.vector_load %arg9[%get3A_1730, %get3A_1731] {strides = array<i32>} : memref<16x128xf32, #tpu.memory_space<vmem>>, vector<16xf32>,
      %add3A_1733 = arith.addf %add3A_1728, %get3A_1732 : vector<16xf32>
      %get3A_1734 = arith.constant 3 : i32
      %get3A_1735 = arith.index_cast %get3A_1734 : i32 to index
      %get3A_1736 = arith.constant 0 : index
      %get3A_1737 = tpu.vector_load %arg9[%get3A_1735, %get3A_1736] {strides = array<i32>} : memref<16x128xf32, #tpu.memory_space<vmem>>, vector<16xf32>,
      %add3A_1738 = arith.addf %add3A_1733, %get3A_1737 : vector<16xf32>
      %get3A_1739 = arith.constant 4 : i32
      %get3A_1740 = arith.index_cast %get3A_1739 : i32 to index
      %get3A_1741 = arith.constant 0 : index
      %get3A_1742 = tpu.vector_load %arg9[%get3A_1740, %get3A_1741] {strides = array<i32>} : memref<16x128xf32, #tpu.memory_space<vmem>>, vector<16xf32>,
      %add3A_1743 = arith.addf %add3A_1738, %get3A_1742 : vector<16xf32>
      %get3A_1744 = arith.constant 5 : i32
      %get3A_1745 = arith.index_cast %get3A_1744 : i32 to index
      %get3A_1746 = arith.constant 0 : index
      %get3A_1747 = tpu.vector_load %arg9[%get3A_1745, %get3A_1746] {strides = array<i32>} : memref<16x128xf32, #tpu.memory_space<vmem>>, vector<16xf32>,
      %add3A_1748 = arith.addf %add3A_1743, %get3A_1747 : vector<16xf32>
      %get3A_1749 = arith.constant 6 : i32
      %get3A_1750 = arith.index_cast %get3A_1749 : i32 to index
      %get3A_1751 = arith.constant 0 : index
      %get3A_1752 = tpu.vector_load %arg9[%get3A_1750, %get3A_1751] {strides = array<i32>} : memref<16x128xf32, #tpu.memory_space<vmem>>, vector<16xf32>,
      %add3A_1753 = arith.addf %add3A_1748, %get3A_1752 : vector<16xf32>
      %get3A_1754 = arith.constant 7 : i32
      %get3A_1755 = arith.index_cast %get3A_1754 : i32 to index
      %get3A_1756 = arith.constant 0 : index
      %get3A_1757 = tpu.vector_load %arg9[%get3A_1755, %get3A_1756] {strides = array<i32>} : memref<16x128xf32, #tpu.memory_space<vmem>>, vector<16xf32>,
      %add3A_1758 = arith.addf %add3A_1753, %get3A_1757 : vector<16xf32>
      %get3A_1759 = arith.constant 8 : i32
      %get3A_1760 = arith.index_cast %get3A_1759 : i32 to index
      %get3A_1761 = arith.constant 0 : index
      %get3A_1762 = tpu.vector_load %arg9[%get3A_1760, %get3A_1761] {strides = array<i32>} : memref<16x128xf32, #tpu.memory_space<vmem>>, vector<16xf32>,
      %add3A_1763 = arith.addf %add3A_1758, %get3A_1762 : vector<16xf32>
      %get3A_1764 = arith.constant 9 : i32
      %get3A_1765 = arith.index_cast %get3A_1764 : i32 to index
      %get3A_1766 = arith.constant 0 : index
      %get3A_1767 = tpu.vector_load %arg9[%get3A_1765, %get3A_1766] {strides = array<i32>} : memref<16x128xf32, #tpu.memory_space<vmem>>, vector<16xf32>,
      %add3A_1768 = arith.addf %add3A_1763, %get3A_1767 : vector<16xf32>
      %get3A_1769 = arith.constant 10 : i32
      %get3A_1770 = arith.index_cast %get3A_1769 : i32 to index
      %get3A_1771 = arith.constant 0 : index
      %get3A_1772 = tpu.vector_load %arg9[%get3A_1770, %get3A_1771] {strides = array<i32>} : memref<16x128xf32, #tpu.memory_space<vmem>>, vector<16xf32>,
      %add3A_1773 = arith.addf %add3A_1768, %get3A_1772 : vector<16xf32>
      %get3A_1774 = arith.constant 11 : i32
      %get3A_1775 = arith.index_cast %get3A_1774 : i32 to index
      %get3A_1776 = arith.constant 0 : index
      %get3A_1777 = tpu.vector_load %arg9[%get3A_1775, %get3A_1776] {strides = array<i32>} : memref<16x128xf32, #tpu.memory_space<vmem>>, vector<16xf32>,
      %add3A_1778 = arith.addf %add3A_1773, %get3A_1777 : vector<16xf32>
      %get3A_1779 = arith.constant 12 : i32
      %get3A_1780 = arith.index_cast %get3A_1779 : i32 to index
      %get3A_1781 = arith.constant 0 : index
      %get3A_1782 = tpu.vector_load %arg9[%get3A_1780, %get3A_1781] {strides = array<i32>} : memref<16x128xf32, #tpu.memory_space<vmem>>, vector<16xf32>,
      %add3A_1783 = arith.addf %add3A_1778, %get3A_1782 : vector<16xf32>
      %get3A_1784 = arith.constant 13 : i32
      %get3A_1785 = arith.index_cast %get3A_1784 : i32 to index
      %get3A_1786 = arith.constant 0 : index
      %get3A_1787 = tpu.vector_load %arg9[%get3A_1785, %get3A_1786] {strides = array<i32>} : memref<16x128xf32, #tpu.memory_space<vmem>>, vector<16xf32>,
      %add3A_1788 = arith.addf %add3A_1783, %get3A_1787 : vector<16xf32>
      %get3A_1789 = arith.constant 14 : i32
      %get3A_1790 = arith.index_cast %get3A_1789 : i32 to index
      %get3A_1791 = arith.constant 0 : index
      %get3A_1792 = tpu.vector_load %arg9[%get3A_1790, %get3A_1791] {strides = array<i32>} : memref<16x128xf32, #tpu.memory_space<vmem>>, vector<16xf32>,
      %add3A_1793 = arith.addf %add3A_1788, %get3A_1792 : vector<16xf32>
      %get3A_1794 = arith.constant 15 : i32
      %get3A_1795 = arith.index_cast %get3A_1794 : i32 to index
      %get3A_1796 = arith.constant 0 : index
      %get3A_1797 = tpu.vector_load %arg9[%get3A_1795, %get3A_1796] {strides = array<i32>} : memref<16x128xf32, #tpu.memory_space<vmem>>, vector<16xf32>,
      %add3A_1798 = arith.addf %add3A_1793, %get3A_1797 : vector<16xf32>
      %reduce_sum3A_1799 = arith.constant true
      %reduce_sum3A_1800 = vector.broadcast %reduce_sum3A_1799 : i1 to vector<16xi1>
      %reduce_sum3A_1801 = tpu.scan <sum>, %add3A_1798 masked %reduce_sum3A_1800 : vector<16xf32>, vector<16xi1> -> vector<16xf32>
      %reduce_sum3A_1802 = vector.extract %reduce_sum3A_1801[15] : f32 from vector<16xf32>
      %sub3A_1803 = arith.subf %reduce_sum3A_1702, %reduce_sum3A_1802 : f32
      %broadcast_in_dim3A_1804 = vector.broadcast %sub3A_1803 : f32 to vector<16xf32>
      %max3A_1805 = arith.constant 1.000000e+00 : f32
      %max3A_1806 = arith.maximumf %reduce_sum3A_1706, %max3A_1805 : f32
      %broadcast_in_dim3A_1807 = vector.broadcast %max3A_1806 : f32 to vector<16xf32>
      %div3A_1808 = arith.divf %broadcast_in_dim3A_1804, %broadcast_in_dim3A_1807 : vector<16xf32>
      %swap3A_1809 = arith.constant 0 : index
      %swap3A_1810 = tpu.vector_load %arg12[%swap3A_1809] {strides = array<i32>} : memref<16xf32, #tpu.memory_space<vmem>>, vector<16xf32>,
      tpu.vector_store %arg12[%swap3A_1809], %div3A_1808 {strides = array<i32>} : memref<16xf32, #tpu.memory_space<vmem>>, vector<16xf32>,
      "tpu.region"() ({
        %run_scoped3A = tpu.sem_alloc : memref<!tpu.dma_semaphore, #tpu.memory_space<semaphore_mem>>
        tpu.enqueue_dma source(%arg12 : memref<16xf32, #tpu.memory_space<vmem>>) target(%arg4 : memref<16xf32, #tpu.memory_space<hbm>>) target_semaphore(%run_scoped3A : memref<!tpu.dma_semaphore, #tpu.memory_space<semaphore_mem>>)
        tpu.wait_dma2 semaphore(%run_scoped3A : memref<!tpu.dma_semaphore, #tpu.memory_space<semaphore_mem>>) src(%arg12 : memref<16xf32, #tpu.memory_space<vmem>>) dst(%arg4 : memref<16xf32, #tpu.memory_space<hbm>>)
        tpu.yield
      }) : () -> ()
    } else {
    }
    return
  }
}

</mosaic_0001>

<sc_bundles>
// kernel: _sc_call.3.cloned.1.call-start
scs
__scs_entry_jumppad:
0x0: {  	(pc) =	sbr.rel $0x88, $3  }
0x1: {  	(tag) =	ssettag $0x0;
	lr =	simm.s32 $0x1  }
0x2: {  	[smem:$0x3F9F] =	sst lr;
	_ =	strace $0xD0000000  }
0x3: {  	_ = 	snop  }
0x4: {  	_ = 	snop  }
0x5: {  	_ = 	snop  }
0x6: {  	_ = 	snop  }
0x7: {  	_ = 	snop  }
__scs_overlays_trampoline_lowered:
0x8: {  	[smem:$0x3FAE] =	sst s0  }
0x9: {  	[smem:$0x3FAF] =	sst s1  }
0xa: {  	[smem:$0x3FB0] =	sst s2  }
0xb: {  	[smem:$0x3FB1] =	sst s3  }
0xc: {  	[smem:$0x3FB2] =	sst s4  }
0xd: {  	[smem:$0x3FB3] =	sst s5  }
0xe: {  	[smem:$0x3FB4] =	sst s6  }
0xf: {  	[smem:$0x3FB5] =	sst s7  }
0x10: {  	[smem:$0x3FB6] =	sst s8  }
0x11: {  	[smem:$0x3FB7] =	sst s9;
	s0 =	simm.s32 @!p0 $0x0  }
0x12: {  	s1 =	sld [smem:$0x3F9D];
	s0 =	simm.s32 @p0 $0x1  }
0x13: {  	[smem:$0x3FB8] =	sst s0;
	s0 =	simm.s32 @!p1 $0x0  }
0x14: {  	s2 =	sld [smem:$0x3F9C];
	s0 =	simm.s32 @p1 $0x1  }
0x15: {  	[smem:$0x3FB9] =	sst s0;
	s0 =	simm.s32 @!p2 $0x0  }
0x16: {  	s3 =	sld [smem:$0x3FDB];
	s0 =	simm.s32 @p2 $0x1  }
0x17: {  	s4 =	simm.s32 $0x1BF5;
	[smem:$0x3FBB] =	sst s0  }
0x18: {  	s0 =	sld [smem:$0x3F9E];
	_ =	swait.ge [sflag:s4], $0x0  }
0x19: {  	s7 =	sld [smem:$0x3F9F]  }
0x1a: {  	s8 =	sadd.s32 $0xFFFFE003, lr  }
0x1b: {  	s9 =	sadd.s32 $0xFFFFFEF7, lr;
	s5 =	simm.s32 $0xFFFFFFFF;
	p2 =	slt.u32 s8, $0xFFFFF086  }
0x1c: {  	p1 =	slt.u32 s9, $0xF7A;
	s5 =	simm.s32 @!p2 $0x0  }
0x1d: {  	s5 =	simm.s32 @p1 $0x1;
	p0 =	seq.s32 s7, s2  }
0x1e: {  	s7 =	smul.u32 @!p0 $0xF7A, s2;
	p2 =	seq.s32 @!p0 s5, $0x0  }
0x1f: {  	s9 =	smul.u32 $0xF7A, s1;
	s8 =	simm.s32 @!p0 $0x1BF5;
	p2 =	por !p2, p0  }
0x20: {  	[sflag:s8] =	ssyncset.s32 @!p0 $0xFFFFF086;
	s6 =	sadd.s32 @!p0 s3, s7;
	s7 =	simm.s32 @!p0 $0x108  }
0x21: {  	s3 =	sadd.s32 s3, s9;
	s6 =	sadd.s32 @!p0 $0x88, s6;
	s7 =	simm.s32 @p2 $0x1082  }
0x22: {  	[simem:s7], [sflag:s8] =	dma.local @!p0 [hbm:s6], $0xF7A  }
0x23: {  	s9 =	sor.u32 $0xD0000000, s2;
	s6 =	simm.s32 $0x108;
	_ =	swait.ge @!p0 [sflag:s8], $0x0  }
0x24: {  	s3 =	sadd.s32 $0x88, s3;
	s6 =	simm.s32 @!p1 $0x1082;
	[sflag:s4] =	ssyncset.s32 $0xFFFFF086  }
0x25: {  	[simem:s6], [sflag:s4] =	dma.local [hbm:s3], $0xF7A  }
0x26: {  	[smem:$0x3F9F] =	sst s1;
	(tag) =	ssettag s2;
	_ =	strace s9  }
0x27: {  	s1 =	sld [smem:$0x3FAF]  }
0x28: {  	s2 =	sld [smem:$0x3FB0]  }
0x29: {  	s4 =	sld [smem:$0x3FB2]  }
0x2a: {  	p0 =	seq.s32 s5, $0x0;
	s5 =	sld [smem:$0x3FB3]  }
0x2b: {  	s6 =	sld [smem:$0x3FB4]  }
0x2c: {  	s7 =	sld [smem:$0x3FB5]  }
0x2d: {  	s3 =	simm.s32 $0x108;
	s8 =	sld [smem:$0x3FB6]  }
0x2e: {  	s3 =	simm.s32 @!p0 $0x1082;
	s9 =	sld [smem:$0x3FB7]  }
0x2f: {  	lr =	sadd.s32 s0, s3;
	s0 =	sld [smem:$0x3FAE]  }
0x30: {  	s3 =	sld [smem:$0x3FB1]  }
0x31: {  	[smem:$0x3FBA] =	sst s10  }
0x32: {  	s10 =	sld [smem:$0x3FB8];
	_ =	sdelay $0x3  }
0x33: {  	p0 =	seq.s32 s10, $0x1;
	s10 =	sld [smem:$0x3FBA];
	_ =	sdelay $0x3  }
0x34: {  	[smem:$0x3FBA] =	sst s10  }
0x35: {  	s10 =	sld [smem:$0x3FB9];
	_ =	sdelay $0x3  }
0x36: {  	p1 =	seq.s32 s10, $0x1;
	s10 =	sld [smem:$0x3FBA];
	_ =	sdelay $0x3  }
0x37: {  	[smem:$0x3FBA] =	sst s10  }
0x38: {  	s10 =	sld [smem:$0x3FBB]  }
0x39: {  	_ = 	snop;
	(pc) =	sbr.ind lr, $3  }
0x3a: {  	_ = 	snop  }
0x3b: {  	_ = 	snop  }
0x3c: {  	p2 =	seq.s32 s10, $0x1;
	s10 =	sld [smem:$0x3FBA]  }
0x3d: {  	_ =	shalt  }
0x3e: {  	_ =	shalt  }
0x3f: {  	_ =	shalt  }
0x40: {  	_ =	shalt  }
0x41: {  	_ =	shalt  }
0x42: {  	_ =	shalt  }
0x43: {  	_ =	shalt  }
0x44: {  	_ =	shalt  }
0x45: {  	_ =	shalt  }
0x46: {  	_ =	shalt  }
0x47: {  	_ =	shalt  }
0x48: {  	_ =	shalt  }
0x49: {  	_ =	shalt  }
0x4a: {  	_ =	shalt  }
0x4b: {  	_ =	shalt  }
0x4c: {  	_ =	shalt  }
0x4d: {  	_ =	shalt  }
0x4e: {  	_ =	shalt  }
0x4f: {  	_ =	shalt  }
0x50: {  	_ =	shalt  }
0x51: {  	_ =	shalt  }
0x52: {  	_ =	shalt  }
0x53: {  	_ =	shalt  }
0x54: {  	_ =	shalt  }
0x55: {  	_ =	shalt  }
0x56: {  	_ =	shalt  }
0x57: {  	_ =	shalt  }
0x58: {  	_ =	shalt  }
0x59: {  	_ =	shalt  }
0x5a: {  	_ =	shalt  }
0x5b: {  	_ =	shalt  }
0x5c: {  	_ =	shalt  }
0x5d: {  	_ =	shalt  }
0x5e: {  	_ =	shalt  }
0x5f: {  	_ =	shalt  }
0x60: {  	_ =	shalt  }
0x61: {  	_ =	shalt  }
0x62: {  	_ =	shalt  }
0x63: {  	_ =	shalt  }
0x64: {  	_ =	shalt  }
0x65: {  	_ =	shalt  }
0x66: {  	_ =	shalt  }
0x67: {  	_ =	shalt  }
0x68: {  	_ =	shalt  }
0x69: {  	_ =	shalt  }
0x6a: {  	_ =	shalt  }
0x6b: {  	_ =	shalt  }
0x6c: {  	_ =	shalt  }
0x6d: {  	_ =	shalt  }
0x6e: {  	_ =	shalt  }
0x6f: {  	_ =	shalt  }
0x70: {  	_ =	shalt  }
0x71: {  	_ =	shalt  }
0x72: {  	_ =	shalt  }
0x73: {  	_ =	shalt  }
0x74: {  	_ =	shalt  }
0x75: {  	_ =	shalt  }
0x76: {  	_ =	shalt  }
0x77: {  	_ =	shalt  }
0x78: {  	_ =	shalt  }
0x79: {  	_ =	shalt  }
0x7a: {  	_ =	shalt  }
0x7b: {  	_ =	shalt  }
0x7c: {  	_ =	shalt  }
0x7d: {  	_ =	shalt  }
0x7e: {  	_ =	shalt  }
0x7f: {  	_ =	shalt  }
0x80: {  	_ =	shalt  }
0x81: {  	_ =	shalt  }
0x82: {  	_ =	shalt  }
0x83: {  	_ =	shalt  }
0x84: {  	_ =	shalt  }
0x85: {  	_ =	shalt  }
0x86: {  	_ =	shalt  }
0x87: {  	_ =	shalt  }
.Lfunc_end0:
.L_simem_size_0:
called_computation_lowered:
.L_overlay_start_0:
0x88: {  	s0 =	sld [smem:$0x3FD9]  }
0x89: {  	s1 =	sld [smem:$0x3FFE];
	_ =	sdelay $0x3  }
0x8a: {  	s0 =	sadd.s32 s1, s0  }
0x8b: {  	[smem:$0x3FC6] =	sst s0  }
0x8c: {  	_ = 	snop  }
0x8d: {  	s0 =	sld [smem:$0x3FC9]  }
0x8e: {  	s17 =	sld [smem:$0x3FC8]  }
0x8f: {  	s2 =	sld [smem:$0x3FD0];
	(tm) =	ssettm $0x1  }
0x90: {  	s3 =	sld [smem:$0x3FFB];
	_ =	sdelay $0x3  }
0x91: {  	_ =	strace s3  }
0x92: {  	s3 =	sld [smem:$0x3FFC];
	_ =	sdelay $0x3  }
0x93: {  	_ =	strace s3  }
0x94: {  	s3 =	sld [smem:$0x3FFD];
	_ =	sdelay $0x3  }
0x95: {  	_ =	strace s3  }
0x96: {  	_ =	strace $0x8FFFFFFF  }
0x97: {  	s18 =	sld [smem:$0x3FDB];
	_ =	sdelay $0x1  }
0x98: {  	s4 =	simm.s32 $_scs_section_size  }
0x99: {  	s5 =	simm.s32 $_size__tile_overlayer_lowered;
	s6 =	simm.s32 $_tile_overlayer_lowered  }
0x9a: {  	s21 =	simm.s32 $0x1BFF;
	s20 =	sshll.u32 s6, $0x1;
	s3 =	sadd.s32 s4, s18  }
0x9b: {  	s7 =	simm.s32 $0x0;
	s19 =	sshll.u32 s5, $0x1;
	s5 =	sadd.s32 s20, s3  }
0x9c: {  	[timem:s7], [sflag:s21] =	dma.local [hbm:s5], s19  }
0x9d: {  	_ =	swait.ge [sflag:s21], s19  }
0x9e: {  	s4 =	ssub.s32 $0x0, s19;
	[sflag:s21] =	ssyncset.done $0x0  }
0x9f: {  	[sflag:s21] =	ssyncadd.s32 s4;
	_ =	sdelay $0x1  }
0xa0: {  	s22 =	simm.s32 $0x1B8B  }
0xa1: {  	_ =	swait.ge [sflag:s22], $0x1  }
0xa2: {  	[sflag:s22] =	ssyncset.done $0x0  }
0xa3: {  	s23 =	simm.s32 $0x1B8E;
	[sflag:s22] =	ssyncadd.s32 $0xFFFFFFFF  }
0xa4: {  	s24 =	simm.s32 $execute0_lowered;
	[smem:$0x3FD2] =	sst s23  }
0xa5: {  	s4 =	sshll.u32 s24, $0x1;
	_ =	strace $0x80000046;
	[dreg:$0x1] =	wrdreg $0xFFFFFFFF  }
0xa6: {  	s25 =	simm.s32 $_size_execute0_lowered;
	s3 =	sadd.s32 s3, s4;
	[dreg:$0x0] =	wrdreg $0x0  }
0xa7: {  	s4 =	sshll.u32 s25, $0x1;
	[dreg:$0x2] =	wrdreg s3  }
0xa8: {  	[dreg:$0x3] =	wrdreg s4  }
0xa9: {  	[dreg:$0x4] =	wrdreg $0xC0  }
0xaa: {  	_ =	task [dreg:s7], $0x5FFFF  }
0xab: {  	[dreg:$0x1] =	wrdreg $0xFFFFFFFF  }
0xac: {  	[dreg:$0x0] =	wrdreg $0x60  }
0xad: {  	[dreg:$0x2] =	wrdreg s0  }
0xae: {  	[dreg:$0x3] =	wrdreg s17  }
0xaf: {  	[dreg:$0x4] =	wrdreg s2  }
0xb0: {  	[dreg:$0x5] =	wrdreg $0x2B000  }
0xb1: {  	[dreg:$0x6] =	wrdreg $0x2B800  }
0xb2: {  	[dreg:$0x7] =	wrdreg $0x9  }
0xb3: {  	_ =	task.clear_ibuf [dreg:s7], $0x8FFFF;
	_ =	strace $0x90000046  }
0xb4: {  	s26 =	simm.s32 $0x9;
	_ =	strace $0x80000048  }
0xb5: {  	_ =	swait.ge [sflag:s26], $0x1  }
0xb6: {  	[sflag:s26] =	ssyncadd.s32 $0xFFFFFFFF  }
0xb7: {  	_ =	strace $0x90000048  }
0xb8: {  	_ =	sfence  }
0xb9: {  	s28 =	sld [smem:$0x0];
	_ =	sdelay $0x1  }
0xba: {  	s29 =	srdreg.scid  }
0xbb: {  	s30 =	sshll.u32 s29, $0xD;
	s31 =	sshrl.u32 s29, $0x2  }
0xbc: {  	s1 =	sand.u32 $0x1, s29;
	s2 =	sand.u32 $0x4000, s30;
	s0 =	sadd.s32 s31, s28  }
0xbd: {  	s1 =	sor.u32 s2, s1;
	s0 =	sshll.u32 s0, $0x11  }
0xbe: {  	s0 =	sor.u32 s0, s1  }
0xbf: {  	s0 =	sadd.s32 $0x8F2B, s0  }
0xc0: {  	[sflag:s0] =	ssyncadd.remote.s32 $0x1  }
0xc1: {  	_ =	sfence.sel $0xFFFF  }
0xc2: {  	[dreg:$0x0] =	wrdreg $0xFFFFFFFF;
	(pc) =	sbr.abs _section_cstart, $3  }
0xc3: {  	[dreg:$0x1] =	wrdreg $0xFFFFFFFF  }
0xc4: {  	_ =	task.clear_ibuf [dreg:s7], $0x2FFFF;
	_ =	strace $0x9FFFFFFF  }
0xc5: {  	(tm) =	ssettm $0x7FFFFFFF  }
tec
execute0_lowered:
.L_overlay_start_1:
0x0: {  	(tag) =	ssettag $0x1  }
0x1: {  	s4 =	rddreg [dreg:$0x0]  }
0x2: {  	s6 =	rddreg [dreg:$0x1]  }
0x3: {  	s1 =	rddreg [dreg:$0x2]  }
0x4: {  	s5 =	rddreg [dreg:$0x3]  }
0x5: {  	s2 =	rddreg [dreg:$0x4];
	s3 =	stileid.u32  }
0x6: {  	s0 =	rddreg [dreg:$0x5];
	s7 =	simm.s32 $0x0;
	s8 =	smul.u32 $0x188, s3  }
0x7: {  	[smem:$0x7FF] =	sst s7  }
0x8: {  	s30 =	simm.s32 $0x1;
	_ =	strace $0x80000047;
	s4 =	sadd.s32 s4, s8  }
0x9: {  	[tilespmem:s7], [sflag:$0x1] =	stream.linear.gather [hbm4b:s4+s7], $0xC40, $0x38;
	[tilespmem:$0x2C00] =	vst v63  }
0xa: {  	_ =	swait.ge [sflag:s30], $0xC40  }
0xb: {  	[sflag:s30] =	ssyncset.done $0x0  }
0xc: {  	s31 =	simm.s32 $0xC80;
	s6 =	sadd.s32 s6, s8;
	[sflag:s30] =	ssyncadd.s32 $0xFFFFF3C0  }
0xd: {  	[tilespmem:s31], [sflag:$0x1] =	stream.linear.gather [hbm4b:s6+s7], $0xC40, $0x38;
	[tilespmem:$0x2C00] =	vst v63  }
0xe: {  	_ =	swait.ge [sflag:s30], $0xC40  }
0xf: {  	[sflag:s30] =	ssyncset.done $0x0  }
0x10: {  	v0 =	vimm.f32 $0.0e+00;
	[sflag:s30] =	ssyncadd.s32 $0xFFFFF3C0  }
0x11: {  	[tilespmem:$0x1900] =	vst v0  }
0x12: {  	[tilespmem:$0x1910] =	vst v0  }
0x13: {  	[tilespmem:$0x1920] =	vst v0  }
0x14: {  	[tilespmem:$0x1930] =	vst v0  }
0x15: {  	[tilespmem:$0x1940] =	vst v0  }
0x16: {  	[tilespmem:$0x1950] =	vst v0  }
0x17: {  	[tilespmem:$0x1960] =	vst v0  }
0x18: {  	[tilespmem:$0x1970] =	vst v0  }
0x19: {  	[tilespmem:$0x1980] =	vst v0  }
0x1a: {  	[tilespmem:$0x1990] =	vst v0  }
0x1b: {  	[tilespmem:$0x19A0] =	vst v0  }
0x1c: {  	[tilespmem:$0x19B0] =	vst v0  }
0x1d: {  	[tilespmem:$0x19C0] =	vst v0  }
0x1e: {  	[tilespmem:$0x19D0] =	vst v0  }
0x1f: {  	[tilespmem:$0x19E0] =	vst v0  }
0x20: {  	[tilespmem:$0x19F0] =	vst v0  }
0x21: {  	[tilespmem:$0x1A00] =	vst v0  }
0x22: {  	[tilespmem:$0x1A10] =	vst v0  }
0x23: {  	[tilespmem:$0x1A20] =	vst v0  }
0x24: {  	[tilespmem:$0x1A30] =	vst v0  }
0x25: {  	[tilespmem:$0x1A40] =	vst v0  }
0x26: {  	[tilespmem:$0x1A50] =	vst v0  }
0x27: {  	[tilespmem:$0x1A60] =	vst v0  }
0x28: {  	[tilespmem:$0x1A70] =	vst v0  }
0x29: {  	[tilespmem:$0x1A80] =	vst v0  }
0x2a: {  	[tilespmem:$0x1A90] =	vst v0  }
0x2b: {  	[tilespmem:$0x1AA0] =	vst v0  }
0x2c: {  	[tilespmem:$0x1AB0] =	vst v0  }
0x2d: {  	[tilespmem:$0x1AC0] =	vst v0  }
0x2e: {  	[tilespmem:$0x1AD0] =	vst v0  }
0x2f: {  	[tilespmem:$0x1AE0] =	vst v0  }
0x30: {  	[tilespmem:$0x1AF0] =	vst v0  }
0x31: {  	[tilespmem:$0x1B00] =	vst v0  }
0x32: {  	[tilespmem:$0x1B10] =	vst v0  }
0x33: {  	[tilespmem:$0x1B20] =	vst v0  }
0x34: {  	[tilespmem:$0x1B30] =	vst v0  }
0x35: {  	[tilespmem:$0x1B40] =	vst v0  }
0x36: {  	[tilespmem:$0x1B50] =	vst v0  }
0x37: {  	[tilespmem:$0x1B60] =	vst v0  }
0x38: {  	[tilespmem:$0x1B70] =	vst v0  }
0x39: {  	[tilespmem:$0x1B80] =	vst v0  }
0x3a: {  	[tilespmem:$0x1B90] =	vst v0  }
0x3b: {  	[tilespmem:$0x1BA0] =	vst v0  }
0x3c: {  	[tilespmem:$0x1BB0] =	vst v0  }
0x3d: {  	[tilespmem:$0x1BC0] =	vst v0  }
0x3e: {  	[tilespmem:$0x1BD0] =	vst v0  }
0x3f: {  	[tilespmem:$0x1BE0] =	vst v0  }
0x40: {  	[tilespmem:$0x1BF0] =	vst v0  }
0x41: {  	[tilespmem:$0x1C00] =	vst v0  }
0x42: {  	[tilespmem:$0x1C10] =	vst v0  }
0x43: {  	[tilespmem:$0x1C20] =	vst v0  }
0x44: {  	[tilespmem:$0x1C30] =	vst v0  }
0x45: {  	[tilespmem:$0x1C40] =	vst v0  }
0x46: {  	[tilespmem:$0x1C50] =	vst v0  }
0x47: {  	[tilespmem:$0x1C60] =	vst v0  }
0x48: {  	[tilespmem:$0x1C70] =	vst v0  }
0x49: {  	[tilespmem:$0x1C80] =	vst v0  }
0x4a: {  	[tilespmem:$0x1C90] =	vst v0  }
0x4b: {  	[tilespmem:$0x1CA0] =	vst v0  }
0x4c: {  	[tilespmem:$0x1CB0] =	vst v0  }
0x4d: {  	[tilespmem:$0x1CC0] =	vst v0  }
0x4e: {  	[tilespmem:$0x1CD0] =	vst v0  }
0x4f: {  	[tilespmem:$0x1CE0] =	vst v0  }
0x50: {  	[tilespmem:$0x1CF0] =	vst v0  }
0x51: {  	[tilespmem:$0x1D00] =	vst v0  }
0x52: {  	[tilespmem:$0x1D10] =	vst v0  }
0x53: {  	[tilespmem:$0x1D20] =	vst v0  }
0x54: {  	[tilespmem:$0x1D30] =	vst v0  }
0x55: {  	[tilespmem:$0x1D40] =	vst v0  }
0x56: {  	[tilespmem:$0x1D50] =	vst v0  }
0x57: {  	[tilespmem:$0x1D60] =	vst v0  }
0x58: {  	[tilespmem:$0x1D70] =	vst v0  }
0x59: {  	[tilespmem:$0x1D80] =	vst v0  }
0x5a: {  	[tilespmem:$0x1D90] =	vst v0  }
0x5b: {  	[tilespmem:$0x1DA0] =	vst v0  }
0x5c: {  	[tilespmem:$0x1DB0] =	vst v0  }
0x5d: {  	[tilespmem:$0x1DC0] =	vst v0  }
0x5e: {  	[tilespmem:$0x1DD0] =	vst v0  }
0x5f: {  	[tilespmem:$0x1DE0] =	vst v0  }
0x60: {  	[tilespmem:$0x1DF0] =	vst v0  }
0x61: {  	[tilespmem:$0x1E00] =	vst v0  }
0x62: {  	[tilespmem:$0x1E10] =	vst v0  }
0x63: {  	[tilespmem:$0x1E20] =	vst v0  }
0x64: {  	[tilespmem:$0x1E30] =	vst v0  }
0x65: {  	[tilespmem:$0x1E40] =	vst v0  }
0x66: {  	[tilespmem:$0x1E50] =	vst v0  }
0x67: {  	[tilespmem:$0x1E60] =	vst v0  }
0x68: {  	[tilespmem:$0x1E70] =	vst v0  }
0x69: {  	[tilespmem:$0x1E80] =	vst v0  }
0x6a: {  	[tilespmem:$0x1E90] =	vst v0  }
0x6b: {  	[tilespmem:$0x1EA0] =	vst v0  }
0x6c: {  	[tilespmem:$0x1EB0] =	vst v0  }
0x6d: {  	[tilespmem:$0x1EC0] =	vst v0  }
0x6e: {  	[tilespmem:$0x1ED0] =	vst v0  }
0x6f: {  	[tilespmem:$0x1EE0] =	vst v0  }
0x70: {  	[tilespmem:$0x1EF0] =	vst v0  }
0x71: {  	[tilespmem:$0x1F00] =	vst v0  }
0x72: {  	[tilespmem:$0x1F10] =	vst v0  }
0x73: {  	[tilespmem:$0x1F20] =	vst v0  }
0x74: {  	[tilespmem:$0x1F30] =	vst v0  }
0x75: {  	[tilespmem:$0x1F40] =	vst v0  }
0x76: {  	[tilespmem:$0x1F50] =	vst v0  }
0x77: {  	[tilespmem:$0x1F60] =	vst v0  }
0x78: {  	[tilespmem:$0x1F70] =	vst v0  }
0x79: {  	[tilespmem:$0x1F80] =	vst v0  }
0x7a: {  	[tilespmem:$0x1F90] =	vst v0  }
0x7b: {  	[tilespmem:$0x1FA0] =	vst v0  }
0x7c: {  	[tilespmem:$0x1FB0] =	vst v0  }
0x7d: {  	[tilespmem:$0x1FC0] =	vst v0  }
0x7e: {  	[tilespmem:$0x1FD0] =	vst v0  }
0x7f: {  	[tilespmem:$0x1FE0] =	vst v0  }
0x80: {  	[tilespmem:$0x1FF0] =	vst v0  }
0x81: {  	[tilespmem:$0x2000] =	vst v0  }
0x82: {  	[tilespmem:$0x2010] =	vst v0  }
0x83: {  	[tilespmem:$0x2020] =	vst v0  }
0x84: {  	[tilespmem:$0x2030] =	vst v0  }
0x85: {  	[tilespmem:$0x2040] =	vst v0  }
0x86: {  	[tilespmem:$0x2050] =	vst v0  }
0x87: {  	[tilespmem:$0x2060] =	vst v0  }
0x88: {  	[tilespmem:$0x2070] =	vst v0  }
0x89: {  	[tilespmem:$0x2080] =	vst v0  }
0x8a: {  	[tilespmem:$0x2090] =	vst v0  }
0x8b: {  	[tilespmem:$0x20A0] =	vst v0  }
0x8c: {  	[tilespmem:$0x20B0] =	vst v0  }
0x8d: {  	v1 =	vlaneseq.u32;
	[tilespmem:$0x20C0] =	vst v0  }
0x8e: {  	v1 =	vmul.u32 $0x40, v1;
	[tilespmem:$0x20D0] =	vst v0  }
0x8f: {  	[tilespmem:$0x20E0] =	vst v0  }
0x90: {  	v2 =	vor.u32 $0x400, v1;
	s4 =	simm.s32 $0x1900;
	s7 =	simm.s32 $0x0;
	s6 =	simm.s32 $0x40;
	[tilespmem:$0x20F0] =	vst v0;
	v0 =	vimm.f32 $1.000000000e+00  }
.LBB2_1:
0x91: {  	p0 =	sne.s32 s6, $0x30C0;
	v3 =	vld [tilespmem:s7+$0x0];
	_ =	sdelay $0x4  }
0x92: {  	v3 =	vmul.f32 $1.442695020e+00, v3  }
0x93: {  	v4 =	vld [tilespmem:s7+$0xC80]  }
0x94: {  	(erf) = vpow2.f32 v3;
	_ =	sdelay $0x3  }
0x95: {  	v3 =	vadd.s32 v1, v4  }
0x96: {  	v4 =	vadd.s32 v2, v4  }
.Ltmp0:
0x97: {  	(pc) =	sbr.rel @p0 .LBB2_1-.Ltmp0, $3  }
0x98: {  	_ =	sdelay $0x1  }
0x99: {  	[tilespmem:v3+s4+$0x0] =	vst.idx.add.f32.msk $0xffff, v0;
	v3 =	vpop (erf)  }
0x9a: {  	s7 =	sshra.s32 s6, $0x2;
	s6 =	sadd.s32 $0x40, s6;
	[tilespmem:v4+s4+$0x0] =	vst.idx.add.f32.msk $0xffff, v3  }
0x9b: {  	v3 =	vld [tilespmem:s7+$0x0];
	_ =	sdelay $0x4  }
0x9c: {  	v3 =	vmul.f32 $1.442695020e+00, v3  }
0x9d: {  	v4 =	vld [tilespmem:s7+$0xC80]  }
0x9e: {  	(erf) = vpow2.f32 v3;
	_ =	sdelay $0x3  }
0x9f: {  	v1 =	vadd.s32 v1, v4  }
0xa0: {  	v2 =	vadd.s32 v2, v4;
	_ =	sdelay $0x3  }
0xa1: {  	[tilespmem:v1+s4+$0x0] =	vst.idx.add.f32.msk $0xffff, v0;
	v0 =	vpop (erf)  }
0xa2: {  	[tilespmem:v2+s4+$0x0] =	vst.idx.add.f32.msk $0xffff, v0  }
0xa3: {  	v0 =	vld [tilespmem:$0x1900]  }
0xa4: {  	v1 =	vld [tilespmem:$0x1D00]  }
0xa5: {  	v2 =	vld [tilespmem:$0x1940]  }
0xa6: {  	v3 =	vld [tilespmem:$0x1D40]  }
0xa7: {  	v4 =	vld [tilespmem:$0x1980]  }
0xa8: {  	v5 =	vld [tilespmem:$0x1D80]  }
0xa9: {  	v6 =	vld [tilespmem:$0x19C0]  }
0xaa: {  	v7 =	vld [tilespmem:$0x1DC0]  }
0xab: {  	v8 =	vld [tilespmem:$0x1A00]  }
0xac: {  	v9 =	vld [tilespmem:$0x1E00]  }
0xad: {  	v10 =	vld [tilespmem:$0x1A40]  }
0xae: {  	v11 =	vld [tilespmem:$0x1E40]  }
0xaf: {  	v12 =	vld [tilespmem:$0x1A80]  }
0xb0: {  	v13 =	vld [tilespmem:$0x1E80]  }
0xb1: {  	v14 =	vld [tilespmem:$0x1AC0]  }
0xb2: {  	v15 =	vld [tilespmem:$0x1EC0]  }
0xb3: {  	v16 =	vld [tilespmem:$0x1B00]  }
0xb4: {  	v18 =	vld [tilespmem:$0x1F00]  }
0xb5: {  	v20 =	vld [tilespmem:$0x1B40]  }
0xb6: {  	v23 =	vld [tilespmem:$0x1F40]  }
0xb7: {  	v25 =	vld [tilespmem:$0x1B80]  }
0xb8: {  	v26 =	vld [tilespmem:$0x1F80]  }
0xb9: {  	v27 =	vld [tilespmem:$0x1BC0]  }
0xba: {  	v28 =	vld [tilespmem:$0x1FC0]  }
0xbb: {  	v29 =	vld [tilespmem:$0x1C00]  }
0xbc: {  	v30 =	vld [tilespmem:$0x2000]  }
0xbd: {  	v31 =	vld [tilespmem:$0x1C40]  }
0xbe: {  	v17 =	vld [tilespmem:$0x2040]  }
0xbf: {  	v32 =	vld [tilespmem:$0x1910]  }
0xc0: {  	v33 =	vld [tilespmem:$0x1D10]  }
0xc1: {  	v34 =	vld [tilespmem:$0x1950]  }
0xc2: {  	v35 =	vld [tilespmem:$0x1D50]  }
0xc3: {  	v36 =	vld [tilespmem:$0x1990]  }
0xc4: {  	v37 =	vld [tilespmem:$0x1D90]  }
0xc5: {  	v38 =	vld [tilespmem:$0x19D0]  }
0xc6: {  	v39 =	vld [tilespmem:$0x1DD0]  }
0xc7: {  	v40 =	vld [tilespmem:$0x1A10]  }
0xc8: {  	v41 =	vld [tilespmem:$0x1E10]  }
0xc9: {  	v42 =	vld [tilespmem:$0x1A50]  }
0xca: {  	v43 =	vld [tilespmem:$0x1E50]  }
0xcb: {  	v44 =	vld [tilespmem:$0x1A90]  }
0xcc: {  	v45 =	vld [tilespmem:$0x1E90]  }
0xcd: {  	v46 =	vld [tilespmem:$0x1AD0]  }
0xce: {  	v47 =	vld [tilespmem:$0x1ED0]  }
0xcf: {  	v48 =	vld [tilespmem:$0x1B10]  }
0xd0: {  	v49 =	vld [tilespmem:$0x1F10]  }
0xd1: {  	v50 =	vld [tilespmem:$0x1B50]  }
0xd2: {  	v51 =	vld [tilespmem:$0x1F50]  }
0xd3: {  	v52 =	vld [tilespmem:$0x1B90]  }
0xd4: {  	v53 =	vld [tilespmem:$0x1F90]  }
0xd5: {  	v54 =	vld [tilespmem:$0x1BD0]  }
0xd6: {  	v55 =	vld [tilespmem:$0x1FD0]  }
0xd7: {  	v56 =	vld [tilespmem:$0x1C10]  }
0xd8: {  	v57 =	vld [tilespmem:$0x2010]  }
0xd9: {  	v58 =	vld [tilespmem:$0x1C50]  }
0xda: {  	v59 =	vld [tilespmem:$0x2050]  }
0xdb: {  	v60 =	vld [tilespmem:$0x1C90]  }
0xdc: {  	v61 =	vld [tilespmem:$0x2090]  }
0xdd: {  	v62 =	vld [tilespmem:$0x1CD0]  }
0xde: {  	v63 =	vld [tilespmem:$0x20D0]  }
0xdf: {  	v19 =	vld [tilespmem:$0x1D20]  }
0xe0: {  	v21 =	vld [tilespmem:$0x1960]  }
0xe1: {  	v22 =	vld [tilespmem:$0x1D60]  }
0xe2: {  	v24 =	vld [tilespmem:$0x19A0];
	v0 =	vadd.f32 $0.0e+00, v0  }
0xe3: {  	[tilespmem:$0x1FF60] =	vst v17;
	v17 =	vld [tilespmem:$0x1C80];
	v1 =	vadd.f32 $0.0e+00, v1  }
0xe4: {  	v0 =	vadd.f32 v2, v0;
	v2 =	vadd.f32 $0.0e+00, v32;
	v32 =	vld [tilespmem:$0x1DA0]  }
0xe5: {  	v1 =	vadd.f32 v3, v1;
	v3 =	vadd.f32 $0.0e+00, v33;
	v33 =	vld [tilespmem:$0x19E0]  }
0xe6: {  	v19 =	vadd.f32 $0.0e+00, v19;
	v0 =	vadd.f32 v4, v0;
	v4 =	vld [tilespmem:$0x1DE0]  }
0xe7: {  	v1 =	vadd.f32 v5, v1;
	v5 =	vld [tilespmem:$0x1A20]  }
0xe8: {  	v19 =	vadd.f32 v22, v19;
	[tilespmem:$0x1FF70] =	vst v17;
	v17 =	vld [tilespmem:$0x2080]  }
0xe9: {  	v2 =	vadd.f32 v34, v2;
	v0 =	vadd.f32 v6, v0;
	v6 =	vld [tilespmem:$0x1E20]  }
0xea: {  	v3 =	vadd.f32 v35, v3;
	v1 =	vadd.f32 v7, v1;
	v7 =	vld [tilespmem:$0x1A60]  }
0xeb: {  	v2 =	vadd.f32 v36, v2;
	v0 =	vadd.f32 v8, v0;
	v8 =	vld [tilespmem:$0x1E60]  }
0xec: {  	v19 =	vadd.f32 v32, v19;
	v1 =	vadd.f32 v9, v1;
	v9 =	vld [tilespmem:$0x1AA0]  }
0xed: {  	v3 =	vadd.f32 v37, v3;
	v2 =	vadd.f32 v38, v2;
	[tilespmem:$0x1FF80] =	vst v17;
	v17 =	vld [tilespmem:$0x1CC0]  }
0xee: {  	v4 =	vadd.f32 v4, v19;
	v0 =	vadd.f32 v10, v0;
	v10 =	vld [tilespmem:$0x1EA0]  }
0xef: {  	v3 =	vadd.f32 v39, v3;
	v1 =	vadd.f32 v11, v1;
	v11 =	vld [tilespmem:$0x1AE0]  }
0xf0: {  	v4 =	vadd.f32 v6, v4;
	v0 =	vadd.f32 v12, v0;
	v12 =	vld [tilespmem:$0x1EE0]  }
0xf1: {  	v2 =	vadd.f32 v40, v2;
	v1 =	vadd.f32 v13, v1;
	v13 =	vld [tilespmem:$0x1B20]  }
0xf2: {  	v3 =	vadd.f32 v41, v3;
	v4 =	vadd.f32 v8, v4;
	v8 =	vld [tilespmem:$0x1AF0]  }
0xf3: {  	v2 =	vadd.f32 v42, v2;
	v0 =	vadd.f32 v14, v0;
	v14 =	vld [tilespmem:$0x1F20]  }
0xf4: {  	v3 =	vadd.f32 v43, v3;
	v1 =	vadd.f32 v15, v1;
	v15 =	vld [tilespmem:$0x1B60]  }
0xf5: {  	v2 =	vadd.f32 v44, v2;
	v44 =	vld [tilespmem:$0x1DB0]  }
0xf6: {  	v3 =	vadd.f32 v45, v3;
	v45 =	vld [tilespmem:$0x19F0]  }
0xf7: {  	[tilespmem:$0x1FF90] =	vst v17;
	v17 =	vld [tilespmem:$0x20C0]  }
0xf8: {  	v4 =	vadd.f32 v10, v4;
	v10 =	vld [tilespmem:$0x1B30]  }
0xf9: {  	v0 =	vadd.f32 v16, v0;
	v16 =	vld [tilespmem:$0x1F60]  }
0xfa: {  	v1 =	vadd.f32 v18, v1;
	v18 =	vld [tilespmem:$0x1BA0]  }
0xfb: {  	v2 =	vadd.f32 v46, v2;
	v46 =	vld [tilespmem:$0x1A30]  }
0xfc: {  	v3 =	vadd.f32 v47, v3;
	v47 =	vld [tilespmem:$0x1E30]  }
0xfd: {  	v4 =	vadd.f32 v12, v4;
	v12 =	vld [tilespmem:$0x1B70];
	v2 =	vadd.f32 v48, v2  }
0xfe: {  	v0 =	vadd.f32 v20, v0;
	v20 =	vld [tilespmem:$0x1FA0];
	v3 =	vadd.f32 v49, v3  }
0xff: {  	v1 =	vadd.f32 v23, v1;
	v23 =	vld [tilespmem:$0x1BE0];
	v2 =	vadd.f32 v50, v2  }
0x100: {  	v48 =	vld [tilespmem:$0x1C60];
	v3 =	vadd.f32 v51, v3  }
0x101: {  	v49 =	vld [tilespmem:$0x2060];
	v2 =	vadd.f32 v52, v2  }
0x102: {  	[tilespmem:$0x1FFA0] =	vst v17;
	v17 =	vld [tilespmem:$0x1920];
	v3 =	vadd.f32 v53, v3  }
0x103: {  	v0 =	vadd.f32 v25, v0;
	v25 =	vld [tilespmem:$0x1FE0];
	v2 =	vadd.f32 v54, v2  }
0x104: {  	v1 =	vadd.f32 v26, v1;
	v26 =	vld [tilespmem:$0x1C20];
	v3 =	vadd.f32 v55, v3  }
0x105: {  	v50 =	vld [tilespmem:$0x1CA0];
	v2 =	vadd.f32 v56, v2  }
0x106: {  	v51 =	vld [tilespmem:$0x20A0];
	v3 =	vadd.f32 v57, v3  }
0x107: {  	v0 =	vadd.f32 v27, v0;
	v27 =	vld [tilespmem:$0x2020];
	v2 =	vadd.f32 v58, v2  }
0x108: {  	v57 =	vld [tilespmem:$0x1930];
	v3 =	vadd.f32 v59, v3  }
0x109: {  	v59 =	vld [tilespmem:$0x1D30];
	v2 =	vadd.f32 v60, v2  }
0x10a: {  	v4 =	vadd.f32 v14, v4;
	v3 =	vadd.f32 v61, v3;
	v61 =	vld [tilespmem:$0x1970]  }
0x10b: {  	v17 =	vadd.f32 $0.0e+00, v17;
	v2 =	vadd.f32 v62, v2;
	v62 =	vld [tilespmem:$0x1D70]  }
0x10c: {  	v4 =	vadd.f32 v16, v4;
	v3 =	vadd.f32 v63, v3;
	v63 =	vld [tilespmem:$0x19B0]  }
0x10d: {  	v52 =	vld [tilespmem:$0x1FF60];
	v17 =	vadd.f32 v21, v17;
	v21 =	vadd.f32 $0.0e+00, v57  }
0x10e: {  	v1 =	vadd.f32 v28, v1;
	v53 =	vld [tilespmem:$0x1CE0];
	v22 =	vadd.f32 $0.0e+00, v59  }
0x10f: {  	v17 =	vadd.f32 v24, v17;
	v24 =	vld [tilespmem:$0x1DF0];
	v21 =	vadd.f32 v61, v21  }
0x110: {  	v4 =	vadd.f32 v20, v4;
	v54 =	vld [tilespmem:$0x1FF70];
	v22 =	vadd.f32 v62, v22  }
0x111: {  	v55 =	vld [tilespmem:$0x20E0];
	v17 =	vadd.f32 v33, v17;
	v21 =	vadd.f32 v63, v21  }
0x112: {  	v0 =	vadd.f32 v29, v0;
	v19 =	vadd.f32 v44, v22;
	v22 =	vld [tilespmem:$0x1A70]  }
0x113: {  	v5 =	vadd.f32 v5, v17;
	v17 =	vadd.f32 v45, v21;
	v21 =	vld [tilespmem:$0x1E70]  }
0x114: {  	v1 =	vadd.f32 v30, v1;
	v6 =	vadd.f32 v24, v19;
	v19 =	vld [tilespmem:$0x1AB0]  }
0x115: {  	v5 =	vadd.f32 v7, v5;
	v7 =	vadd.f32 v46, v17;
	v17 =	vld [tilespmem:$0x1EB0]  }
0x116: {  	v4 =	vadd.f32 v25, v4;
	v56 =	vld [tilespmem:$0x1FF80];
	v6 =	vadd.f32 v47, v6  }
0x117: {  	v5 =	vadd.f32 v9, v5;
	v9 =	vld [tilespmem:$0x1EF0];
	v7 =	vadd.f32 v22, v7  }
0x118: {  	v0 =	vadd.f32 v31, v0;
	v58 =	vld [tilespmem:$0x1FF90];
	v6 =	vadd.f32 v21, v6  }
0x119: {  	v5 =	vadd.f32 v11, v5;
	v11 =	vld [tilespmem:$0x1F30];
	v7 =	vadd.f32 v19, v7  }
0x11a: {  	v1 =	vadd.f32 v52, v1;
	v60 =	vld [tilespmem:$0x1FFA0];
	v6 =	vadd.f32 v17, v6  }
0x11b: {  	v5 =	vadd.f32 v13, v5;
	v7 =	vadd.f32 v8, v7;
	v8 =	vld [tilespmem:$0x1F70]  }
0x11c: {  	v4 =	vadd.f32 v27, v4;
	v6 =	vadd.f32 v9, v6;
	v9 =	vld [tilespmem:$0x1BB0]  }
0x11d: {  	v5 =	vadd.f32 v15, v5;
	v7 =	vadd.f32 v10, v7;
	v10 =	vld [tilespmem:$0x1FB0]  }
0x11e: {  	v0 =	vadd.f32 v54, v0;
	v6 =	vadd.f32 v11, v6;
	v11 =	vld [tilespmem:$0x1BF0]  }
0x11f: {  	v5 =	vadd.f32 v18, v5;
	v7 =	vadd.f32 v12, v7;
	v12 =	vld [tilespmem:$0x1FF0]  }
0x120: {  	v4 =	vadd.f32 v49, v4;
	v6 =	vadd.f32 v8, v6;
	v8 =	vld [tilespmem:$0x1C30]  }
0x121: {  	v5 =	vadd.f32 v23, v5;
	v7 =	vadd.f32 v9, v7;
	v9 =	vld [tilespmem:$0x2030]  }
0x122: {  	v1 =	vadd.f32 v56, v1;
	v6 =	vadd.f32 v10, v6;
	v10 =	vld [tilespmem:$0x1C70]  }
0x123: {  	v5 =	vadd.f32 v26, v5;
	v7 =	vadd.f32 v11, v7;
	v11 =	vld [tilespmem:$0x2070]  }
0x124: {  	v0 =	vadd.f32 v58, v0;
	v6 =	vadd.f32 v12, v6;
	v12 =	vld [tilespmem:$0x1CB0]  }
0x125: {  	v5 =	vadd.f32 v48, v5;
	v7 =	vadd.f32 v8, v7;
	v8 =	vld [tilespmem:$0x20B0]  }
0x126: {  	v1 =	vadd.f32 v60, v1;
	v6 =	vadd.f32 v9, v6;
	v9 =	vld [tilespmem:$0x1CF0]  }
0x127: {  	[tilespmem:$0x2100] =	vst v0;
	v0 =	vadd.f32 v50, v5;
	v5 =	vadd.f32 v10, v7;
	v7 =	vld [tilespmem:$0x20F0]  }
0x128: {  	[tilespmem:$0x2140] =	vst v1;
	v1 =	vadd.f32 v51, v4;
	v4 =	vadd.f32 v11, v6  }
0x129: {  	[tilespmem:$0x2110] =	vst v2;
	v0 =	vadd.f32 v53, v0;
	v2 =	vadd.f32 v12, v5  }
0x12a: {  	[tilespmem:$0x2150] =	vst v3;
	v1 =	vadd.f32 v55, v1;
	v3 =	vadd.f32 v8, v4  }
0x12b: {  	[tilespmem:$0x2120] =	vst v0;
	v0 =	vadd.f32 v9, v2  }
0x12c: {  	[tilespmem:$0x2160] =	vst v1;
	v1 =	vadd.f32 v7, v3  }
0x12d: {  	s4 =	sshll.u32 s3, $0x7;
	[tilespmem:$0x2130] =	vst v0  }
0x12e: {  	s23 =	simm.s32 $0x2100;
	s24 =	simm.s32 $0x1;
	s6 =	sadd.s32 s4, s5;
	[tilespmem:$0x2170] =	vst v1  }
0x12f: {  	[spmem:s6] =	stream.linear.scatter [tilespmem:s23], [sflag:$0x1], $0x80, $0x38;
	[tilespmem:$0x2C00] =	vst v63  }
0x130: {  	_ =	swait.ge [sflag:s24], $0x80  }
0x131: {  	[sflag:s24] =	ssyncset.done $0x0  }
0x132: {  	[sflag:s24] =	ssyncadd.s32 $0xFFFFFF80  }
0x133: {  	s25 =	simm.s32 $0x2180;
	[bflag:$0x0] =	sbarrier.arrive $0xFFFF  }
0x134: {  	[tilespmem:s25], [sflag:$0x1] =	stream.linear.gather [spmem:s5], $0x800, $0x38;
	[tilespmem:$0x2C00] =	vst v63  }
0x135: {  	_ =	swait.ge [sflag:s24], $0x800  }
0x136: {  	[sflag:s24] =	ssyncset.done $0x0  }
0x137: {  	[sflag:s24] =	ssyncadd.s32 $0xFFFFF800  }
0x138: {  	v0 =	vld [tilespmem:$0x2180]  }
0x139: {  	v1 =	vld [tilespmem:$0x21C0]  }
0x13a: {  	v2 =	vld [tilespmem:$0x2200]  }
0x13b: {  	v3 =	vld [tilespmem:$0x2240]  }
0x13c: {  	v4 =	vld [tilespmem:$0x2280]  }
0x13d: {  	v5 =	vld [tilespmem:$0x22C0]  }
0x13e: {  	v6 =	vld [tilespmem:$0x2300]  }
0x13f: {  	v7 =	vld [tilespmem:$0x2340]  }
0x140: {  	v8 =	vld [tilespmem:$0x2380]  }
0x141: {  	v9 =	vld [tilespmem:$0x23C0]  }
0x142: {  	v10 =	vld [tilespmem:$0x2400]  }
0x143: {  	v11 =	vld [tilespmem:$0x2440]  }
0x144: {  	v12 =	vld [tilespmem:$0x2480]  }
0x145: {  	v13 =	vld [tilespmem:$0x24C0]  }
0x146: {  	v14 =	vld [tilespmem:$0x2500]  }
0x147: {  	v15 =	vld [tilespmem:$0x2540]  }
0x148: {  	v16 =	vld [tilespmem:$0x2580]  }
0x149: {  	v18 =	vld [tilespmem:$0x25C0]  }
0x14a: {  	v20 =	vld [tilespmem:$0x2600]  }
0x14b: {  	v23 =	vld [tilespmem:$0x2640]  }
0x14c: {  	v25 =	vld [tilespmem:$0x2680]  }
0x14d: {  	v26 =	vld [tilespmem:$0x26C0]  }
0x14e: {  	v27 =	vld [tilespmem:$0x2700]  }
0x14f: {  	v28 =	vld [tilespmem:$0x2740]  }
0x150: {  	v29 =	vld [tilespmem:$0x2780]  }
0x151: {  	v30 =	vld [tilespmem:$0x27C0]  }
0x152: {  	v31 =	vld [tilespmem:$0x2800]  }
0x153: {  	v17 =	vld [tilespmem:$0x2840]  }
0x154: {  	v32 =	vld [tilespmem:$0x2190]  }
0x155: {  	v33 =	vld [tilespmem:$0x21D0]  }
0x156: {  	v34 =	vld [tilespmem:$0x2210]  }
0x157: {  	v35 =	vld [tilespmem:$0x2250]  }
0x158: {  	v36 =	vld [tilespmem:$0x2290]  }
0x159: {  	v37 =	vld [tilespmem:$0x22D0]  }
0x15a: {  	v38 =	vld [tilespmem:$0x2310]  }
0x15b: {  	v39 =	vld [tilespmem:$0x2350]  }
0x15c: {  	v40 =	vld [tilespmem:$0x2390]  }
0x15d: {  	v41 =	vld [tilespmem:$0x23D0]  }
0x15e: {  	v42 =	vld [tilespmem:$0x2410]  }
0x15f: {  	v43 =	vld [tilespmem:$0x2450]  }
0x160: {  	v44 =	vld [tilespmem:$0x2490]  }
0x161: {  	v45 =	vld [tilespmem:$0x24D0]  }
0x162: {  	v46 =	vld [tilespmem:$0x2510]  }
0x163: {  	v47 =	vld [tilespmem:$0x2550]  }
0x164: {  	v48 =	vld [tilespmem:$0x2590]  }
0x165: {  	v49 =	vld [tilespmem:$0x25D0]  }
0x166: {  	v50 =	vld [tilespmem:$0x2610]  }
0x167: {  	v51 =	vld [tilespmem:$0x2650]  }
0x168: {  	v52 =	vld [tilespmem:$0x2690]  }
0x169: {  	v53 =	vld [tilespmem:$0x26D0]  }
0x16a: {  	v54 =	vld [tilespmem:$0x2710]  }
0x16b: {  	v55 =	vld [tilespmem:$0x2750]  }
0x16c: {  	v56 =	vld [tilespmem:$0x2790]  }
0x16d: {  	v57 =	vld [tilespmem:$0x27D0]  }
0x16e: {  	v58 =	vld [tilespmem:$0x2810]  }
0x16f: {  	v59 =	vld [tilespmem:$0x2850]  }
0x170: {  	v60 =	vld [tilespmem:$0x2890]  }
0x171: {  	v61 =	vld [tilespmem:$0x28D0]  }
0x172: {  	v62 =	vld [tilespmem:$0x2910]  }
0x173: {  	v63 =	vld [tilespmem:$0x2950]  }
0x174: {  	v19 =	vld [tilespmem:$0x21E0]  }
0x175: {  	v21 =	vld [tilespmem:$0x2220]  }
0x176: {  	v22 =	vld [tilespmem:$0x2260]  }
0x177: {  	v24 =	vld [tilespmem:$0x22A0];
	v0 =	vadd.f32 $0.0e+00, v0  }
0x178: {  	[tilespmem:$0x1FFB0] =	vst v17;
	v17 =	vld [tilespmem:$0x2880];
	v1 =	vadd.f32 $0.0e+00, v1  }
0x179: {  	v0 =	vadd.f32 v2, v0;
	v2 =	vadd.f32 $0.0e+00, v32;
	v32 =	vld [tilespmem:$0x22E0]  }
0x17a: {  	v1 =	vadd.f32 v3, v1;
	v3 =	vadd.f32 $0.0e+00, v33;
	v33 =	vld [tilespmem:$0x2320]  }
0x17b: {  	v0 =	vadd.f32 v4, v0;
	v4 =	vld [tilespmem:$0x2360]  }
0x17c: {  	v1 =	vadd.f32 v5, v1;
	v5 =	vld [tilespmem:$0x23A0]  }
0x17d: {  	[tilespmem:$0x1FFC0] =	vst v17;
	v17 =	vld [tilespmem:$0x28C0]  }
0x17e: {  	v0 =	vadd.f32 v6, v0;
	v6 =	vld [tilespmem:$0x23E0]  }
0x17f: {  	v1 =	vadd.f32 v7, v1;
	v7 =	vld [tilespmem:$0x2420]  }
0x180: {  	v2 =	vadd.f32 v34, v2;
	v0 =	vadd.f32 v8, v0;
	v8 =	vld [tilespmem:$0x2460]  }
0x181: {  	v3 =	vadd.f32 v35, v3;
	v1 =	vadd.f32 v9, v1;
	v9 =	vld [tilespmem:$0x24A0]  }
0x182: {  	v2 =	vadd.f32 v36, v2;
	[tilespmem:$0x1FFD0] =	vst v17;
	v17 =	vld [tilespmem:$0x2900]  }
0x183: {  	v3 =	vadd.f32 v37, v3;
	v0 =	vadd.f32 v10, v0;
	v10 =	vld [tilespmem:$0x24E0]  }
0x184: {  	v2 =	vadd.f32 v38, v2;
	v1 =	vadd.f32 v11, v1;
	v11 =	vld [tilespmem:$0x2520]  }
0x185: {  	v3 =	vadd.f32 v39, v3;
	v0 =	vadd.f32 v12, v0;
	v12 =	vld [tilespmem:$0x2560]  }
0x186: {  	v2 =	vadd.f32 v40, v2;
	v1 =	vadd.f32 v13, v1;
	v13 =	vld [tilespmem:$0x25A0]  }
0x187: {  	v3 =	vadd.f32 v41, v3;
	v0 =	vadd.f32 v14, v0;
	v14 =	vld [tilespmem:$0x25E0]  }
0x188: {  	v2 =	vadd.f32 v42, v2;
	v1 =	vadd.f32 v15, v1;
	v15 =	vld [tilespmem:$0x2620]  }
0x189: {  	v3 =	vadd.f32 v43, v3;
	[tilespmem:$0x1FFE0] =	vst v17;
	v17 =	vld [tilespmem:$0x2940]  }
0x18a: {  	v2 =	vadd.f32 v44, v2;
	v0 =	vadd.f32 v16, v0;
	v16 =	vld [tilespmem:$0x2660]  }
0x18b: {  	v3 =	vadd.f32 v45, v3;
	v1 =	vadd.f32 v18, v1;
	v18 =	vld [tilespmem:$0x26A0]  }
0x18c: {  	v2 =	vadd.f32 v46, v2;
	v0 =	vadd.f32 v20, v0;
	v20 =	vld [tilespmem:$0x26E0]  }
0x18d: {  	v3 =	vadd.f32 v47, v3;
	v1 =	vadd.f32 v23, v1;
	v23 =	vld [tilespmem:$0x2720]  }
0x18e: {  	v2 =	vadd.f32 v48, v2;
	v48 =	vld [tilespmem:$0x2820]  }
0x18f: {  	v3 =	vadd.f32 v49, v3;
	v49 =	vld [tilespmem:$0x2860]  }
0x190: {  	[tilespmem:$0x1FFF0] =	vst v17;
	v17 =	vld [tilespmem:$0x21A0]  }
0x191: {  	v0 =	vadd.f32 v25, v0;
	v2 =	vadd.f32 v50, v2;
	v25 =	vld [tilespmem:$0x2760]  }
0x192: {  	v1 =	vadd.f32 v26, v1;
	v3 =	vadd.f32 v51, v3;
	v26 =	vld [tilespmem:$0x27A0]  }
0x193: {  	v50 =	vld [tilespmem:$0x28A0];
	v2 =	vadd.f32 v52, v2  }
0x194: {  	v51 =	vld [tilespmem:$0x28E0];
	v3 =	vadd.f32 v53, v3  }
0x195: {  	v0 =	vadd.f32 v27, v0;
	v27 =	vld [tilespmem:$0x27E0];
	v2 =	vadd.f32 v54, v2  }
0x196: {  	v52 =	vld [tilespmem:$0x1FFB0];
	v3 =	vadd.f32 v55, v3  }
0x197: {  	v1 =	vadd.f32 v28, v1;
	v54 =	vld [tilespmem:$0x1FFC0];
	v2 =	vadd.f32 v56, v2  }
0x198: {  	v0 =	vadd.f32 v29, v0;
	v3 =	vadd.f32 v57, v3;
	v56 =	vld [tilespmem:$0x1FFD0]  }
0x199: {  	v1 =	vadd.f32 v30, v1;
	v2 =	vadd.f32 v58, v2;
	v58 =	vld [tilespmem:$0x1FFE0]  }
0x19a: {  	v0 =	vadd.f32 v31, v0;
	v3 =	vadd.f32 v59, v3;
	v59 =	vld [tilespmem:$0x1FFF0]  }
0x19b: {  	v53 =	vld [tilespmem:$0x2920];
	v1 =	vadd.f32 v52, v1  }
0x19c: {  	v55 =	vld [tilespmem:$0x2960];
	v0 =	vadd.f32 v54, v0  }
0x19d: {  	v57 =	vld [tilespmem:$0x21B0];
	v1 =	vadd.f32 v56, v1  }
0x19e: {  	v37 =	vadd.f32 v58, v0;
	v0 =	vadd.f32 v60, v2;
	v2 =	vld [tilespmem:$0x21F0]  }
0x19f: {  	v3 =	vadd.f32 v61, v3;
	v1 =	vadd.f32 v59, v1;
	v60 =	vld [tilespmem:$0x2230]  }
0x1a0: {  	v61 =	vadd.f32 v62, v0;
	v0 =	vadd.f32 $0.0e+00, v17;
	v17 =	vld [tilespmem:$0x2270]  }
0x1a1: {  	v62 =	vadd.f32 v63, v3;
	v3 =	vadd.f32 $0.0e+00, v19;
	v19 =	vld [tilespmem:$0x22B0]  }
0x1a2: {  	v63 =	vld [tilespmem:$0x22F0];
	v0 =	vadd.f32 v21, v0;
	v21 =	vadd.f32 $0.0e+00, v57  }
0x1a3: {  	v3 =	vadd.f32 v22, v3;
	v22 =	vld [tilespmem:$0x2330];
	v2 =	vadd.f32 $0.0e+00, v2  }
0x1a4: {  	v0 =	vadd.f32 v24, v0;
	v21 =	vadd.f32 v60, v21;
	v24 =	vld [tilespmem:$0x2370]  }
0x1a5: {  	v3 =	vadd.f32 v32, v3;
	v2 =	vadd.f32 v17, v2;
	v17 =	vld [tilespmem:$0x23B0]  }
0x1a6: {  	v0 =	vadd.f32 v33, v0;
	v19 =	vadd.f32 v19, v21;
	v21 =	vld [tilespmem:$0x23F0]  }
0x1a7: {  	v3 =	vadd.f32 v4, v3;
	v4 =	vld [tilespmem:$0x2430];
	v2 =	vadd.f32 v63, v2  }
0x1a8: {  	v0 =	vadd.f32 v5, v0;
	v5 =	vadd.f32 v22, v19;
	v19 =	vld [tilespmem:$0x2470]  }
0x1a9: {  	v3 =	vadd.f32 v6, v3;
	v6 =	vld [tilespmem:$0x24B0];
	v2 =	vadd.f32 v24, v2  }
0x1aa: {  	v0 =	vadd.f32 v7, v0;
	v5 =	vadd.f32 v17, v5;
	v7 =	vld [tilespmem:$0x24F0]  }
0x1ab: {  	v3 =	vadd.f32 v8, v3;
	v8 =	vld [tilespmem:$0x2530];
	v2 =	vadd.f32 v21, v2  }
0x1ac: {  	v0 =	vadd.f32 v9, v0;
	v4 =	vadd.f32 v4, v5;
	v5 =	vld [tilespmem:$0x2570]  }
0x1ad: {  	v3 =	vadd.f32 v10, v3;
	v9 =	vld [tilespmem:$0x25B0];
	v2 =	vadd.f32 v19, v2  }
0x1ae: {  	v0 =	vadd.f32 v11, v0;
	v4 =	vadd.f32 v6, v4;
	v6 =	vld [tilespmem:$0x25F0]  }
0x1af: {  	v3 =	vadd.f32 v12, v3;
	v2 =	vadd.f32 v7, v2;
	v7 =	vld [tilespmem:$0x2630]  }
0x1b0: {  	v0 =	vadd.f32 v13, v0;
	v4 =	vadd.f32 v8, v4;
	v8 =	vld [tilespmem:$0x2670]  }
0x1b1: {  	v3 =	vadd.f32 v14, v3;
	v2 =	vadd.f32 v5, v2;
	v5 =	vld [tilespmem:$0x26B0]  }
0x1b2: {  	v0 =	vadd.f32 v15, v0;
	v4 =	vadd.f32 v9, v4;
	v9 =	vld [tilespmem:$0x26F0]  }
0x1b3: {  	v3 =	vadd.f32 v16, v3;
	v2 =	vadd.f32 v6, v2;
	v6 =	vld [tilespmem:$0x2730]  }
0x1b4: {  	v0 =	vadd.f32 v18, v0;
	v4 =	vadd.f32 v7, v4;
	v7 =	vld [tilespmem:$0x2770]  }
0x1b5: {  	v3 =	vadd.f32 v20, v3;
	v2 =	vadd.f32 v8, v2;
	v8 =	vld [tilespmem:$0x27B0]  }
0x1b6: {  	v0 =	vadd.f32 v23, v0;
	v4 =	vadd.f32 v5, v4;
	v5 =	vld [tilespmem:$0x27F0]  }
0x1b7: {  	v10 =	vadd.f32 v25, v3;
	v2 =	vadd.f32 v9, v2;
	v9 =	vld [tilespmem:$0x2830]  }
0x1b8: {  	v0 =	vadd.f32 v26, v0;
	v4 =	vadd.f32 v6, v4;
	v6 =	vld [tilespmem:$0x2870]  }
0x1b9: {  	v1 =	vmax.f32 v1, $1.000000000e-30;
	v10 =	vadd.f32 v27, v10;
	v2 =	vadd.f32 v7, v2;
	v7 =	vld [tilespmem:$0x28B0]  }
0x1ba: {  	v3 =	vmax.f32 v37, $1.000000000e+00;
	v0 =	vadd.f32 v48, v0;
	v4 =	vadd.f32 v8, v4;
	v8 =	vld [tilespmem:$0x28F0]  }
0x1bb: {  	(erf) = vrcp.f32 v3;
	v10 =	vadd.f32 v49, v10;
	v2 =	vadd.f32 v5, v2;
	v5 =	vld [tilespmem:$0x2930]  }
0x1bc: {  	(erf) = vrcp.f32 v1;
	v0 =	vadd.f32 v50, v0;
	v4 =	vadd.f32 v9, v4;
	v9 =	vld [tilespmem:$0x2970]  }
0x1bd: {  	v1 =	vmax.f32 v61, $1.000000000e+00;
	v10 =	vadd.f32 v51, v10;
	v2 =	vadd.f32 v6, v2  }
0x1be: {  	(erf) = vrcp.f32 v1;
	v6 =	vadd.f32 v53, v0;
	v0 =	vadd.f32 v7, v4  }
0x1bf: {  	v4 =	vmax.f32 v62, $1.000000000e-30;
	v7 =	vadd.f32 v55, v10;
	v8 =	vadd.f32 v8, v2  }
0x1c0: {  	(erf) = vrcp.f32 v4;
	v2 =	vmax.f32 v6, $1.000000000e+00;
	v4 =	vadd.f32 v5, v0  }
0x1c1: {  	v0 =	vmax.f32 v7, $1.000000000e-30;
	(erf) = vrcp.f32 v2;
	v5 =	vadd.f32 v9, v8  }
0x1c2: {  	(erf) = vrcp.f32 v0;
	v0 =	vmax.f32 v4, $1.000000000e+00  }
0x1c3: {  	(erf) = vrcp.f32 v0;
	v5 =	vmax.f32 v5, $1.000000000e-30;
	_ =	sdelay $0x1  }
0x1c4: {  	(erf) = vrcp.f32 v5  }
0x1c5: {  	vm0 =	vge.f32 v37, $2.000000000e+00;
	v5 =	vpop (erf)  }
0x1c6: {  	v7 =	vpop (erf);
	v5 =	vnsel vm0, $0x0, v5  }
0x1c7: {  	v8 =	vpop (erf);
	[tilespmem:$0x2980] =	vst v7  }
0x1c8: {  	vm2 =	vge.f32 v61, $2.000000000e+00;
	[tilespmem:$0x2A00] =	vst v5;
	v7 =	vpop (erf)  }
0x1c9: {  	vm1 =	vge.f32 v6, $2.000000000e+00;
	v8 =	vnsel vm2, $0x0, v8;
	v5 =	vpop (erf);
	[tilespmem:$0x2990] =	vst v7  }
0x1ca: {  	vm4 =	vmmov $0x3;
	vm3 =	vge.f32 v4, $2.000000000e+00;
	[tilespmem:$0x2A10] =	vst v8;
	v7 =	vpop (erf);
	v5 =	vnsel vm1, $0x0, v5  }
0x1cb: {  	vm4 =	vmand vm3, vm4;
	[tilespmem:$0x29A0] =	vst v7;
	v4 =	vpop (erf)  }
0x1cc: {  	[tilespmem:$0x2A20] =	vst v5;
	v4 =	vnsel vm4, $0x0, v4  }
0x1cd: {  	v5 =	vpop (erf);
	[tilespmem:$0x2A30] =	vst v4  }
0x1ce: {  	s26 =	simm.s32 $0x0;
	[tilespmem:$0x29B0] =	vst v5  }
0x1cf: {  	v4 =	vld [tilespmem:s26+$0x0];
	_ =	sdelay $0x3  }
0x1d0: {  	v9 =	vld [tilespmem:s26+$0xC80]  }
0x1d1: {  	v4 =	vmul.f32 $1.442695020e+00, v4;
	_ =	sdelay $0x1  }
0x1d2: {  	(erf) = vpow2.f32 v4  }
0x1d3: {  	s28 =	simm.s32 $0x10  }
0x1d4: {  	v4 =	vld [tilespmem:s28+$0x0];
	_ =	sdelay $0x1  }
0x1d5: {  	s6 =	simm.s32 $0x2980  }
0x1d6: {  	v5 =	vld.idx.msk [tilespmem:v9+s6+$0x0], $0xffff  }
0x1d7: {  	v8 =	vld [tilespmem:s28+$0xC80]  }
0x1d8: {  	v4 =	vmul.f32 $1.442695020e+00, v4;
	_ =	sdelay $0x1  }
0x1d9: {  	v6 =	vpop (erf);
	(erf) = vpow2.f32 v4  }
0x1da: {  	v5 =	vmul.f32 v5, v6  }
0x1db: {  	s29 =	simm.s32 $0x20  }
0x1dc: {  	v4 =	vld [tilespmem:s29+$0x0];
	v13 =	vadd.f32 $9.999999930e-09, v5;
	_ =	sdelay $0x1  }
0x1dd: {  	v6 =	vld.idx.msk [tilespmem:v8+s6+$0x0], $0xffff;
	v5 =	vand.u32 $0x7FFFFF, v13  }
0x1de: {  	v5 =	vor.u32 $0x3F800000, v5  }
0x1df: {  	v7 =	vmul.f32 $5.000000000e-01, v5  }
0x1e0: {  	v4 =	vmul.f32 $1.442695020e+00, v4;
	vm5 =	vgt.f32 v5, $1.414213540e+00  }
0x1e1: {  	v5 =	vsel vm5, v7, v5;
	v11 =	vpop (erf)  }
0x1e2: {  	(erf) = vpow2.f32 v4;
	v10 =	vadd.f32 $1.000000000e+00, v5;
	v4 =	vmul.f32 v6, v11  }
0x1e3: {  	v7 =	vld [tilespmem:s29+$0xC80]  }
0x1e4: {  	(erf) = vrcp.f32 v10;
	v12 =	vadd.f32 $9.999999930e-09, v4;
	_ =	sdelay $0x1  }
0x1e5: {  	s30 =	simm.s32 $0x30;
	v4 =	vand.u32 $0x7FFFFF, v12  }
0x1e6: {  	v6 =	vld [tilespmem:s30+$0x0];
	v10 =	vor.u32 $0x3F800000, v4  }
0x1e7: {  	v14 =	vmul.f32 $5.000000000e-01, v10;
	_ =	sdelay $0x1  }
0x1e8: {  	v4 =	vld [tilespmem:s30+$0xC80]  }
0x1e9: {  	vm6 =	vgt.f32 v10, $1.414213540e+00;
	v11 =	vld.idx.msk [tilespmem:v7+s6+$0x0], $0xffff  }
0x1ea: {  	v5 =	vadd.f32 $-1.000000000e+00, v5;
	v6 =	vmul.f32 $1.442695020e+00, v6;
	v10 =	vsel vm6, v14, v10;
	v14 =	vpop (erf)  }
0x1eb: {  	v15 =	vadd.f32 $1.000000000e+00, v10;
	v16 =	vpop (erf)  }
0x1ec: {  	(erf) = vpow2.f32 v6;
	v17 =	vmul.f32 v16, v5  }
0x1ed: {  	(erf) = vrcp.f32 v15  }
0x1ee: {  	v5 =	vmul.f32 v11, v14;
	v15 =	vmul.f32 v17, v17  }
0x1ef: {  	s31 =	simm.s32 $0x40  }
0x1f0: {  	v14 =	vld [tilespmem:s31+$0x0];
	v11 =	vadd.f32 $9.999999930e-09, v5;
	v5 =	vmul.f32 $1.111111120e-01, v15  }
0x1f1: {  	v16 =	vld.idx.msk [tilespmem:v4+s6+$0x0], $0xffff  }
0x1f2: {  	v13 =	vshra.s32 v13, $0x17;
	v6 =	vand.u32 $0x7FFFFF, v11;
	v18 =	vadd.f32 $1.428571490e-01, v5  }
0x1f3: {  	v13 =	vadd.s32 $0xFFFFFF81, v13;
	vm5 =	vmmov vm5;
	v19 =	vor.u32 $0x3F800000, v6  }
0x1f4: {  	vm7 =	vmmov vm5;
	v6 =	vld [tilespmem:s31+$0xC80];
	v20 =	vmul.f32 $5.000000000e-01, v19;
	v21 =	vmul.f32 v18, v15  }
0x1f5: {  	v10 =	vadd.f32 $-1.000000000e+00, v10;
	v22 =	vmul.f32 $1.442695020e+00, v14;
	vm5 =	vgt.f32 v19, $1.414213540e+00;
	v14 =	vpop (erf)  }
0x1f6: {  	v18 =	vsel vm5, v20, v19;
	v16 =	vmul.f32 v16, v14;
	v14 =	vpop (erf);
	v19 =	vadd.f32 $2.000000030e-01, v21  }
0x1f7: {  	v23 =	vcvt.s32.f32 v13;
	v20 =	vadd.f32 $1.000000000e+00, v18;
	v14 =	vmul.f32 v14, v10  }
0x1f8: {  	(erf) = vpow2.f32 v22;
	v19 =	vmul.f32 v19, v15  }
0x1f9: {  	v10 =	vadd.f32 $9.999999930e-09, v16;
	(erf) = vrcp.f32 v20;
	v16 =	vmul.f32 v14, v14  }
0x1fa: {  	s8 =	simm.s32 $0x50;
	vm6 =	vmmov vm6;
	v5 =	vimm.f32 $0.0e+00;
	v24 =	vadd.f32 $3.333333430e-01, v19  }
0x1fb: {  	v25 =	vsel vm7, $0x3F800000, v5;
	v20 =	vld [tilespmem:s8+$0x0];
	v21 =	vand.u32 $0x7FFFFF, v10;
	v22 =	vmul.f32 $1.111111120e-01, v16  }
0x1fc: {  	s7 =	simm.s32 $0x180;
	s5 =	simm.s32 $0x2A00;
	v21 =	vor.u32 $0x3F800000, v21;
	v19 =	vld.idx.msk [tilespmem:v6+s6+$0x0], $0xffff;
	v24 =	vmul.f32 v24, v15;
	v15 =	vimm.f32 $0.0e+00  }
.LBB2_3:
0x1fd: {  	v26 =	vmul.f32 $5.000000000e-01, v21;
	v22 =	vadd.f32 $1.428571490e-01, v22  }
0x1fe: {  	p0 =	sne.s32 s7, $0x30C0;
	v13 =	vld [tilespmem:s8+$0xC80];
	v23 =	vadd.f32 v23, v25;
	vm7 =	vmmov vm6;
	vm6 =	vmmov vm5  }
0x1ff: {  	vm5 =	vgt.f32 v21, $1.414213540e+00;
	v17 =	vadd.f32 v17, v17;
	v25 =	vld.idx.msk [tilespmem:v9+s5+$0x0], $0xffff;
	v24 =	vadd.f32 $1.000000000e+00, v24;
	v9 =	vmovc v8;
	v8 =	vmovc v7  }
0x200: {  	v7 =	vmovc v4;
	v4 =	vmovc v6;
	v20 =	vmul.f32 $1.442695020e+00, v20;
	v21 =	vsel vm5, v26, v21;
	v22 =	vmul.f32 v22, v16  }
0x201: {  	v26 =	vadd.f32 $-1.000000000e+00, v18;
	v23 =	vmul.f32 $6.931471820e-01, v23;
	v6 =	vpop (erf);
	v27 =	vmul.f32 v24, v17  }
0x202: {  	v24 =	vadd.f32 $1.000000000e+00, v21;
	v19 =	vmul.f32 v19, v6;
	v6 =	vpop (erf);
	v22 =	vadd.f32 $2.000000030e-01, v22  }
0x203: {  	v18 =	vmovc v21;
	(erf) = vpow2.f32 v20;
	v20 =	vmul.f32 v6, v26;
	v23 =	vadd.f32 v27, v23;
	v6 =	vmovc v13  }
.Ltmp1:
0x204: {  	v17 =	vmovc v14;
	v19 =	vadd.f32 $9.999999930e-09, v19;
	(erf) = vrcp.f32 v24;
	v21 =	vmul.f32 v22, v16;
	(pc) =	sbr.rel @p0 .LBB2_3-.Ltmp1, $4  }
0x205: {  	s8 =	sshra.s32 s7, $0x2;
	v22 =	vshra.s32 v12, $0x17;
	v12 =	vmovc v11;
	v26 =	vmul.f32 v20, v20;
	v24 =	vmul.f32 v23, v25;
	v14 =	vmovc v20  }
0x206: {  	v11 =	vmovc v10;
	v23 =	vadd.s32 $0xFFFFFF81, v22;
	v20 =	vld [tilespmem:s8+$0x0];
	v25 =	vand.u32 $0x7FFFFF, v19;
	v27 =	vadd.f32 $3.333333430e-01, v21;
	v10 =	vmovc v19  }
0x207: {  	v23 =	vcvt.s32.f32 v23;
	v19 =	vld.idx.msk [tilespmem:v13+s6+$0x0], $0xffff;
	v22 =	vmul.f32 $1.111111120e-01, v26;
	v15 =	vadd.f32 v24, v15  }
0x208: {  	s7 =	sadd.s32 $0x40, s7;
	v21 =	vor.u32 $0x3F800000, v25;
	v25 =	vsel vm7, $0x3F800000, v5;
	v24 =	vmul.f32 v27, v16;
	v16 =	vmovc v26  }
0x209: {  	_ = 	snop  }
0x20a: {  	v13 =	vld [tilespmem:s8+$0xC80]  }
0x20b: {  	v20 =	vmul.f32 $1.442695020e+00, v20;
	_ =	sdelay $0x1  }
0x20c: {  	(erf) = vpow2.f32 v20;
	_ =	sdelay $0x4  }
0x20d: {  	v26 =	vmul.f32 $5.000000000e-01, v21;
	v22 =	vadd.f32 $1.428571490e-01, v22;
	v23 =	vadd.f32 v23, v25;
	v55 =	vld.idx.msk [tilespmem:v13+s6+$0x0], $0xffff  }
0x20e: {  	vm6 =	vmmov vm6;
	vm8 =	vgt.f32 v21, $1.414213540e+00;
	v17 =	vadd.f32 v17, v17  }
0x20f: {  	v18 =	vadd.f32 $-1.000000000e+00, v18;
	v12 =	vshra.s32 v12, $0x17;
	vm5 =	vmmov vm5;
	v56 =	vpop (erf)  }
0x210: {  	v14 =	vadd.f32 v14, v14;
	v11 =	vshra.s32 v11, $0x17;
	v19 =	vmul.f32 v19, v56;
	v57 =	vpop (erf)  }
0x211: {  	v10 =	vshra.s32 v10, $0x17;
	v24 =	vadd.f32 $1.000000000e+00, v24;
	v12 =	vadd.s32 $0xFFFFFF81, v12;
	v58 =	vpop (erf)  }
0x212: {  	v28 =	vsel vm6, $0x3F800000, v5;
	v19 =	vadd.f32 $9.999999930e-09, v19;
	v20 =	vmul.f32 v55, v58  }
0x213: {  	vm5 =	vmmov vm5;
	v11 =	vadd.s32 $0xFFFFFF81, v11;
	v21 =	vsel vm8, v26, v21  }
0x214: {  	v27 =	vadd.f32 $1.000000000e+00, v21;
	v59 =	vand.u32 $0x7FFFFF, v19;
	v20 =	vadd.f32 $9.999999930e-09, v20  }
0x215: {  	v22 =	vmul.f32 v22, v16;
	v17 =	vmul.f32 v24, v17;
	v24 =	vor.u32 $0x3F800000, v59  }
0x216: {  	(erf) = vrcp.f32 v27;
	v60 =	vmul.f32 $5.000000000e-01, v24;
	v61 =	vand.u32 $0x7FFFFF, v20  }
0x217: {  	v10 =	vadd.s32 $0xFFFFFF81, v10;
	vm7 =	vgt.f32 v24, $1.414213540e+00;
	v27 =	vor.u32 $0x3F800000, v61  }
0x218: {  	v22 =	vadd.f32 $2.000000030e-01, v22;
	v24 =	vsel vm7, v60, v24;
	v62 =	vmul.f32 $5.000000000e-01, v27  }
0x219: {  	v18 =	vmul.f32 v57, v18;
	v29 =	vadd.f32 $1.000000000e+00, v24;
	vm6 =	vgt.f32 v27, $1.414213540e+00  }
0x21a: {  	v23 =	vmul.f32 $6.931471820e-01, v23;
	v22 =	vmul.f32 v22, v16;
	v26 =	vsel vm6, v62, v27  }
0x21b: {  	v25 =	vmul.f32 v18, v18;
	(erf) = vrcp.f32 v29;
	v30 =	vadd.f32 $1.000000000e+00, v26  }
0x21c: {  	v12 =	vcvt.s32.f32 v12;
	v36 =	vsel vm5, $0x3F800000, v5;
	v22 =	vadd.f32 $3.333333430e-01, v22  }
0x21d: {  	vm5 =	vmmov vm8;
	v63 =	vmul.f32 $1.111111120e-01, v25;
	(erf) = vrcp.f32 v30  }
0x21e: {  	v11 =	vcvt.s32.f32 v11;
	v21 =	vadd.f32 $-1.000000000e+00, v21;
	v31 =	vmul.f32 v22, v16  }
0x21f: {  	v50 =	vcvt.s32.f32 v10;
	v12 =	vadd.f32 v12, v28;
	v32 =	vadd.f32 $1.428571490e-01, v63;
	v33 =	vpop (erf)  }
0x220: {  	v9 =	vld.idx.msk [tilespmem:v9+s5+$0x0], $0xffff;
	vm5 =	vmmov vm5;
	v16 =	vadd.f32 $1.000000000e+00, v31;
	v34 =	vmul.f32 v33, v21  }
0x221: {  	v8 =	vld.idx.msk [tilespmem:v8+s5+$0x0], $0xffff;
	v11 =	vadd.f32 v11, v36;
	v12 =	vmul.f32 $6.931471820e-01, v12;
	v22 =	vmul.f32 v32, v25  }
0x222: {  	v52 =	vsel vm5, $0x3F800000, v5;
	v14 =	vmul.f32 v16, v14;
	v37 =	vmul.f32 v34, v34  }
0x223: {  	v17 =	vadd.f32 v17, v23;
	v11 =	vmul.f32 $6.931471820e-01, v11;
	v40 =	vadd.f32 $-1.000000000e+00, v24  }
0x224: {  	v35 =	vadd.f32 $2.000000030e-01, v22;
	v12 =	vadd.f32 v14, v12;
	v39 =	vmul.f32 $1.111111120e-01, v37;
	v42 =	vpop (erf)  }
0x225: {  	v9 =	vmul.f32 v17, v9;
	v44 =	vadd.f32 $-1.000000000e+00, v26;
	v14 =	vmul.f32 v42, v40  }
0x226: {  	v38 =	vmul.f32 v35, v25;
	v8 =	vmul.f32 v12, v8;
	v16 =	vadd.f32 $1.428571490e-01, v39;
	v46 =	vpop (erf)  }
0x227: {  	v18 =	vadd.f32 v18, v18;
	v45 =	vmul.f32 v14, v14;
	v12 =	vmul.f32 v46, v44  }
0x228: {  	v56 =	vshra.s32 v19, $0x17;
	v41 =	vadd.f32 $3.333333430e-01, v38;
	v16 =	vmul.f32 v16, v37  }
0x229: {  	v9 =	vadd.f32 v9, v15;
	v47 =	vmul.f32 $1.111111120e-01, v45;
	v48 =	vmul.f32 v12, v12  }
0x22a: {  	v57 =	vadd.s32 $0xFFFFFF81, v56;
	vm7 =	vmmov vm7;
	v43 =	vmul.f32 v41, v25  }
0x22b: {  	v16 =	vadd.f32 $2.000000030e-01, v16;
	v22 =	vadd.f32 $1.428571490e-01, v47;
	v49 =	vmul.f32 $1.111111120e-01, v48  }
0x22c: {  	vm5 =	vmmov vm7;
	v8 =	vadd.f32 v8, v9;
	v9 =	vadd.f32 $1.000000000e+00, v43  }
0x22d: {  	v16 =	vmul.f32 v16, v37;
	v22 =	vmul.f32 v22, v45;
	v51 =	vadd.f32 $1.428571490e-01, v49  }
0x22e: {  	v7 =	vld.idx.msk [tilespmem:v7+s5+$0x0], $0xffff;
	v58 =	vsel vm5, $0x3F800000, v5;
	v59 =	vshra.s32 v20, $0x17;
	v9 =	vmul.f32 v9, v18  }
0x22f: {  	v16 =	vadd.f32 $3.333333430e-01, v16;
	v53 =	vadd.f32 $2.000000030e-01, v22;
	v10 =	vmul.f32 v51, v48  }
0x230: {  	v60 =	vadd.s32 $0xFFFFFF81, v59;
	vm6 =	vmmov vm6;
	v9 =	vadd.f32 v9, v11  }
0x231: {  	v15 =	vmul.f32 v16, v37;
	v16 =	vmul.f32 v53, v45;
	v10 =	vadd.f32 $2.000000030e-01, v10  }
0x232: {  	v55 =	vadd.f32 v34, v34;
	v17 =	vcvt.s32.f32 v60;
	vm5 =	vmmov vm6  }
0x233: {  	v7 =	vmul.f32 v9, v7;
	v16 =	vadd.f32 $3.333333430e-01, v16;
	v10 =	vmul.f32 v10, v48  }
0x234: {  	v9 =	vadd.f32 v50, v52;
	v54 =	vadd.f32 $1.000000000e+00, v15;
	v15 =	vcvt.s32.f32 v57  }
0x235: {  	v5 =	vsel vm5, $0x3F800000, v5;
	v16 =	vmul.f32 v16, v45;
	v10 =	vadd.f32 $3.333333430e-01, v10  }
0x236: {  	v4 =	vld.idx.msk [tilespmem:v4+s5+$0x0], $0xffff;
	v9 =	vmul.f32 $6.931471820e-01, v9;
	v11 =	vmul.f32 v54, v55;
	v15 =	vadd.f32 v15, v58  }
0x237: {  	v14 =	vadd.f32 v14, v14;
	v16 =	vadd.f32 $1.000000000e+00, v16;
	v10 =	vmul.f32 v10, v48  }
0x238: {  	v6 =	vld.idx.msk [tilespmem:v6+s5+$0x0], $0xffff;
	v5 =	vadd.f32 v17, v5;
	v9 =	vadd.f32 v11, v9;
	v61 =	vmul.f32 $6.931471820e-01, v15  }
0x239: {  	v12 =	vadd.f32 v12, v12;
	v14 =	vmul.f32 v16, v14;
	v10 =	vadd.f32 $1.000000000e+00, v10  }
0x23a: {  	v62 =	vld.idx.msk [tilespmem:v13+s5+$0x0], $0xffff;
	v5 =	vmul.f32 $6.931471820e-01, v5;
	v7 =	vadd.f32 v7, v8  }
0x23b: {  	v4 =	vmul.f32 v9, v4;
	v63 =	vadd.f32 v14, v61;
	v10 =	vmul.f32 v10, v12;
	_ =	sdelay $0x1  }
0x23c: {  	v4 =	vadd.f32 v4, v7;
	v6 =	vmul.f32 v63, v6;
	v5 =	vadd.f32 v10, v5;
	_ =	sdelay $0x1  }
0x23d: {  	v4 =	vadd.f32 v6, v4;
	v5 =	vmul.f32 v5, v62;
	_ =	sdelay $0x1  }
0x23e: {  	v4 =	vadd.f32 v5, v4;
	_ =	sdelay $0x1  }
0x23f: {  	s4 =	sadd.s32 s4, s2;
	s31 =	simm.s32 $0x2100;
	[tilespmem:$0x2100] =	vst v4  }
0x240: {  	[spmem:s4] =	stream.linear.scatter [tilespmem:s31], [sflag:$0x1], $0x80, $0x38;
	[tilespmem:$0x2C00] =	vst v63  }
0x241: {  	s4 =	simm.s32 $0x1  }
0x242: {  	_ =	swait.ge [sflag:s4], $0x80  }
0x243: {  	[sflag:s4] =	ssyncset.done $0x0  }
0x244: {  	[sflag:s4] =	ssyncadd.s32 $0xFFFFFF80  }
0x245: {  	p0 =	sne.s32 s3, $0x0;
	[bflag:$0x0] =	sbarrier.arrive $0xFFFF  }
0x246: {  	_ =	sfence.sel @p0 $0x180000  }
0x247: {  	[bflag:$0x0] =	sbarrier.arrive @p0 $0xFFFF  }
0x248: {  	_ =	strace @p0 $0x90000047  }
0x249: {  	[bflag:$0x2] =	sbarrier.arrive @p0 $0xFFFF  }
0x24a: {  	_ =	shalt @p0  }
.LBB2_5:
0x24b: {  	v4 =	vand.u32 $0x7FFFFF, v3  }
0x24c: {  	v4 =	vor.u32 $0x3F800000, v4  }
0x24d: {  	v5 =	vmul.f32 $5.000000000e-01, v4  }
0x24e: {  	v6 =	vand.u32 $0x7FFFFF, v1;
	vm7 =	vgt.f32 v4, $1.414213540e+00  }
0x24f: {  	v16 =	vor.u32 $0x3F800000, v6;
	v4 =	vsel vm7, v5, v4  }
0x250: {  	v17 =	vand.u32 $0x7FFFFF, v2;
	v7 =	vmul.f32 $5.000000000e-01, v16;
	v5 =	vadd.f32 $1.000000000e+00, v4  }
0x251: {  	v6 =	vor.u32 $0x3F800000, v17;
	vm8 =	vgt.f32 v16, $1.414213540e+00  }
0x252: {  	v8 =	vmul.f32 $5.000000000e-01, v6;
	(erf) = vrcp.f32 v5;
	v5 =	vsel vm8, v7, v16  }
0x253: {  	vm6 =	vgt.f32 v6, $1.414213540e+00;
	v7 =	vadd.f32 $1.000000000e+00, v5  }
0x254: {  	v18 =	vand.u32 $0x7FFFFF, v0;
	v6 =	vsel vm6, v8, v6  }
0x255: {  	v8 =	vadd.f32 $1.000000000e+00, v6;
	(erf) = vrcp.f32 v7;
	v7 =	vor.u32 $0x3F800000, v18  }
0x256: {  	v19 =	vmul.f32 $5.000000000e-01, v7  }
0x257: {  	(erf) = vrcp.f32 v8;
	vm5 =	vgt.f32 v7, $1.414213540e+00  }
0x258: {  	v7 =	vsel vm5, v19, v7  }
0x259: {  	v8 =	vadd.f32 $1.000000000e+00, v7  }
0x25a: {  	v4 =	vadd.f32 $-1.000000000e+00, v4  }
0x25b: {  	v9 =	vpop (erf);
	(erf) = vrcp.f32 v8  }
0x25c: {  	v4 =	vmul.f32 v9, v4;
	_ =	sdelay $0x1  }
0x25d: {  	v5 =	vadd.f32 $-1.000000000e+00, v5;
	v9 =	vmul.f32 v4, v4  }
0x25e: {  	v21 =	vshra.s32 v3, $0x17;
	v6 =	vadd.f32 $-1.000000000e+00, v6;
	v10 =	vpop (erf)  }
0x25f: {  	v22 =	vimm.f32 $0.0e+00;
	v11 =	vpop (erf);
	v5 =	vmul.f32 v10, v5;
	v20 =	vmul.f32 $1.111111120e-01, v9  }
0x260: {  	v30 =	vshra.s32 v1, $0x17;
	v33 =	vshra.s32 v2, $0x17;
	v6 =	vmul.f32 v11, v6  }
0x261: {  	v36 =	vshra.s32 v0, $0x17;
	v10 =	vmul.f32 v5, v5;
	v8 =	vadd.f32 $1.428571490e-01, v20  }
0x262: {  	v3 =	vadd.s32 $0xFFFFFF81, v21;
	v7 =	vadd.f32 $-1.000000000e+00, v7;
	v11 =	vmul.f32 v6, v6  }
0x263: {  	v1 =	vadd.s32 $0xFFFFFF81, v30;
	v12 =	vmul.f32 $1.111111120e-01, v10;
	v8 =	vmul.f32 v8, v9;
	v14 =	vpop (erf)  }
0x264: {  	v2 =	vadd.s32 $0xFFFFFF81, v33;
	v13 =	vmul.f32 $1.111111120e-01, v11;
	v7 =	vmul.f32 v14, v7  }
0x265: {  	v3 =	vcvt.s32.f32 v3;
	v12 =	vadd.f32 $1.428571490e-01, v12;
	v8 =	vadd.f32 $2.000000030e-01, v8  }
0x266: {  	v1 =	vcvt.s32.f32 v1;
	v13 =	vadd.f32 $1.428571490e-01, v13;
	v15 =	vmul.f32 v7, v7  }
0x267: {  	v0 =	vadd.s32 $0xFFFFFF81, v36;
	v12 =	vmul.f32 v12, v10;
	v8 =	vmul.f32 v8, v9  }
0x268: {  	v39 =	vsel vm0, $0x3F800000, v22;
	v13 =	vmul.f32 v13, v11;
	v25 =	vmul.f32 $1.111111120e-01, v15  }
0x269: {  	v2 =	vcvt.s32.f32 v2;
	v23 =	vadd.f32 $2.000000030e-01, v12;
	v8 =	vadd.f32 $3.333333430e-01, v8  }
0x26a: {  	v26 =	vsel vm8, $0x3F800000, v22;
	v24 =	vadd.f32 $2.000000030e-01, v13;
	v13 =	vadd.f32 $1.428571490e-01, v25  }
0x26b: {  	v1 =	vadd.f32 v1, v26;
	v16 =	vsel vm7, $0x3F800000, v22;
	v8 =	vmul.f32 v8, v9  }
0x26c: {  	v3 =	vadd.f32 v3, v16;
	v9 =	vmul.f32 v23, v10;
	v13 =	vmul.f32 v13, v15  }
0x26d: {  	v28 =	vsel vm6, $0x3F800000, v22;
	v4 =	vadd.f32 v4, v4;
	v8 =	vadd.f32 $1.000000000e+00, v8  }
0x26e: {  	v12 =	vmul.f32 v24, v11;
	v27 =	vadd.f32 $3.333333430e-01, v9;
	v32 =	vadd.f32 $2.000000030e-01, v13  }
0x26f: {  	v2 =	vadd.f32 v2, v28;
	v3 =	vmul.f32 $6.931471820e-01, v3;
	v4 =	vmul.f32 v8, v4  }
0x270: {  	v12 =	vadd.f32 $3.333333430e-01, v12;
	v29 =	vmul.f32 v27, v10;
	v10 =	vmul.f32 v32, v15  }
0x271: {  	v0 =	vcvt.s32.f32 v0;
	v5 =	vadd.f32 v5, v5;
	v3 =	vadd.f32 v4, v3  }
0x272: {  	v31 =	vmul.f32 v12, v11;
	v4 =	vadd.f32 $1.000000000e+00, v29;
	v35 =	vadd.f32 $3.333333430e-01, v10  }
0x273: {  	v1 =	vmul.f32 $6.931471820e-01, v1;
	v38 =	vsel vm5, $0x3F800000, v22;
	v6 =	vadd.f32 v6, v6  }
0x274: {  	v34 =	vadd.f32 $1.000000000e+00, v31;
	v4 =	vmul.f32 v4, v5;
	v37 =	vmul.f32 v35, v15  }
0x275: {  	v2 =	vmul.f32 $6.931471820e-01, v2;
	v0 =	vadd.f32 v0, v38;
	v7 =	vadd.f32 v7, v7  }
0x276: {  	v5 =	vmul.f32 v34, v6;
	v1 =	vadd.f32 v4, v1;
	v6 =	vadd.f32 $1.000000000e+00, v37  }
0x277: {  	v41 =	vsel vm2, $0x3F800000, v22;
	v0 =	vmul.f32 $6.931471820e-01, v0;
	v3 =	vsub.f32 $0.0e+00, v3  }
0x278: {  	v2 =	vadd.f32 v5, v2;
	v1 =	vsub.f32 $0.0e+00, v1;
	v40 =	vmul.f32 v6, v7  }
0x279: {  	vm15 =	vcmask $0x700;
	v4 =	vadd.f32 v41, v39;
	v3 =	vnsel vm0, $0x0, v3  }
0x27a: {  	v2 =	vsub.f32 $0.0e+00, v2;
	v1 =	vnsel vm2, $0x0, v1;
	v0 =	vadd.f32 v40, v0  }
0x27b: {  	v42 =	vsel vm1, $0x3F800000, v22;
	v43 =	vsel vm15, $0x3F800000, v22;
	v1 =	vadd.f32 v1, v3  }
0x27c: {  	v4 =	vadd.f32 v42, v4;
	v2 =	vnsel vm1, $0x0, v2;
	v0 =	vsub.f32 $0.0e+00, v0  }
0x27d: {  	v3 =	vnsel vm3, $0x0, v43;
	v1 =	vadd.f32 v2, v1  }
0x27e: {  	v44 =	vadd.f32 v3, v4;
	v0 =	vnsel vm4, $0x0, v0  }
0x27f: {  	v0 =	vadd.f32 v0, v1  }
0x280: {  	(xrf2) =	vadd.scan.msk.f32 $0xffff, v44  }
0x281: {  	(xrf2) =	vadd.scan.msk.f32 $0xffff, v0;
	_ =	sdelay $0x8  }
0x282: {  	v45, _, _ =	vpop (xrf2)  }
0x283: {  	(v2sf) =	vpush v45, $0xF;
	v46, _, _ =	vpop (xrf2)  }
0x284: {  	(v2sf) =	vpush v46, $0xF;
	_ =	sdelay $0xb  }
0x285: {  	s6 =	simm.s32 $0x2180  }
0x286: {  	[tilespmem:s6], [sflag:$0x1] =	stream.linear.gather [spmem:s2], $0x800, $0x38;
	[tilespmem:$0x2C00] =	vst v63  }
0x287: {  	s3 =	spop (v2sf)  }
0x288: {  	s5 =	spop (v2sf)  }
0x289: {  	_ =	swait.ge [sflag:s4], $0x800  }
0x28a: {  	[sflag:s4] =	ssyncset.done $0x0  }
0x28b: {  	[sflag:s4] =	ssyncadd.s32 $0xFFFFF800  }
0x28c: {  	v47 =	vld [tilespmem:$0x2180];
	_ =	sdelay $0x1  }
0x28d: {  	v48 =	vld [tilespmem:$0x2200];
	_ =	sdelay $0x1  }
0x28e: {  	v49 =	vld [tilespmem:$0x2280]  }
0x28f: {  	v0 =	vadd.f32 $0.0e+00, v47  }
0x290: {  	v50 =	vld [tilespmem:$0x2300]  }
0x291: {  	v0 =	vadd.f32 v48, v0  }
0x292: {  	v51 =	vld [tilespmem:$0x2380]  }
0x293: {  	v0 =	vadd.f32 v49, v0  }
0x294: {  	v52 =	vld [tilespmem:$0x2400]  }
0x295: {  	v0 =	vadd.f32 v50, v0  }
0x296: {  	v53 =	vld [tilespmem:$0x2480]  }
0x297: {  	v0 =	vadd.f32 v51, v0  }
0x298: {  	v54 =	vld [tilespmem:$0x2500]  }
0x299: {  	v0 =	vadd.f32 v52, v0  }
0x29a: {  	v55 =	vld [tilespmem:$0x2580]  }
0x29b: {  	v0 =	vadd.f32 v53, v0  }
0x29c: {  	v56 =	vld [tilespmem:$0x2600]  }
0x29d: {  	v0 =	vadd.f32 v54, v0  }
0x29e: {  	v57 =	vld [tilespmem:$0x2680]  }
0x29f: {  	v0 =	vadd.f32 v55, v0  }
0x2a0: {  	v58 =	vld [tilespmem:$0x2700]  }
0x2a1: {  	v0 =	vadd.f32 v56, v0  }
0x2a2: {  	v59 =	vld [tilespmem:$0x2780]  }
0x2a3: {  	v0 =	vadd.f32 v57, v0  }
0x2a4: {  	v60 =	vld [tilespmem:$0x2800]  }
0x2a5: {  	v0 =	vadd.f32 v58, v0  }
0x2a6: {  	v61 =	vld [tilespmem:$0x2880]  }
0x2a7: {  	v0 =	vadd.f32 v59, v0  }
0x2a8: {  	v62 =	vld [tilespmem:$0x2900]  }
0x2a9: {  	v0 =	vadd.f32 v60, v0;
	_ =	sdelay $0x1  }
0x2aa: {  	v0 =	vadd.f32 v61, v0;
	_ =	sdelay $0x1  }
0x2ab: {  	v0 =	vadd.f32 v62, v0;
	_ =	sdelay $0x1  }
0x2ac: {  	(xrf2) =	vadd.scan.msk.f32 $0xffff, v0;
	_ =	sdelay $0x9  }
0x2ad: {  	v0, _, _ =	vpop (xrf2)  }
0x2ae: {  	(v2sf) =	vpush v0, $0xF;
	_ =	sdelay $0x5  }
0x2af: {  	s28 =	smax.f32 s3, $1.000000000e+00  }
0x2b0: {  	v63 =	vmov s28  }
0x2b1: {  	(erf) = vrcp.f32 v63;
	_ =	sdelay $0x6  }
0x2b2: {  	s29 =	spop (v2sf)  }
0x2b3: {  	s2 =	ssub.f32 s5, s29  }
0x2b4: {  	v0 =	vpop (erf)  }
0x2b5: {  	v0 =	vmul.f32 s2, v0;
	_ =	sdelay $0x1  }
0x2b6: {  	s30 =	simm.s32 $0x0;
	s31 =	simm.s32 $0x2A80;
	[tilespmem:$0x2A80] =	vst v0  }
0x2b7: {  	[hbm4b:s1+s30] =	stream.linear.scatter [tilespmem:s31], [sflag:$0x1], $0x80, $0x38;
	[tilespmem:$0x2C00] =	vst v63  }
0x2b8: {  	_ =	swait.ge [sflag:s4], $0x80  }
0x2b9: {  	[sflag:s4] =	ssyncset.done $0x0  }
0x2ba: {  	[sflag:s4] =	ssyncadd.s32 $0xFFFFFF80  }
0x2bb: {  	_ =	sfence.sel $0x180000  }
0x2bc: {  	[bflag:$0x0] =	sbarrier.arrive $0xFFFF  }
0x2bd: {  	_ =	strace $0x90000047  }
0x2be: {  	s0 =	sadd.s32 $0x100000, s0;
	[bflag:$0x2] =	sbarrier.arrive $0xFFFF  }
0x2bf: {  	[sflag:s0] =	ssyncadd.tile.s32 $0x1;
	_ =	shalt  }
.Lfunc_end2:
_tile_overlayer_lowered:
.L_overlay_start_2:
0x2c0: {  	(tag) =	ssettag $0x2  }
0x2c1: {  	s0 =	rddreg [dreg:$0x0];
	s2 =	stileid.u32  }
0x2c2: {  	s1 =	rddreg [dreg:$0x1];
	p0 =	sne.s32 s2, $0x0  }
0x2c3: {  	s3 =	rddreg [dreg:$0x2];
	[bflag:$0x3] =	sbarrier.arrive $0xFFFF;
	s2 =	simm.s32 @!p0 $0x1C01  }
0x2c4: {  	[timem:s3], [sflag:s2] =	dma.local @!p0 [hbm:s0], s1  }
0x2c5: {  	s0 =	simm.s32 @!p0 $0x1  }
0x2c6: {  	_ =	swait.ge @!p0 [sflag:s0], s1  }
0x2c7: {  	s1 =	ssub.s32 @!p0 $0x0, s1;
	[sflag:s0] =	ssyncset.done @!p0 $0x0  }
0x2c8: {  	[sflag:s0] =	ssyncadd.s32 @!p0 s1  }
0x2c9: {  	[bflag:$0x3] =	sbarrier.arrive $0xFFFF  }
0x2ca: {  	_ =	shalt  }

</sc_bundles>
